<compile_context>
chip_gen: v7x
topology: tpu7x:2x2x1
jax: 0.10.2.dev20260603
libtpu: 0.0.44.dev20260713+nightly
codegen_flags: <defaults>
</compile_context>

<pallas_src>
import functools
import math

import jax
import jax.numpy as jnp
from jax import lax
from jax.experimental import pallas as pl
from jax.experimental.pallas import tpu as pltpu
from jax.experimental.pallas import tpu_sc as plsc

D_MODEL = 256
CARD_START, CARD_END = 1, 8
NCARD = CARD_END - CARD_START
NC, NS, L = 2, 16, 16
NW = NC * NS
CHUNK = 64
ZERO_ROW = 208


def _table_body(rank_ref, suit_ref, street_ref, out_ref):
    i = lax.broadcasted_iota(jnp.int32, (256, 1), 0)
    oh_r = (i // 16 == lax.broadcasted_iota(jnp.int32, (256, 16), 1)).astype(jnp.float32)
    oh_s = ((i // 4) % 4 == lax.broadcasted_iota(jnp.int32, (256, 8), 1)).astype(jnp.float32)
    oh_t = (i % 4 == lax.broadcasted_iota(jnp.int32, (256, 8), 1)).astype(jnp.float32)
    hi = jax.lax.Precision.HIGHEST
    acc = jnp.dot(oh_r, rank_ref[...], preferred_element_type=jnp.float32, precision=hi)
    acc += jnp.dot(oh_s, suit_ref[...], preferred_element_type=jnp.float32, precision=hi)
    acc += jnp.dot(oh_t, street_ref[...], preferred_element_type=jnp.float32, precision=hi)
    out_ref[...] = jnp.where(i < ZERO_ROW, acc, 0.0)


def _build_table(rank_emb, suit_emb, street_emb):
    rank_p = jnp.pad(rank_emb, ((0, 3), (0, 0)))
    suit_p = jnp.pad(suit_emb, ((0, 4), (0, 0)))
    street_p = jnp.pad(street_emb, ((0, 4), (0, 0)))
    return pl.pallas_call(
        _table_body,
        out_shape=jax.ShapeDtypeStruct((256, D_MODEL), jnp.float32),
    )(rank_p, suit_p, street_p)


NBUF = 6
AHEAD = 3


def _sc_body(nchunks, row0, tok_hbm, st_hbm, r_hbm, s_hbm, table_hbm, out_hbm,
             tok_v, st_v, r_v, s_v, fidx_v, rows_v, gat_sem, wr_sem):
    wid = lax.axis_index("s") * NC + lax.axis_index("c")
    n = nchunks * CHUNK
    slab = row0 + wid * n

    sl_all = pl.ds(wid * n, n)
    pltpu.sync_copy(tok_hbm.at[sl_all], tok_v)
    pltpu.sync_copy(st_hbm.at[sl_all], st_v)
    pltpu.sync_copy(r_hbm.at[sl_all], r_v)
    pltpu.sync_copy(s_hbm.at[sl_all], s_v)

    def fuse(i, _):
        vsl = pl.ds(i * L, L)
        f = r_v[vsl] * 16 + s_v[vsl] * 4 + st_v[vsl]
        fidx_v[vsl] = jnp.where(tok_v[vsl] >= 0, f, ZERO_ROW)
        return 0

    lax.fori_loop(0, n // L, fuse, 0)

    def gather_desc(c, slot):
        return pltpu.make_async_copy(
            table_hbm.at[fidx_v.at[pl.ds(c * CHUNK, CHUNK)]],
            rows_v.at[slot], gat_sem.at[slot])

    def write_desc(c, slot):
        return pltpu.make_async_copy(
            rows_v.at[slot], out_hbm.at[pl.ds(slab + c * CHUNK, CHUNK)],
            wr_sem.at[slot])

    for c in range(AHEAD):
        gather_desc(c, c % NBUF).start()
    for c in range(AHEAD):
        gather_desc(c, c % NBUF).wait()
        write_desc(c, c % NBUF).start()
        gather_desc(c + AHEAD, (c + AHEAD) % NBUF).start()

    def body(c, _):
        slot = lax.rem(c, NBUF)
        gather_desc(c, slot).wait()
        write_desc(c, slot).start()
        write_desc(c - AHEAD, lax.rem(c - AHEAD, NBUF)).wait()
        gather_desc(c + AHEAD, lax.rem(c + AHEAD, NBUF)).start()
        return 0

    lax.fori_loop(AHEAD, nchunks - AHEAD, body, 0)

    for c in range(nchunks - AHEAD, nchunks):
        gather_desc(c, c % NBUF).wait()
        write_desc(c, c % NBUF).start()
    for c in range(nchunks - 2 * AHEAD, nchunks):
        write_desc(c, c % NBUF).wait()


TC_ROWS = 4096
EMB_K = 32
SC_FRAC_NUM, SC_FRAC_DEN = 1, 8


def _tc_main_body(tok_ref, st_ref, r_ref, s_ref, emb_ref, buf_ref, out_ref):
    del buf_ref
    j = lax.broadcasted_iota(jnp.int32, (EMB_K, 128), 0)
    for q in range(TC_ROWS // 128):
        qs = pl.ds(q, 1)
        cond = (((j == r_ref[0, qs, :]) | (j == s_ref[0, qs, :] + 16)
                 | (j == st_ref[0, qs, :] + 24))
                & (tok_ref[0, qs, :] >= 0))
        oh = jnp.where(cond, 1.0, 0.0).astype(jnp.bfloat16)
        oh3 = jnp.concatenate([oh, oh, oh], axis=0)
        out_ref[pl.ds(q * 128, 128), :] = lax.dot_general(
            oh3, emb_ref[...], dimension_numbers=(((0,), (0,)), ((), ())),
            preferred_element_type=jnp.float32)


def kernel(token_ids, card_streets, card_ranks, card_suits,
           rank_emb, suit_emb, street_emb):
    B = token_ids.shape[0]
    n_rows = B * NCARD
    n_sc = n_rows * SC_FRAC_NUM // SC_FRAC_DEN
    n_sc -= n_sc % (NW * CHUNK * TC_ROWS // math.gcd(NW * CHUNK, TC_ROWS))
    n_tc = n_rows - n_sc
    assert n_tc % TC_ROWS == 0 and n_sc % (NW * CHUNK) == 0
    nchunks = n_sc // (NW * CHUNK)

    tok7 = token_ids[:, CARD_START:CARD_END].T.reshape(-1).astype(jnp.int32)
    st7 = card_streets[:, CARD_START:CARD_END].T.reshape(-1).astype(jnp.int32)
    r7 = card_ranks[:, CARD_START:CARD_END].T.reshape(-1).astype(jnp.int32)
    s7 = card_suits[:, CARD_START:CARD_END].T.reshape(-1).astype(jnp.int32)

    assert n_sc <= B
    b0 = B - n_sc
    tokS = token_ids[b0:, CARD_END - 1].astype(jnp.int32)
    stS = card_streets[b0:, CARD_END - 1].astype(jnp.int32)
    rS = card_ranks[b0:, CARD_END - 1].astype(jnp.int32)
    sS = card_suits[b0:, CARD_END - 1].astype(jnp.int32)

    ctable = _build_table(rank_emb, suit_emb, street_emb)

    sc = pl.kernel(
        functools.partial(_sc_body, nchunks, n_tc),
        out_type=jax.ShapeDtypeStruct((n_rows, D_MODEL), jnp.float32),
        mesh=plsc.VectorSubcoreMesh(core_axis_name="c", subcore_axis_name="s"),
        scratch_types=[
            pltpu.VMEM((nchunks * CHUNK,), jnp.int32),
            pltpu.VMEM((nchunks * CHUNK,), jnp.int32),
            pltpu.VMEM((nchunks * CHUNK,), jnp.int32),
            pltpu.VMEM((nchunks * CHUNK,), jnp.int32),
            pltpu.VMEM((nchunks * CHUNK,), jnp.int32),
            pltpu.VMEM((NBUF, CHUNK, D_MODEL), jnp.float32),
            pltpu.SemaphoreType.DMA((NBUF,)),
            pltpu.SemaphoreType.DMA((NBUF,)),
        ],
    )
    y = sc(tokS, stS, rS, sS, ctable)

    nblk = n_tc // TC_ROWS
    blk3 = lambda a: a[:n_tc].reshape(nblk, TC_ROWS // 128, 128)
    stacked = jnp.concatenate([
        jnp.pad(rank_emb, ((0, 3), (0, 0))),
        jnp.pad(suit_emb, ((0, 4), (0, 0))),
        jnp.pad(street_emb, ((0, EMB_K - 28), (0, 0))),
    ], axis=0)
    def trunc16(x):
        u = lax.bitcast_convert_type(x, jnp.uint32)
        return lax.bitcast_convert_type(u & jnp.uint32(0xFFFF0000), jnp.float32)
    e1f = trunc16(stacked)
    r1 = stacked - e1f
    e2f = trunc16(r1)
    r2 = r1 - e2f
    e123 = jnp.concatenate([e1f.astype(jnp.bfloat16),
                            e2f.astype(jnp.bfloat16),
                            r2.astype(jnp.bfloat16)], axis=0)
    idx_spec = pl.BlockSpec((1, TC_ROWS // 128, 128), lambda i: (i, 0, 0))
    y = pl.pallas_call(
        _tc_main_body,
        grid=(nblk,),
        in_specs=[idx_spec, idx_spec, idx_spec, idx_spec,
                  pl.BlockSpec((3 * EMB_K, D_MODEL), lambda i: (0, 0)),
                  pl.BlockSpec(memory_space=pl.ANY)],
        out_specs=pl.BlockSpec((TC_ROWS, D_MODEL), lambda i: (i, 0)),
        out_shape=jax.ShapeDtypeStruct((n_rows, D_MODEL), jnp.float32),
        input_output_aliases={5: 0},
    )(blk3(tok7), blk3(st7), blk3(r7), blk3(s7), e123, y)

    return jnp.transpose(y.reshape(NCARD, B, D_MODEL), (1, 0, 2))

# --- scband reference (transcript-rebuilt; emitter-appended) ---
"""Pipeline reference for scband-card-embedding-21483426414992 (READ-ONLY COPY).

The authoritative reference and input builder live on the scoring server;
editing this copy changes nothing except your own understanding.
"""

import jax, jax.numpy as jnp
import numpy as np

# Constants from TransformerStateEncoder: cards occupy token slots [1, 8) (CLS at 0, 2 hole + 5 board cards)
CARD_START = 1
CARD_END = 8
D_MODEL = 256


def setup_inputs(seed: int = 0) -> dict:
    key = jax.random.key(seed)
    k1, k2, k3, k4, k5, k6, k7 = jax.random.split(key, 7)
    B, S = 16384, 64
    token_ids = jax.random.randint(k1, (B, S), 0, 53, dtype=jnp.int64) if jax.config.jax_enable_x64 else jax.random.randint(k1, (B, S), 0, 53, dtype=jnp.int32)
    card_streets = jax.random.randint(k2, (B, S), 0, 4, dtype=token_ids.dtype)
    card_ranks = jax.random.randint(k3, (B, S), 0, 13, dtype=token_ids.dtype)
    card_suits = jax.random.randint(k4, (B, S), 0, 4, dtype=token_ids.dtype)
    rank_emb = jax.random.normal(k5, (13, D_MODEL), dtype=jnp.float32)
    suit_emb = jax.random.normal(k6, (4, D_MODEL), dtype=jnp.float32)
    street_emb = jax.random.normal(k7, (4, D_MODEL), dtype=jnp.float32)
    return {
        "token_ids": token_ids,
        "card_streets": card_streets,
        "card_ranks": card_ranks,
        "card_suits": card_suits,
        "rank_emb": rank_emb,
        "suit_emb": suit_emb,
        "street_emb": street_emb,
    }


def reference(token_ids, card_streets, card_ranks, card_suits, rank_emb, suit_emb, street_emb):
    # Slice card token positions
    card_ranks_slice = card_ranks[:, CARD_START:CARD_END]
    card_suits_slice = card_suits[:, CARD_START:CARD_END]
    card_streets_slice = card_streets[:, CARD_START:CARD_END]
    valid_mask = token_ids[:, CARD_START:CARD_END] >= 0
    # Embedding gathers (SparseCore-friendly jnp.take semantics)
    r = jnp.take(rank_emb, card_ranks_slice, axis=0)
    s = jnp.take(suit_emb, card_suits_slice, axis=0)
    st = jnp.take(street_emb, card_streets_slice, axis=0)
    combined = r + s + st
    # Scatter-equivalent: invalid positions remain zero
    out = jnp.where(valid_mask[..., None], combined, jnp.zeros_like(combined))
    return out

if __name__ == "__main__":
    import jax
    _d = setup_inputs()
    print(jax.jit(kernel)(*tuple(_d.values())))

</pallas_src>

<mosaic_0001>
#map = affine_map<(d0, d1) -> (0)>
#map1 = affine_map<(d0, d1) -> (0, 0)>
module attributes {stable_mosaic.version = 14 : i64} {
  func.func @_sc_body(%arg0: i32, %arg1: i32, %arg2: memref<12288xi32, #tpu.memory_space<hbm>>, %arg3: memref<12288xi32, #tpu.memory_space<hbm>>, %arg4: memref<12288xi32, #tpu.memory_space<hbm>>, %arg5: memref<12288xi32, #tpu.memory_space<hbm>>, %arg6: memref<256x256xf32, #tpu.memory_space<hbm>>, %arg7: memref<114688x256xf32, #tpu.memory_space<hbm>>, %arg8: memref<384xi32, #tpu.memory_space<vmem>>, %arg9: memref<384xi32, #tpu.memory_space<vmem>>, %arg10: memref<384xi32, #tpu.memory_space<vmem>>, %arg11: memref<384xi32, #tpu.memory_space<vmem>>, %arg12: memref<384xi32, #tpu.memory_space<vmem>>, %arg13: memref<6x64x256xf32, #tpu.memory_space<vmem>>, %arg14: memref<6x!tpu.dma_semaphore, #tpu.memory_space<semaphore_mem>>, %arg15: memref<6x!tpu.dma_semaphore, #tpu.memory_space<semaphore_mem>>) attributes {dimension_semantics = [#tpu.dimension_semantics<core_parallel>, #tpu.dimension_semantics<subcore_parallel>], iteration_bounds = array<i64: 2, 16>, scalar_prefetch = 0 : i64, scratch_operands = 8 : i64, tpu.core_type = #tpu.core_type<sc_vector_subcore>, window_params = [{transform_indices = #map}, {transform_indices = #map}, {transform_indices = #map}, {transform_indices = #map}, {transform_indices = #map1}, {transform_indices = #map1}]} {
    %mul3A = arith.constant 2 : i32
    %mul3A_0 = arith.muli %arg1, %mul3A : i32
    %add3A = arith.addi %mul3A_0, %arg0 : i32
    %mul3A_1 = arith.constant 384 : i32
    %mul3A_2 = arith.muli %add3A, %mul3A_1 : i32
    %add3A_3 = arith.constant 102400 : i32
    %add3A_4 = arith.addi %add3A_3, %mul3A_2 : i32
    %mul3A_5 = arith.constant 384 : i32
    %mul3A_6 = arith.muli %add3A, %mul3A_5 : i32
    "tpu.region"() ({
      %run_scoped3A = tpu.sem_alloc : memref<!tpu.dma_semaphore, #tpu.memory_space<semaphore_mem>>
      %dma_start3A_388 = tpu.memref_slice %arg2[%mul3A_6] : memref<12288xi32, #tpu.memory_space<hbm>> -> memref<384xi32, #tpu.memory_space<hbm>>
      %dma_start3A_389 = tpu.memref_slice %arg2[%mul3A_6] : memref<12288xi32, #tpu.memory_space<hbm>> -> memref<384xi32, #tpu.memory_space<hbm>>
      tpu.enqueue_dma source(%dma_start3A_389 : memref<384xi32, #tpu.memory_space<hbm>>) target(%arg8 : memref<384xi32, #tpu.memory_space<vmem>>) target_semaphore(%run_scoped3A : memref<!tpu.dma_semaphore, #tpu.memory_space<semaphore_mem>>)
      %dma_wait3A_390 = tpu.memref_slice %arg2[%mul3A_6] : memref<12288xi32, #tpu.memory_space<hbm>> -> memref<384xi32, #tpu.memory_space<hbm>>
      %dma_wait3A_391 = tpu.memref_slice %arg2[%mul3A_6] : memref<12288xi32, #tpu.memory_space<hbm>> -> memref<384xi32, #tpu.memory_space<hbm>>
      tpu.wait_dma2 semaphore(%run_scoped3A : memref<!tpu.dma_semaphore, #tpu.memory_space<semaphore_mem>>) src(%dma_wait3A_391 : memref<384xi32, #tpu.memory_space<hbm>>) dst(%arg8 : memref<384xi32, #tpu.memory_space<vmem>>)
      tpu.yield
    }) : () -> ()
    "tpu.region"() ({
      %run_scoped3A = tpu.sem_alloc : memref<!tpu.dma_semaphore, #tpu.memory_space<semaphore_mem>>
      %dma_start3A_388 = tpu.memref_slice %arg3[%mul3A_6] : memref<12288xi32, #tpu.memory_space<hbm>> -> memref<384xi32, #tpu.memory_space<hbm>>
      %dma_start3A_389 = tpu.memref_slice %arg3[%mul3A_6] : memref<12288xi32, #tpu.memory_space<hbm>> -> memref<384xi32, #tpu.memory_space<hbm>>
      tpu.enqueue_dma source(%dma_start3A_389 : memref<384xi32, #tpu.memory_space<hbm>>) target(%arg9 : memref<384xi32, #tpu.memory_space<vmem>>) target_semaphore(%run_scoped3A : memref<!tpu.dma_semaphore, #tpu.memory_space<semaphore_mem>>)
      %dma_wait3A_390 = tpu.memref_slice %arg3[%mul3A_6] : memref<12288xi32, #tpu.memory_space<hbm>> -> memref<384xi32, #tpu.memory_space<hbm>>
      %dma_wait3A_391 = tpu.memref_slice %arg3[%mul3A_6] : memref<12288xi32, #tpu.memory_space<hbm>> -> memref<384xi32, #tpu.memory_space<hbm>>
      tpu.wait_dma2 semaphore(%run_scoped3A : memref<!tpu.dma_semaphore, #tpu.memory_space<semaphore_mem>>) src(%dma_wait3A_391 : memref<384xi32, #tpu.memory_space<hbm>>) dst(%arg9 : memref<384xi32, #tpu.memory_space<vmem>>)
      tpu.yield
    }) : () -> ()
    "tpu.region"() ({
      %run_scoped3A = tpu.sem_alloc : memref<!tpu.dma_semaphore, #tpu.memory_space<semaphore_mem>>
      %dma_start3A_388 = tpu.memref_slice %arg4[%mul3A_6] : memref<12288xi32, #tpu.memory_space<hbm>> -> memref<384xi32, #tpu.memory_space<hbm>>
      %dma_start3A_389 = tpu.memref_slice %arg4[%mul3A_6] : memref<12288xi32, #tpu.memory_space<hbm>> -> memref<384xi32, #tpu.memory_space<hbm>>
      tpu.enqueue_dma source(%dma_start3A_389 : memref<384xi32, #tpu.memory_space<hbm>>) target(%arg10 : memref<384xi32, #tpu.memory_space<vmem>>) target_semaphore(%run_scoped3A : memref<!tpu.dma_semaphore, #tpu.memory_space<semaphore_mem>>)
      %dma_wait3A_390 = tpu.memref_slice %arg4[%mul3A_6] : memref<12288xi32, #tpu.memory_space<hbm>> -> memref<384xi32, #tpu.memory_space<hbm>>
      %dma_wait3A_391 = tpu.memref_slice %arg4[%mul3A_6] : memref<12288xi32, #tpu.memory_space<hbm>> -> memref<384xi32, #tpu.memory_space<hbm>>
      tpu.wait_dma2 semaphore(%run_scoped3A : memref<!tpu.dma_semaphore, #tpu.memory_space<semaphore_mem>>) src(%dma_wait3A_391 : memref<384xi32, #tpu.memory_space<hbm>>) dst(%arg10 : memref<384xi32, #tpu.memory_space<vmem>>)
      tpu.yield
    }) : () -> ()
    "tpu.region"() ({
      %run_scoped3A = tpu.sem_alloc : memref<!tpu.dma_semaphore, #tpu.memory_space<semaphore_mem>>
      %dma_start3A_388 = tpu.memref_slice %arg5[%mul3A_6] : memref<12288xi32, #tpu.memory_space<hbm>> -> memref<384xi32, #tpu.memory_space<hbm>>
      %dma_start3A_389 = tpu.memref_slice %arg5[%mul3A_6] : memref<12288xi32, #tpu.memory_space<hbm>> -> memref<384xi32, #tpu.memory_space<hbm>>
      tpu.enqueue_dma source(%dma_start3A_389 : memref<384xi32, #tpu.memory_space<hbm>>) target(%arg11 : memref<384xi32, #tpu.memory_space<vmem>>) target_semaphore(%run_scoped3A : memref<!tpu.dma_semaphore, #tpu.memory_space<semaphore_mem>>)
      %dma_wait3A_390 = tpu.memref_slice %arg5[%mul3A_6] : memref<12288xi32, #tpu.memory_space<hbm>> -> memref<384xi32, #tpu.memory_space<hbm>>
      %dma_wait3A_391 = tpu.memref_slice %arg5[%mul3A_6] : memref<12288xi32, #tpu.memory_space<hbm>> -> memref<384xi32, #tpu.memory_space<hbm>>
      tpu.wait_dma2 semaphore(%run_scoped3A : memref<!tpu.dma_semaphore, #tpu.memory_space<semaphore_mem>>) src(%dma_wait3A_391 : memref<384xi32, #tpu.memory_space<hbm>>) dst(%arg11 : memref<384xi32, #tpu.memory_space<vmem>>)
      tpu.yield
    }) : () -> ()
    %scan3A = arith.constant 0 : i32
    %scan3A_7 = arith.constant 0 : i32
    %scan3A_8 = arith.constant 24 : i32
    %scan3A_9 = arith.addi %scan3A_7, %scan3A_8 : i32
    %scan3A_10 = arith.constant 1 : i32
    %scan3A_11 = scf.for %scan3A_388 = %scan3A_7 to %scan3A_9 step %scan3A_10 iter_args(%scan3A_389 = %scan3A) -> (i32)  : i32 {
      %mul3A_390 = arith.constant 16 : i32
      %mul3A_391 = arith.muli %scan3A_388, %mul3A_390 : i32
      %get3A = arith.index_cast %mul3A_391 : i32 to index
      %get3A_392 = tpu.vector_load %arg10[%get3A] {strides = array<i32>} : memref<384xi32, #tpu.memory_space<vmem>>, vector<16xi32>,
      %get3A_393 = vector.shape_cast %get3A_392 : vector<16xi32> to vector<16xi32>
      %mul3A_394 = arith.constant 16 : i32
      %mul3A_395 = vector.broadcast %mul3A_394 : i32 to vector<16xi32>
      %mul3A_396 = arith.muli %get3A_393, %mul3A_395 : vector<16xi32>
      %get3A_397 = arith.index_cast %mul3A_391 : i32 to index
      %get3A_398 = tpu.vector_load %arg11[%get3A_397] {strides = array<i32>} : memref<384xi32, #tpu.memory_space<vmem>>, vector<16xi32>,
      %get3A_399 = vector.shape_cast %get3A_398 : vector<16xi32> to vector<16xi32>
      %mul3A_400 = arith.constant 4 : i32
      %mul3A_401 = vector.broadcast %mul3A_400 : i32 to vector<16xi32>
      %mul3A_402 = arith.muli %get3A_399, %mul3A_401 : vector<16xi32>
      %add3A_403 = arith.addi %mul3A_396, %mul3A_402 : vector<16xi32>
      %get3A_404 = arith.index_cast %mul3A_391 : i32 to index
      %get3A_405 = tpu.vector_load %arg9[%get3A_404] {strides = array<i32>} : memref<384xi32, #tpu.memory_space<vmem>>, vector<16xi32>,
      %get3A_406 = vector.shape_cast %get3A_405 : vector<16xi32> to vector<16xi32>
      %add3A_407 = arith.addi %add3A_403, %get3A_406 : vector<16xi32>
      %get3A_408 = arith.index_cast %mul3A_391 : i32 to index
      %get3A_409 = tpu.vector_load %arg8[%get3A_408] {strides = array<i32>} : memref<384xi32, #tpu.memory_space<vmem>>, vector<16xi32>,
      %get3A_410 = vector.shape_cast %get3A_409 : vector<16xi32> to vector<16xi32>
      %ge3A = arith.constant 0 : i32
      %ge3A_411 = vector.broadcast %ge3A : i32 to vector<16xi32>
      %ge3A_412 = arith.cmpi sge, %get3A_410, %ge3A_411 : vector<16xi32>
      %jit3A = arith.constant 208 : i32
      %broadcast_in_dim3A = vector.broadcast %jit3A : i32 to vector<16xi32>
      %select_n3A = arith.select %ge3A_412, %add3A_407, %broadcast_in_dim3A : vector<16xi1>, vector<16xi32>
      %swap3A = arith.index_cast %mul3A_391 : i32 to index
      %swap3A_413 = tpu.vector_load %arg12[%swap3A] {strides = array<i32>} : memref<384xi32, #tpu.memory_space<vmem>>, vector<16xi32>,
      %swap3A_414 = vector.shape_cast %swap3A_413 : vector<16xi32> to vector<16xi32>
      %swap3A_415 = vector.shape_cast %select_n3A : vector<16xi32> to vector<16xi32>
      tpu.vector_store %arg12[%swap3A], %swap3A_415 {strides = array<i32>} : memref<384xi32, #tpu.memory_space<vmem>>, vector<16xi32>,
      %scan3A_416 = arith.constant 0 : i32
      scf.yield %scan3A_416 : i32
    }
    %scan3A_12 = arith.constant 24 : i32
    %dma_start3A = arith.constant 0 : i32
    %dma_start3A_13 = arith.constant 0 : i32
    %dma_start3A_14 = arith.constant 0 : i32
    %dma_start3A_15 = arith.constant 0 : i32
    %dma_start3A_16 = tpu.memref_slice %arg13[%dma_start3A, %dma_start3A_14, %dma_start3A_15] : memref<6x64x256xf32, #tpu.memory_space<vmem>> -> memref<1x64x256xf32, #tpu.memory_space<vmem>>
    %dma_start3A_17 = tpu.memref_squeeze %dma_start3A_16 : memref<1x64x256xf32, #tpu.memory_space<vmem>> -> memref<64x256xf32, #tpu.memory_space<vmem>>
    %dma_start3A_18 = arith.constant 0 : i32
    %dma_start3A_19 = tpu.memref_slice %arg12[%dma_start3A_18] : memref<384xi32, #tpu.memory_space<vmem>> -> memref<64xi32, #tpu.memory_space<vmem>>
    %dma_start3A_20 = arith.constant 0 : i32
    %dma_start3A_21 = arith.constant 0 : i32
    %dma_start3A_22 = tpu.memref_slice %arg6[%dma_start3A_20, %dma_start3A_21] : memref<256x256xf32, #tpu.memory_space<hbm>> -> memref<256x256xf32, #tpu.memory_space<hbm>>
    %dma_start3A_23 = tpu.memref_slice %arg14[%dma_start3A_13] : memref<6x!tpu.dma_semaphore, #tpu.memory_space<semaphore_mem>> -> memref<1x!tpu.dma_semaphore, #tpu.memory_space<semaphore_mem>>
    %dma_start3A_24 = tpu.memref_squeeze %dma_start3A_23 : memref<1x!tpu.dma_semaphore, #tpu.memory_space<semaphore_mem>> -> memref<!tpu.dma_semaphore, #tpu.memory_space<semaphore_mem>>
    tpu.enqueue_indirect_dma source(%dma_start3A_22 : memref<256x256xf32, #tpu.memory_space<hbm>>) target(%dma_start3A_17 : memref<64x256xf32, #tpu.memory_space<vmem>>) offsets(%dma_start3A_19 : memref<64xi32, #tpu.memory_space<vmem>>) semaphore(%dma_start3A_24 : memref<!tpu.dma_semaphore, #tpu.memory_space<semaphore_mem>>)
    %dma_start3A_25 = arith.constant 1 : i32
    %dma_start3A_26 = arith.constant 1 : i32
    %dma_start3A_27 = arith.constant 0 : i32
    %dma_start3A_28 = arith.constant 0 : i32
    %dma_start3A_29 = tpu.memref_slice %arg13[%dma_start3A_25, %dma_start3A_27, %dma_start3A_28] : memref<6x64x256xf32, #tpu.memory_space<vmem>> -> memref<1x64x256xf32, #tpu.memory_space<vmem>>
    %dma_start3A_30 = tpu.memref_squeeze %dma_start3A_29 : memref<1x64x256xf32, #tpu.memory_space<vmem>> -> memref<64x256xf32, #tpu.memory_space<vmem>>
    %dma_start3A_31 = arith.constant 64 : i32
    %dma_start3A_32 = tpu.memref_slice %arg12[%dma_start3A_31] : memref<384xi32, #tpu.memory_space<vmem>> -> memref<64xi32, #tpu.memory_space<vmem>>
    %dma_start3A_33 = arith.constant 0 : i32
    %dma_start3A_34 = arith.constant 0 : i32
    %dma_start3A_35 = tpu.memref_slice %arg6[%dma_start3A_33, %dma_start3A_34] : memref<256x256xf32, #tpu.memory_space<hbm>> -> memref<256x256xf32, #tpu.memory_space<hbm>>
    %dma_start3A_36 = tpu.memref_slice %arg14[%dma_start3A_26] : memref<6x!tpu.dma_semaphore, #tpu.memory_space<semaphore_mem>> -> memref<1x!tpu.dma_semaphore, #tpu.memory_space<semaphore_mem>>
    %dma_start3A_37 = tpu.memref_squeeze %dma_start3A_36 : memref<1x!tpu.dma_semaphore, #tpu.memory_space<semaphore_mem>> -> memref<!tpu.dma_semaphore, #tpu.memory_space<semaphore_mem>>
    tpu.enqueue_indirect_dma source(%dma_start3A_35 : memref<256x256xf32, #tpu.memory_space<hbm>>) target(%dma_start3A_30 : memref<64x256xf32, #tpu.memory_space<vmem>>) offsets(%dma_start3A_32 : memref<64xi32, #tpu.memory_space<vmem>>) semaphore(%dma_start3A_37 : memref<!tpu.dma_semaphore, #tpu.memory_space<semaphore_mem>>)
    %dma_start3A_38 = arith.constant 2 : i32
    %dma_start3A_39 = arith.constant 2 : i32
    %dma_start3A_40 = arith.constant 0 : i32
    %dma_start3A_41 = arith.constant 0 : i32
    %dma_start3A_42 = tpu.memref_slice %arg13[%dma_start3A_38, %dma_start3A_40, %dma_start3A_41] : memref<6x64x256xf32, #tpu.memory_space<vmem>> -> memref<1x64x256xf32, #tpu.memory_space<vmem>>
    %dma_start3A_43 = tpu.memref_squeeze %dma_start3A_42 : memref<1x64x256xf32, #tpu.memory_space<vmem>> -> memref<64x256xf32, #tpu.memory_space<vmem>>
    %dma_start3A_44 = arith.constant 128 : i32
    %dma_start3A_45 = tpu.memref_slice %arg12[%dma_start3A_44] : memref<384xi32, #tpu.memory_space<vmem>> -> memref<64xi32, #tpu.memory_space<vmem>>
    %dma_start3A_46 = arith.constant 0 : i32
    %dma_start3A_47 = arith.constant 0 : i32
    %dma_start3A_48 = tpu.memref_slice %arg6[%dma_start3A_46, %dma_start3A_47] : memref<256x256xf32, #tpu.memory_space<hbm>> -> memref<256x256xf32, #tpu.memory_space<hbm>>
    %dma_start3A_49 = tpu.memref_slice %arg14[%dma_start3A_39] : memref<6x!tpu.dma_semaphore, #tpu.memory_space<semaphore_mem>> -> memref<1x!tpu.dma_semaphore, #tpu.memory_space<semaphore_mem>>
    %dma_start3A_50 = tpu.memref_squeeze %dma_start3A_49 : memref<1x!tpu.dma_semaphore, #tpu.memory_space<semaphore_mem>> -> memref<!tpu.dma_semaphore, #tpu.memory_space<semaphore_mem>>
    tpu.enqueue_indirect_dma source(%dma_start3A_48 : memref<256x256xf32, #tpu.memory_space<hbm>>) target(%dma_start3A_43 : memref<64x256xf32, #tpu.memory_space<vmem>>) offsets(%dma_start3A_45 : memref<64xi32, #tpu.memory_space<vmem>>) semaphore(%dma_start3A_50 : memref<!tpu.dma_semaphore, #tpu.memory_space<semaphore_mem>>)
    %dma_wait3A = arith.constant 0 : i32
    %dma_wait3A_51 = arith.constant 0 : i32
    %dma_wait3A_52 = arith.constant 0 : i32
    %dma_wait3A_53 = arith.constant 0 : i32
    %dma_wait3A_54 = tpu.memref_slice %arg13[%dma_wait3A, %dma_wait3A_52, %dma_wait3A_53] : memref<6x64x256xf32, #tpu.memory_space<vmem>> -> memref<1x64x256xf32, #tpu.memory_space<vmem>>
    %dma_wait3A_55 = tpu.memref_squeeze %dma_wait3A_54 : memref<1x64x256xf32, #tpu.memory_space<vmem>> -> memref<64x256xf32, #tpu.memory_space<vmem>>
    %dma_wait3A_56 = arith.constant 0 : i32
    %dma_wait3A_57 = tpu.memref_slice %arg12[%dma_wait3A_56] : memref<384xi32, #tpu.memory_space<vmem>> -> memref<64xi32, #tpu.memory_space<vmem>>
    %dma_wait3A_58 = arith.constant 0 : i32
    %dma_wait3A_59 = arith.constant 0 : i32
    %dma_wait3A_60 = tpu.memref_slice %arg6[%dma_wait3A_58, %dma_wait3A_59] : memref<256x256xf32, #tpu.memory_space<hbm>> -> memref<256x256xf32, #tpu.memory_space<hbm>>
    %dma_wait3A_61 = tpu.memref_slice %arg14[%dma_wait3A_51] : memref<6x!tpu.dma_semaphore, #tpu.memory_space<semaphore_mem>> -> memref<1x!tpu.dma_semaphore, #tpu.memory_space<semaphore_mem>>
    %dma_wait3A_62 = tpu.memref_squeeze %dma_wait3A_61 : memref<1x!tpu.dma_semaphore, #tpu.memory_space<semaphore_mem>> -> memref<!tpu.dma_semaphore, #tpu.memory_space<semaphore_mem>>
    tpu.wait_indirect_dma semaphore(%dma_wait3A_62 : memref<!tpu.dma_semaphore, #tpu.memory_space<semaphore_mem>>) src(%dma_wait3A_60 : memref<256x256xf32, #tpu.memory_space<hbm>>) dst(%dma_wait3A_55 : memref<64x256xf32, #tpu.memory_space<vmem>>)
    %add3A_63 = arith.constant 0 : i32
    %add3A_64 = arith.addi %add3A_4, %add3A_63 : i32
    %dma_start3A_65 = arith.constant 0 : i32
    %dma_start3A_66 = arith.constant 0 : i32
    %dma_start3A_67 = arith.constant 0 : i32
    %dma_start3A_68 = arith.constant 0 : i32
    %dma_start3A_69 = tpu.memref_slice %arg13[%dma_start3A_65, %dma_start3A_67, %dma_start3A_68] : memref<6x64x256xf32, #tpu.memory_space<vmem>> -> memref<1x64x256xf32, #tpu.memory_space<vmem>>
    %dma_start3A_70 = tpu.memref_squeeze %dma_start3A_69 : memref<1x64x256xf32, #tpu.memory_space<vmem>> -> memref<64x256xf32, #tpu.memory_space<vmem>>
    %dma_start3A_71 = arith.constant 0 : i32
    %dma_start3A_72 = tpu.memref_slice %arg7[%add3A_64, %dma_start3A_71] : memref<114688x256xf32, #tpu.memory_space<hbm>> -> memref<64x256xf32, #tpu.memory_space<hbm>>
    %dma_start3A_73 = tpu.memref_slice %arg15[%dma_start3A_66] : memref<6x!tpu.dma_semaphore, #tpu.memory_space<semaphore_mem>> -> memref<1x!tpu.dma_semaphore, #tpu.memory_space<semaphore_mem>>
    %dma_start3A_74 = tpu.memref_squeeze %dma_start3A_73 : memref<1x!tpu.dma_semaphore, #tpu.memory_space<semaphore_mem>> -> memref<!tpu.dma_semaphore, #tpu.memory_space<semaphore_mem>>
    %dma_start3A_75 = arith.constant 0 : i32
    %dma_start3A_76 = tpu.memref_slice %arg7[%add3A_64, %dma_start3A_75] : memref<114688x256xf32, #tpu.memory_space<hbm>> -> memref<64x256xf32, #tpu.memory_space<hbm>>
    %dma_start3A_77 = arith.constant 0 : i32
    %dma_start3A_78 = arith.constant 0 : i32
    %dma_start3A_79 = tpu.memref_slice %arg13[%dma_start3A_65, %dma_start3A_77, %dma_start3A_78] : memref<6x64x256xf32, #tpu.memory_space<vmem>> -> memref<1x64x256xf32, #tpu.memory_space<vmem>>
    %dma_start3A_80 = tpu.memref_squeeze %dma_start3A_79 : memref<1x64x256xf32, #tpu.memory_space<vmem>> -> memref<64x256xf32, #tpu.memory_space<vmem>>
    tpu.enqueue_dma source(%dma_start3A_80 : memref<64x256xf32, #tpu.memory_space<vmem>>) target(%dma_start3A_76 : memref<64x256xf32, #tpu.memory_space<hbm>>) target_semaphore(%dma_start3A_74 : memref<!tpu.dma_semaphore, #tpu.memory_space<semaphore_mem>>)
    %dma_start3A_81 = arith.constant 3 : i32
    %dma_start3A_82 = arith.constant 3 : i32
    %dma_start3A_83 = arith.constant 0 : i32
    %dma_start3A_84 = arith.constant 0 : i32
    %dma_start3A_85 = tpu.memref_slice %arg13[%dma_start3A_81, %dma_start3A_83, %dma_start3A_84] : memref<6x64x256xf32, #tpu.memory_space<vmem>> -> memref<1x64x256xf32, #tpu.memory_space<vmem>>
    %dma_start3A_86 = tpu.memref_squeeze %dma_start3A_85 : memref<1x64x256xf32, #tpu.memory_space<vmem>> -> memref<64x256xf32, #tpu.memory_space<vmem>>
    %dma_start3A_87 = arith.constant 192 : i32
    %dma_start3A_88 = tpu.memref_slice %arg12[%dma_start3A_87] : memref<384xi32, #tpu.memory_space<vmem>> -> memref<64xi32, #tpu.memory_space<vmem>>
    %dma_start3A_89 = arith.constant 0 : i32
    %dma_start3A_90 = arith.constant 0 : i32
    %dma_start3A_91 = tpu.memref_slice %arg6[%dma_start3A_89, %dma_start3A_90] : memref<256x256xf32, #tpu.memory_space<hbm>> -> memref<256x256xf32, #tpu.memory_space<hbm>>
    %dma_start3A_92 = tpu.memref_slice %arg14[%dma_start3A_82] : memref<6x!tpu.dma_semaphore, #tpu.memory_space<semaphore_mem>> -> memref<1x!tpu.dma_semaphore, #tpu.memory_space<semaphore_mem>>
    %dma_start3A_93 = tpu.memref_squeeze %dma_start3A_92 : memref<1x!tpu.dma_semaphore, #tpu.memory_space<semaphore_mem>> -> memref<!tpu.dma_semaphore, #tpu.memory_space<semaphore_mem>>
    tpu.enqueue_indirect_dma source(%dma_start3A_91 : memref<256x256xf32, #tpu.memory_space<hbm>>) target(%dma_start3A_86 : memref<64x256xf32, #tpu.memory_space<vmem>>) offsets(%dma_start3A_88 : memref<64xi32, #tpu.memory_space<vmem>>) semaphore(%dma_start3A_93 : memref<!tpu.dma_semaphore, #tpu.memory_space<semaphore_mem>>)
    %dma_wait3A_94 = arith.constant 1 : i32
    %dma_wait3A_95 = arith.constant 1 : i32
    %dma_wait3A_96 = arith.constant 0 : i32
    %dma_wait3A_97 = arith.constant 0 : i32
    %dma_wait3A_98 = tpu.memref_slice %arg13[%dma_wait3A_94, %dma_wait3A_96, %dma_wait3A_97] : memref<6x64x256xf32, #tpu.memory_space<vmem>> -> memref<1x64x256xf32, #tpu.memory_space<vmem>>
    %dma_wait3A_99 = tpu.memref_squeeze %dma_wait3A_98 : memref<1x64x256xf32, #tpu.memory_space<vmem>> -> memref<64x256xf32, #tpu.memory_space<vmem>>
    %dma_wait3A_100 = arith.constant 64 : i32
    %dma_wait3A_101 = tpu.memref_slice %arg12[%dma_wait3A_100] : memref<384xi32, #tpu.memory_space<vmem>> -> memref<64xi32, #tpu.memory_space<vmem>>
    %dma_wait3A_102 = arith.constant 0 : i32
    %dma_wait3A_103 = arith.constant 0 : i32
    %dma_wait3A_104 = tpu.memref_slice %arg6[%dma_wait3A_102, %dma_wait3A_103] : memref<256x256xf32, #tpu.memory_space<hbm>> -> memref<256x256xf32, #tpu.memory_space<hbm>>
    %dma_wait3A_105 = tpu.memref_slice %arg14[%dma_wait3A_95] : memref<6x!tpu.dma_semaphore, #tpu.memory_space<semaphore_mem>> -> memref<1x!tpu.dma_semaphore, #tpu.memory_space<semaphore_mem>>
    %dma_wait3A_106 = tpu.memref_squeeze %dma_wait3A_105 : memref<1x!tpu.dma_semaphore, #tpu.memory_space<semaphore_mem>> -> memref<!tpu.dma_semaphore, #tpu.memory_space<semaphore_mem>>
    tpu.wait_indirect_dma semaphore(%dma_wait3A_106 : memref<!tpu.dma_semaphore, #tpu.memory_space<semaphore_mem>>) src(%dma_wait3A_104 : memref<256x256xf32, #tpu.memory_space<hbm>>) dst(%dma_wait3A_99 : memref<64x256xf32, #tpu.memory_space<vmem>>)
    %add3A_107 = arith.constant 64 : i32
    %add3A_108 = arith.addi %add3A_4, %add3A_107 : i32
    %dma_start3A_109 = arith.constant 1 : i32
    %dma_start3A_110 = arith.constant 1 : i32
    %dma_start3A_111 = arith.constant 0 : i32
    %dma_start3A_112 = arith.constant 0 : i32
    %dma_start3A_113 = tpu.memref_slice %arg13[%dma_start3A_109, %dma_start3A_111, %dma_start3A_112] : memref<6x64x256xf32, #tpu.memory_space<vmem>> -> memref<1x64x256xf32, #tpu.memory_space<vmem>>
    %dma_start3A_114 = tpu.memref_squeeze %dma_start3A_113 : memref<1x64x256xf32, #tpu.memory_space<vmem>> -> memref<64x256xf32, #tpu.memory_space<vmem>>
    %dma_start3A_115 = arith.constant 0 : i32
    %dma_start3A_116 = tpu.memref_slice %arg7[%add3A_108, %dma_start3A_115] : memref<114688x256xf32, #tpu.memory_space<hbm>> -> memref<64x256xf32, #tpu.memory_space<hbm>>
    %dma_start3A_117 = tpu.memref_slice %arg15[%dma_start3A_110] : memref<6x!tpu.dma_semaphore, #tpu.memory_space<semaphore_mem>> -> memref<1x!tpu.dma_semaphore, #tpu.memory_space<semaphore_mem>>
    %dma_start3A_118 = tpu.memref_squeeze %dma_start3A_117 : memref<1x!tpu.dma_semaphore, #tpu.memory_space<semaphore_mem>> -> memref<!tpu.dma_semaphore, #tpu.memory_space<semaphore_mem>>
    %dma_start3A_119 = arith.constant 0 : i32
    %dma_start3A_120 = tpu.memref_slice %arg7[%add3A_108, %dma_start3A_119] : memref<114688x256xf32, #tpu.memory_space<hbm>> -> memref<64x256xf32, #tpu.memory_space<hbm>>
    %dma_start3A_121 = arith.constant 0 : i32
    %dma_start3A_122 = arith.constant 0 : i32
    %dma_start3A_123 = tpu.memref_slice %arg13[%dma_start3A_109, %dma_start3A_121, %dma_start3A_122] : memref<6x64x256xf32, #tpu.memory_space<vmem>> -> memref<1x64x256xf32, #tpu.memory_space<vmem>>
    %dma_start3A_124 = tpu.memref_squeeze %dma_start3A_123 : memref<1x64x256xf32, #tpu.memory_space<vmem>> -> memref<64x256xf32, #tpu.memory_space<vmem>>
    tpu.enqueue_dma source(%dma_start3A_124 : memref<64x256xf32, #tpu.memory_space<vmem>>) target(%dma_start3A_120 : memref<64x256xf32, #tpu.memory_space<hbm>>) target_semaphore(%dma_start3A_118 : memref<!tpu.dma_semaphore, #tpu.memory_space<semaphore_mem>>)
    %dma_start3A_125 = arith.constant 4 : i32
    %dma_start3A_126 = arith.constant 4 : i32
    %dma_start3A_127 = arith.constant 0 : i32
    %dma_start3A_128 = arith.constant 0 : i32
    %dma_start3A_129 = tpu.memref_slice %arg13[%dma_start3A_125, %dma_start3A_127, %dma_start3A_128] : memref<6x64x256xf32, #tpu.memory_space<vmem>> -> memref<1x64x256xf32, #tpu.memory_space<vmem>>
    %dma_start3A_130 = tpu.memref_squeeze %dma_start3A_129 : memref<1x64x256xf32, #tpu.memory_space<vmem>> -> memref<64x256xf32, #tpu.memory_space<vmem>>
    %dma_start3A_131 = arith.constant 256 : i32
    %dma_start3A_132 = tpu.memref_slice %arg12[%dma_start3A_131] : memref<384xi32, #tpu.memory_space<vmem>> -> memref<64xi32, #tpu.memory_space<vmem>>
    %dma_start3A_133 = arith.constant 0 : i32
    %dma_start3A_134 = arith.constant 0 : i32
    %dma_start3A_135 = tpu.memref_slice %arg6[%dma_start3A_133, %dma_start3A_134] : memref<256x256xf32, #tpu.memory_space<hbm>> -> memref<256x256xf32, #tpu.memory_space<hbm>>
    %dma_start3A_136 = tpu.memref_slice %arg14[%dma_start3A_126] : memref<6x!tpu.dma_semaphore, #tpu.memory_space<semaphore_mem>> -> memref<1x!tpu.dma_semaphore, #tpu.memory_space<semaphore_mem>>
    %dma_start3A_137 = tpu.memref_squeeze %dma_start3A_136 : memref<1x!tpu.dma_semaphore, #tpu.memory_space<semaphore_mem>> -> memref<!tpu.dma_semaphore, #tpu.memory_space<semaphore_mem>>
    tpu.enqueue_indirect_dma source(%dma_start3A_135 : memref<256x256xf32, #tpu.memory_space<hbm>>) target(%dma_start3A_130 : memref<64x256xf32, #tpu.memory_space<vmem>>) offsets(%dma_start3A_132 : memref<64xi32, #tpu.memory_space<vmem>>) semaphore(%dma_start3A_137 : memref<!tpu.dma_semaphore, #tpu.memory_space<semaphore_mem>>)
    %dma_wait3A_138 = arith.constant 2 : i32
    %dma_wait3A_139 = arith.constant 2 : i32
    %dma_wait3A_140 = arith.constant 0 : i32
    %dma_wait3A_141 = arith.constant 0 : i32
    %dma_wait3A_142 = tpu.memref_slice %arg13[%dma_wait3A_138, %dma_wait3A_140, %dma_wait3A_141] : memref<6x64x256xf32, #tpu.memory_space<vmem>> -> memref<1x64x256xf32, #tpu.memory_space<vmem>>
    %dma_wait3A_143 = tpu.memref_squeeze %dma_wait3A_142 : memref<1x64x256xf32, #tpu.memory_space<vmem>> -> memref<64x256xf32, #tpu.memory_space<vmem>>
    %dma_wait3A_144 = arith.constant 128 : i32
    %dma_wait3A_145 = tpu.memref_slice %arg12[%dma_wait3A_144] : memref<384xi32, #tpu.memory_space<vmem>> -> memref<64xi32, #tpu.memory_space<vmem>>
    %dma_wait3A_146 = arith.constant 0 : i32
    %dma_wait3A_147 = arith.constant 0 : i32
    %dma_wait3A_148 = tpu.memref_slice %arg6[%dma_wait3A_146, %dma_wait3A_147] : memref<256x256xf32, #tpu.memory_space<hbm>> -> memref<256x256xf32, #tpu.memory_space<hbm>>
    %dma_wait3A_149 = tpu.memref_slice %arg14[%dma_wait3A_139] : memref<6x!tpu.dma_semaphore, #tpu.memory_space<semaphore_mem>> -> memref<1x!tpu.dma_semaphore, #tpu.memory_space<semaphore_mem>>
    %dma_wait3A_150 = tpu.memref_squeeze %dma_wait3A_149 : memref<1x!tpu.dma_semaphore, #tpu.memory_space<semaphore_mem>> -> memref<!tpu.dma_semaphore, #tpu.memory_space<semaphore_mem>>
    tpu.wait_indirect_dma semaphore(%dma_wait3A_150 : memref<!tpu.dma_semaphore, #tpu.memory_space<semaphore_mem>>) src(%dma_wait3A_148 : memref<256x256xf32, #tpu.memory_space<hbm>>) dst(%dma_wait3A_143 : memref<64x256xf32, #tpu.memory_space<vmem>>)
    %add3A_151 = arith.constant 128 : i32
    %add3A_152 = arith.addi %add3A_4, %add3A_151 : i32
    %dma_start3A_153 = arith.constant 2 : i32
    %dma_start3A_154 = arith.constant 2 : i32
    %dma_start3A_155 = arith.constant 0 : i32
    %dma_start3A_156 = arith.constant 0 : i32
    %dma_start3A_157 = tpu.memref_slice %arg13[%dma_start3A_153, %dma_start3A_155, %dma_start3A_156] : memref<6x64x256xf32, #tpu.memory_space<vmem>> -> memref<1x64x256xf32, #tpu.memory_space<vmem>>
    %dma_start3A_158 = tpu.memref_squeeze %dma_start3A_157 : memref<1x64x256xf32, #tpu.memory_space<vmem>> -> memref<64x256xf32, #tpu.memory_space<vmem>>
    %dma_start3A_159 = arith.constant 0 : i32
    %dma_start3A_160 = tpu.memref_slice %arg7[%add3A_152, %dma_start3A_159] : memref<114688x256xf32, #tpu.memory_space<hbm>> -> memref<64x256xf32, #tpu.memory_space<hbm>>
    %dma_start3A_161 = tpu.memref_slice %arg15[%dma_start3A_154] : memref<6x!tpu.dma_semaphore, #tpu.memory_space<semaphore_mem>> -> memref<1x!tpu.dma_semaphore, #tpu.memory_space<semaphore_mem>>
    %dma_start3A_162 = tpu.memref_squeeze %dma_start3A_161 : memref<1x!tpu.dma_semaphore, #tpu.memory_space<semaphore_mem>> -> memref<!tpu.dma_semaphore, #tpu.memory_space<semaphore_mem>>
    %dma_start3A_163 = arith.constant 0 : i32
    %dma_start3A_164 = tpu.memref_slice %arg7[%add3A_152, %dma_start3A_163] : memref<114688x256xf32, #tpu.memory_space<hbm>> -> memref<64x256xf32, #tpu.memory_space<hbm>>
    %dma_start3A_165 = arith.constant 0 : i32
    %dma_start3A_166 = arith.constant 0 : i32
    %dma_start3A_167 = tpu.memref_slice %arg13[%dma_start3A_153, %dma_start3A_165, %dma_start3A_166] : memref<6x64x256xf32, #tpu.memory_space<vmem>> -> memref<1x64x256xf32, #tpu.memory_space<vmem>>
    %dma_start3A_168 = tpu.memref_squeeze %dma_start3A_167 : memref<1x64x256xf32, #tpu.memory_space<vmem>> -> memref<64x256xf32, #tpu.memory_space<vmem>>
    tpu.enqueue_dma source(%dma_start3A_168 : memref<64x256xf32, #tpu.memory_space<vmem>>) target(%dma_start3A_164 : memref<64x256xf32, #tpu.memory_space<hbm>>) target_semaphore(%dma_start3A_162 : memref<!tpu.dma_semaphore, #tpu.memory_space<semaphore_mem>>)
    %dma_start3A_169 = arith.constant 5 : i32
    %dma_start3A_170 = arith.constant 5 : i32
    %dma_start3A_171 = arith.constant 0 : i32
    %dma_start3A_172 = arith.constant 0 : i32
    %dma_start3A_173 = tpu.memref_slice %arg13[%dma_start3A_169, %dma_start3A_171, %dma_start3A_172] : memref<6x64x256xf32, #tpu.memory_space<vmem>> -> memref<1x64x256xf32, #tpu.memory_space<vmem>>
    %dma_start3A_174 = tpu.memref_squeeze %dma_start3A_173 : memref<1x64x256xf32, #tpu.memory_space<vmem>> -> memref<64x256xf32, #tpu.memory_space<vmem>>
    %dma_start3A_175 = arith.constant 320 : i32
    %dma_start3A_176 = tpu.memref_slice %arg12[%dma_start3A_175] : memref<384xi32, #tpu.memory_space<vmem>> -> memref<64xi32, #tpu.memory_space<vmem>>
    %dma_start3A_177 = arith.constant 0 : i32
    %dma_start3A_178 = arith.constant 0 : i32
    %dma_start3A_179 = tpu.memref_slice %arg6[%dma_start3A_177, %dma_start3A_178] : memref<256x256xf32, #tpu.memory_space<hbm>> -> memref<256x256xf32, #tpu.memory_space<hbm>>
    %dma_start3A_180 = tpu.memref_slice %arg14[%dma_start3A_170] : memref<6x!tpu.dma_semaphore, #tpu.memory_space<semaphore_mem>> -> memref<1x!tpu.dma_semaphore, #tpu.memory_space<semaphore_mem>>
    %dma_start3A_181 = tpu.memref_squeeze %dma_start3A_180 : memref<1x!tpu.dma_semaphore, #tpu.memory_space<semaphore_mem>> -> memref<!tpu.dma_semaphore, #tpu.memory_space<semaphore_mem>>
    tpu.enqueue_indirect_dma source(%dma_start3A_179 : memref<256x256xf32, #tpu.memory_space<hbm>>) target(%dma_start3A_174 : memref<64x256xf32, #tpu.memory_space<vmem>>) offsets(%dma_start3A_176 : memref<64xi32, #tpu.memory_space<vmem>>) semaphore(%dma_start3A_181 : memref<!tpu.dma_semaphore, #tpu.memory_space<semaphore_mem>>)
    %scan3A_182 = arith.constant 0 : i32
    %scan3A_183 = arith.constant 3 : i32
    %scan3A_184 = arith.constant 0 : i32
    %scan3A_185 = arith.addi %scan3A_183, %scan3A_184 : i32
    %scan3A_186 = arith.constant 0 : i32
    %dma_wait3A_187 = arith.constant 3 : i32
    %dma_wait3A_188 = arith.constant 3 : i32
    %dma_wait3A_189 = arith.constant 0 : i32
    %dma_wait3A_190 = arith.constant 0 : i32
    %dma_wait3A_191 = tpu.memref_slice %arg13[%dma_wait3A_187, %dma_wait3A_189, %dma_wait3A_190] : memref<6x64x256xf32, #tpu.memory_space<vmem>> -> memref<1x64x256xf32, #tpu.memory_space<vmem>>
    %dma_wait3A_192 = tpu.memref_squeeze %dma_wait3A_191 : memref<1x64x256xf32, #tpu.memory_space<vmem>> -> memref<64x256xf32, #tpu.memory_space<vmem>>
    %dma_wait3A_193 = arith.constant 192 : i32
    %dma_wait3A_194 = tpu.memref_slice %arg12[%dma_wait3A_193] : memref<384xi32, #tpu.memory_space<vmem>> -> memref<64xi32, #tpu.memory_space<vmem>>
    %dma_wait3A_195 = arith.constant 0 : i32
    %dma_wait3A_196 = arith.constant 0 : i32
    %dma_wait3A_197 = tpu.memref_slice %arg6[%dma_wait3A_195, %dma_wait3A_196] : memref<256x256xf32, #tpu.memory_space<hbm>> -> memref<256x256xf32, #tpu.memory_space<hbm>>
    %dma_wait3A_198 = tpu.memref_slice %arg14[%dma_wait3A_188] : memref<6x!tpu.dma_semaphore, #tpu.memory_space<semaphore_mem>> -> memref<1x!tpu.dma_semaphore, #tpu.memory_space<semaphore_mem>>
    %dma_wait3A_199 = tpu.memref_squeeze %dma_wait3A_198 : memref<1x!tpu.dma_semaphore, #tpu.memory_space<semaphore_mem>> -> memref<!tpu.dma_semaphore, #tpu.memory_space<semaphore_mem>>
    tpu.wait_indirect_dma semaphore(%dma_wait3A_199 : memref<!tpu.dma_semaphore, #tpu.memory_space<semaphore_mem>>) src(%dma_wait3A_197 : memref<256x256xf32, #tpu.memory_space<hbm>>) dst(%dma_wait3A_192 : memref<64x256xf32, #tpu.memory_space<vmem>>)
    %add3A_200 = arith.constant 192 : i32
    %add3A_201 = arith.addi %add3A_4, %add3A_200 : i32
    %dma_start3A_202 = arith.constant 3 : i32
    %dma_start3A_203 = arith.constant 3 : i32
    %dma_start3A_204 = arith.constant 0 : i32
    %dma_start3A_205 = arith.constant 0 : i32
    %dma_start3A_206 = tpu.memref_slice %arg13[%dma_start3A_202, %dma_start3A_204, %dma_start3A_205] : memref<6x64x256xf32, #tpu.memory_space<vmem>> -> memref<1x64x256xf32, #tpu.memory_space<vmem>>
    %dma_start3A_207 = tpu.memref_squeeze %dma_start3A_206 : memref<1x64x256xf32, #tpu.memory_space<vmem>> -> memref<64x256xf32, #tpu.memory_space<vmem>>
    %dma_start3A_208 = arith.constant 0 : i32
    %dma_start3A_209 = tpu.memref_slice %arg7[%add3A_201, %dma_start3A_208] : memref<114688x256xf32, #tpu.memory_space<hbm>> -> memref<64x256xf32, #tpu.memory_space<hbm>>
    %dma_start3A_210 = tpu.memref_slice %arg15[%dma_start3A_203] : memref<6x!tpu.dma_semaphore, #tpu.memory_space<semaphore_mem>> -> memref<1x!tpu.dma_semaphore, #tpu.memory_space<semaphore_mem>>
    %dma_start3A_211 = tpu.memref_squeeze %dma_start3A_210 : memref<1x!tpu.dma_semaphore, #tpu.memory_space<semaphore_mem>> -> memref<!tpu.dma_semaphore, #tpu.memory_space<semaphore_mem>>
    %dma_start3A_212 = arith.constant 0 : i32
    %dma_start3A_213 = tpu.memref_slice %arg7[%add3A_201, %dma_start3A_212] : memref<114688x256xf32, #tpu.memory_space<hbm>> -> memref<64x256xf32, #tpu.memory_space<hbm>>
    %dma_start3A_214 = arith.constant 0 : i32
    %dma_start3A_215 = arith.constant 0 : i32
    %dma_start3A_216 = tpu.memref_slice %arg13[%dma_start3A_202, %dma_start3A_214, %dma_start3A_215] : memref<6x64x256xf32, #tpu.memory_space<vmem>> -> memref<1x64x256xf32, #tpu.memory_space<vmem>>
    %dma_start3A_217 = tpu.memref_squeeze %dma_start3A_216 : memref<1x64x256xf32, #tpu.memory_space<vmem>> -> memref<64x256xf32, #tpu.memory_space<vmem>>
    tpu.enqueue_dma source(%dma_start3A_217 : memref<64x256xf32, #tpu.memory_space<vmem>>) target(%dma_start3A_213 : memref<64x256xf32, #tpu.memory_space<hbm>>) target_semaphore(%dma_start3A_211 : memref<!tpu.dma_semaphore, #tpu.memory_space<semaphore_mem>>)
    %dma_wait3A_218 = arith.constant 4 : i32
    %dma_wait3A_219 = arith.constant 4 : i32
    %dma_wait3A_220 = arith.constant 0 : i32
    %dma_wait3A_221 = arith.constant 0 : i32
    %dma_wait3A_222 = tpu.memref_slice %arg13[%dma_wait3A_218, %dma_wait3A_220, %dma_wait3A_221] : memref<6x64x256xf32, #tpu.memory_space<vmem>> -> memref<1x64x256xf32, #tpu.memory_space<vmem>>
    %dma_wait3A_223 = tpu.memref_squeeze %dma_wait3A_222 : memref<1x64x256xf32, #tpu.memory_space<vmem>> -> memref<64x256xf32, #tpu.memory_space<vmem>>
    %dma_wait3A_224 = arith.constant 256 : i32
    %dma_wait3A_225 = tpu.memref_slice %arg12[%dma_wait3A_224] : memref<384xi32, #tpu.memory_space<vmem>> -> memref<64xi32, #tpu.memory_space<vmem>>
    %dma_wait3A_226 = arith.constant 0 : i32
    %dma_wait3A_227 = arith.constant 0 : i32
    %dma_wait3A_228 = tpu.memref_slice %arg6[%dma_wait3A_226, %dma_wait3A_227] : memref<256x256xf32, #tpu.memory_space<hbm>> -> memref<256x256xf32, #tpu.memory_space<hbm>>
    %dma_wait3A_229 = tpu.memref_slice %arg14[%dma_wait3A_219] : memref<6x!tpu.dma_semaphore, #tpu.memory_space<semaphore_mem>> -> memref<1x!tpu.dma_semaphore, #tpu.memory_space<semaphore_mem>>
    %dma_wait3A_230 = tpu.memref_squeeze %dma_wait3A_229 : memref<1x!tpu.dma_semaphore, #tpu.memory_space<semaphore_mem>> -> memref<!tpu.dma_semaphore, #tpu.memory_space<semaphore_mem>>
    tpu.wait_indirect_dma semaphore(%dma_wait3A_230 : memref<!tpu.dma_semaphore, #tpu.memory_space<semaphore_mem>>) src(%dma_wait3A_228 : memref<256x256xf32, #tpu.memory_space<hbm>>) dst(%dma_wait3A_223 : memref<64x256xf32, #tpu.memory_space<vmem>>)
    %add3A_231 = arith.constant 256 : i32
    %add3A_232 = arith.addi %add3A_4, %add3A_231 : i32
    %dma_start3A_233 = arith.constant 4 : i32
    %dma_start3A_234 = arith.constant 4 : i32
    %dma_start3A_235 = arith.constant 0 : i32
    %dma_start3A_236 = arith.constant 0 : i32
    %dma_start3A_237 = tpu.memref_slice %arg13[%dma_start3A_233, %dma_start3A_235, %dma_start3A_236] : memref<6x64x256xf32, #tpu.memory_space<vmem>> -> memref<1x64x256xf32, #tpu.memory_space<vmem>>
    %dma_start3A_238 = tpu.memref_squeeze %dma_start3A_237 : memref<1x64x256xf32, #tpu.memory_space<vmem>> -> memref<64x256xf32, #tpu.memory_space<vmem>>
    %dma_start3A_239 = arith.constant 0 : i32
    %dma_start3A_240 = tpu.memref_slice %arg7[%add3A_232, %dma_start3A_239] : memref<114688x256xf32, #tpu.memory_space<hbm>> -> memref<64x256xf32, #tpu.memory_space<hbm>>
    %dma_start3A_241 = tpu.memref_slice %arg15[%dma_start3A_234] : memref<6x!tpu.dma_semaphore, #tpu.memory_space<semaphore_mem>> -> memref<1x!tpu.dma_semaphore, #tpu.memory_space<semaphore_mem>>
    %dma_start3A_242 = tpu.memref_squeeze %dma_start3A_241 : memref<1x!tpu.dma_semaphore, #tpu.memory_space<semaphore_mem>> -> memref<!tpu.dma_semaphore, #tpu.memory_space<semaphore_mem>>
    %dma_start3A_243 = arith.constant 0 : i32
    %dma_start3A_244 = tpu.memref_slice %arg7[%add3A_232, %dma_start3A_243] : memref<114688x256xf32, #tpu.memory_space<hbm>> -> memref<64x256xf32, #tpu.memory_space<hbm>>
    %dma_start3A_245 = arith.constant 0 : i32
    %dma_start3A_246 = arith.constant 0 : i32
    %dma_start3A_247 = tpu.memref_slice %arg13[%dma_start3A_233, %dma_start3A_245, %dma_start3A_246] : memref<6x64x256xf32, #tpu.memory_space<vmem>> -> memref<1x64x256xf32, #tpu.memory_space<vmem>>
    %dma_start3A_248 = tpu.memref_squeeze %dma_start3A_247 : memref<1x64x256xf32, #tpu.memory_space<vmem>> -> memref<64x256xf32, #tpu.memory_space<vmem>>
    tpu.enqueue_dma source(%dma_start3A_248 : memref<64x256xf32, #tpu.memory_space<vmem>>) target(%dma_start3A_244 : memref<64x256xf32, #tpu.memory_space<hbm>>) target_semaphore(%dma_start3A_242 : memref<!tpu.dma_semaphore, #tpu.memory_space<semaphore_mem>>)
    %dma_wait3A_249 = arith.constant 5 : i32
    %dma_wait3A_250 = arith.constant 5 : i32
    %dma_wait3A_251 = arith.constant 0 : i32
    %dma_wait3A_252 = arith.constant 0 : i32
    %dma_wait3A_253 = tpu.memref_slice %arg13[%dma_wait3A_249, %dma_wait3A_251, %dma_wait3A_252] : memref<6x64x256xf32, #tpu.memory_space<vmem>> -> memref<1x64x256xf32, #tpu.memory_space<vmem>>
    %dma_wait3A_254 = tpu.memref_squeeze %dma_wait3A_253 : memref<1x64x256xf32, #tpu.memory_space<vmem>> -> memref<64x256xf32, #tpu.memory_space<vmem>>
    %dma_wait3A_255 = arith.constant 320 : i32
    %dma_wait3A_256 = tpu.memref_slice %arg12[%dma_wait3A_255] : memref<384xi32, #tpu.memory_space<vmem>> -> memref<64xi32, #tpu.memory_space<vmem>>
    %dma_wait3A_257 = arith.constant 0 : i32
    %dma_wait3A_258 = arith.constant 0 : i32
    %dma_wait3A_259 = tpu.memref_slice %arg6[%dma_wait3A_257, %dma_wait3A_258] : memref<256x256xf32, #tpu.memory_space<hbm>> -> memref<256x256xf32, #tpu.memory_space<hbm>>
    %dma_wait3A_260 = tpu.memref_slice %arg14[%dma_wait3A_250] : memref<6x!tpu.dma_semaphore, #tpu.memory_space<semaphore_mem>> -> memref<1x!tpu.dma_semaphore, #tpu.memory_space<semaphore_mem>>
    %dma_wait3A_261 = tpu.memref_squeeze %dma_wait3A_260 : memref<1x!tpu.dma_semaphore, #tpu.memory_space<semaphore_mem>> -> memref<!tpu.dma_semaphore, #tpu.memory_space<semaphore_mem>>
    tpu.wait_indirect_dma semaphore(%dma_wait3A_261 : memref<!tpu.dma_semaphore, #tpu.memory_space<semaphore_mem>>) src(%dma_wait3A_259 : memref<256x256xf32, #tpu.memory_space<hbm>>) dst(%dma_wait3A_254 : memref<64x256xf32, #tpu.memory_space<vmem>>)
    %add3A_262 = arith.constant 320 : i32
    %add3A_263 = arith.addi %add3A_4, %add3A_262 : i32
    %dma_start3A_264 = arith.constant 5 : i32
    %dma_start3A_265 = arith.constant 5 : i32
    %dma_start3A_266 = arith.constant 0 : i32
    %dma_start3A_267 = arith.constant 0 : i32
    %dma_start3A_268 = tpu.memref_slice %arg13[%dma_start3A_264, %dma_start3A_266, %dma_start3A_267] : memref<6x64x256xf32, #tpu.memory_space<vmem>> -> memref<1x64x256xf32, #tpu.memory_space<vmem>>
    %dma_start3A_269 = tpu.memref_squeeze %dma_start3A_268 : memref<1x64x256xf32, #tpu.memory_space<vmem>> -> memref<64x256xf32, #tpu.memory_space<vmem>>
    %dma_start3A_270 = arith.constant 0 : i32
    %dma_start3A_271 = tpu.memref_slice %arg7[%add3A_263, %dma_start3A_270] : memref<114688x256xf32, #tpu.memory_space<hbm>> -> memref<64x256xf32, #tpu.memory_space<hbm>>
    %dma_start3A_272 = tpu.memref_slice %arg15[%dma_start3A_265] : memref<6x!tpu.dma_semaphore, #tpu.memory_space<semaphore_mem>> -> memref<1x!tpu.dma_semaphore, #tpu.memory_space<semaphore_mem>>
    %dma_start3A_273 = tpu.memref_squeeze %dma_start3A_272 : memref<1x!tpu.dma_semaphore, #tpu.memory_space<semaphore_mem>> -> memref<!tpu.dma_semaphore, #tpu.memory_space<semaphore_mem>>
    %dma_start3A_274 = arith.constant 0 : i32
    %dma_start3A_275 = tpu.memref_slice %arg7[%add3A_263, %dma_start3A_274] : memref<114688x256xf32, #tpu.memory_space<hbm>> -> memref<64x256xf32, #tpu.memory_space<hbm>>
    %dma_start3A_276 = arith.constant 0 : i32
    %dma_start3A_277 = arith.constant 0 : i32
    %dma_start3A_278 = tpu.memref_slice %arg13[%dma_start3A_264, %dma_start3A_276, %dma_start3A_277] : memref<6x64x256xf32, #tpu.memory_space<vmem>> -> memref<1x64x256xf32, #tpu.memory_space<vmem>>
    %dma_start3A_279 = tpu.memref_squeeze %dma_start3A_278 : memref<1x64x256xf32, #tpu.memory_space<vmem>> -> memref<64x256xf32, #tpu.memory_space<vmem>>
    tpu.enqueue_dma source(%dma_start3A_279 : memref<64x256xf32, #tpu.memory_space<vmem>>) target(%dma_start3A_275 : memref<64x256xf32, #tpu.memory_space<hbm>>) target_semaphore(%dma_start3A_273 : memref<!tpu.dma_semaphore, #tpu.memory_space<semaphore_mem>>)
    %add3A_280 = arith.constant 0 : i32
    %add3A_281 = arith.addi %add3A_4, %add3A_280 : i32
    %dma_wait3A_282 = arith.constant 0 : i32
    %dma_wait3A_283 = arith.constant 0 : i32
    %dma_wait3A_284 = arith.constant 0 : i32
    %dma_wait3A_285 = arith.constant 0 : i32
    %dma_wait3A_286 = tpu.memref_slice %arg13[%dma_wait3A_282, %dma_wait3A_284, %dma_wait3A_285] : memref<6x64x256xf32, #tpu.memory_space<vmem>> -> memref<1x64x256xf32, #tpu.memory_space<vmem>>
    %dma_wait3A_287 = tpu.memref_squeeze %dma_wait3A_286 : memref<1x64x256xf32, #tpu.memory_space<vmem>> -> memref<64x256xf32, #tpu.memory_space<vmem>>
    %dma_wait3A_288 = arith.constant 0 : i32
    %dma_wait3A_289 = tpu.memref_slice %arg7[%add3A_281, %dma_wait3A_288] : memref<114688x256xf32, #tpu.memory_space<hbm>> -> memref<64x256xf32, #tpu.memory_space<hbm>>
    %dma_wait3A_290 = tpu.memref_slice %arg15[%dma_wait3A_283] : memref<6x!tpu.dma_semaphore, #tpu.memory_space<semaphore_mem>> -> memref<1x!tpu.dma_semaphore, #tpu.memory_space<semaphore_mem>>
    %dma_wait3A_291 = tpu.memref_squeeze %dma_wait3A_290 : memref<1x!tpu.dma_semaphore, #tpu.memory_space<semaphore_mem>> -> memref<!tpu.dma_semaphore, #tpu.memory_space<semaphore_mem>>
    %dma_wait3A_292 = arith.constant 0 : i32
    %dma_wait3A_293 = tpu.memref_slice %arg7[%add3A_281, %dma_wait3A_292] : memref<114688x256xf32, #tpu.memory_space<hbm>> -> memref<64x256xf32, #tpu.memory_space<hbm>>
    %dma_wait3A_294 = arith.constant 0 : i32
    %dma_wait3A_295 = arith.constant 0 : i32
    %dma_wait3A_296 = tpu.memref_slice %arg13[%dma_wait3A_282, %dma_wait3A_294, %dma_wait3A_295] : memref<6x64x256xf32, #tpu.memory_space<vmem>> -> memref<1x64x256xf32, #tpu.memory_space<vmem>>
    %dma_wait3A_297 = tpu.memref_squeeze %dma_wait3A_296 : memref<1x64x256xf32, #tpu.memory_space<vmem>> -> memref<64x256xf32, #tpu.memory_space<vmem>>
    tpu.wait_dma2 semaphore(%dma_wait3A_291 : memref<!tpu.dma_semaphore, #tpu.memory_space<semaphore_mem>>) src(%dma_wait3A_297 : memref<64x256xf32, #tpu.memory_space<vmem>>) dst(%dma_wait3A_293 : memref<64x256xf32, #tpu.memory_space<hbm>>)
    %add3A_298 = arith.constant 64 : i32
    %add3A_299 = arith.addi %add3A_4, %add3A_298 : i32
    %dma_wait3A_300 = arith.constant 1 : i32
    %dma_wait3A_301 = arith.constant 1 : i32
    %dma_wait3A_302 = arith.constant 0 : i32
    %dma_wait3A_303 = arith.constant 0 : i32
    %dma_wait3A_304 = tpu.memref_slice %arg13[%dma_wait3A_300, %dma_wait3A_302, %dma_wait3A_303] : memref<6x64x256xf32, #tpu.memory_space<vmem>> -> memref<1x64x256xf32, #tpu.memory_space<vmem>>
    %dma_wait3A_305 = tpu.memref_squeeze %dma_wait3A_304 : memref<1x64x256xf32, #tpu.memory_space<vmem>> -> memref<64x256xf32, #tpu.memory_space<vmem>>
    %dma_wait3A_306 = arith.constant 0 : i32
    %dma_wait3A_307 = tpu.memref_slice %arg7[%add3A_299, %dma_wait3A_306] : memref<114688x256xf32, #tpu.memory_space<hbm>> -> memref<64x256xf32, #tpu.memory_space<hbm>>
    %dma_wait3A_308 = tpu.memref_slice %arg15[%dma_wait3A_301] : memref<6x!tpu.dma_semaphore, #tpu.memory_space<semaphore_mem>> -> memref<1x!tpu.dma_semaphore, #tpu.memory_space<semaphore_mem>>
    %dma_wait3A_309 = tpu.memref_squeeze %dma_wait3A_308 : memref<1x!tpu.dma_semaphore, #tpu.memory_space<semaphore_mem>> -> memref<!tpu.dma_semaphore, #tpu.memory_space<semaphore_mem>>
    %dma_wait3A_310 = arith.constant 0 : i32
    %dma_wait3A_311 = tpu.memref_slice %arg7[%add3A_299, %dma_wait3A_310] : memref<114688x256xf32, #tpu.memory_space<hbm>> -> memref<64x256xf32, #tpu.memory_space<hbm>>
    %dma_wait3A_312 = arith.constant 0 : i32
    %dma_wait3A_313 = arith.constant 0 : i32
    %dma_wait3A_314 = tpu.memref_slice %arg13[%dma_wait3A_300, %dma_wait3A_312, %dma_wait3A_313] : memref<6x64x256xf32, #tpu.memory_space<vmem>> -> memref<1x64x256xf32, #tpu.memory_space<vmem>>
    %dma_wait3A_315 = tpu.memref_squeeze %dma_wait3A_314 : memref<1x64x256xf32, #tpu.memory_space<vmem>> -> memref<64x256xf32, #tpu.memory_space<vmem>>
    tpu.wait_dma2 semaphore(%dma_wait3A_309 : memref<!tpu.dma_semaphore, #tpu.memory_space<semaphore_mem>>) src(%dma_wait3A_315 : memref<64x256xf32, #tpu.memory_space<vmem>>) dst(%dma_wait3A_311 : memref<64x256xf32, #tpu.memory_space<hbm>>)
    %add3A_316 = arith.constant 128 : i32
    %add3A_317 = arith.addi %add3A_4, %add3A_316 : i32
    %dma_wait3A_318 = arith.constant 2 : i32
    %dma_wait3A_319 = arith.constant 2 : i32
    %dma_wait3A_320 = arith.constant 0 : i32
    %dma_wait3A_321 = arith.constant 0 : i32
    %dma_wait3A_322 = tpu.memref_slice %arg13[%dma_wait3A_318, %dma_wait3A_320, %dma_wait3A_321] : memref<6x64x256xf32, #tpu.memory_space<vmem>> -> memref<1x64x256xf32, #tpu.memory_space<vmem>>
    %dma_wait3A_323 = tpu.memref_squeeze %dma_wait3A_322 : memref<1x64x256xf32, #tpu.memory_space<vmem>> -> memref<64x256xf32, #tpu.memory_space<vmem>>
    %dma_wait3A_324 = arith.constant 0 : i32
    %dma_wait3A_325 = tpu.memref_slice %arg7[%add3A_317, %dma_wait3A_324] : memref<114688x256xf32, #tpu.memory_space<hbm>> -> memref<64x256xf32, #tpu.memory_space<hbm>>
    %dma_wait3A_326 = tpu.memref_slice %arg15[%dma_wait3A_319] : memref<6x!tpu.dma_semaphore, #tpu.memory_space<semaphore_mem>> -> memref<1x!tpu.dma_semaphore, #tpu.memory_space<semaphore_mem>>
    %dma_wait3A_327 = tpu.memref_squeeze %dma_wait3A_326 : memref<1x!tpu.dma_semaphore, #tpu.memory_space<semaphore_mem>> -> memref<!tpu.dma_semaphore, #tpu.memory_space<semaphore_mem>>
    %dma_wait3A_328 = arith.constant 0 : i32
    %dma_wait3A_329 = tpu.memref_slice %arg7[%add3A_317, %dma_wait3A_328] : memref<114688x256xf32, #tpu.memory_space<hbm>> -> memref<64x256xf32, #tpu.memory_space<hbm>>
    %dma_wait3A_330 = arith.constant 0 : i32
    %dma_wait3A_331 = arith.constant 0 : i32
    %dma_wait3A_332 = tpu.memref_slice %arg13[%dma_wait3A_318, %dma_wait3A_330, %dma_wait3A_331] : memref<6x64x256xf32, #tpu.memory_space<vmem>> -> memref<1x64x256xf32, #tpu.memory_space<vmem>>
    %dma_wait3A_333 = tpu.memref_squeeze %dma_wait3A_332 : memref<1x64x256xf32, #tpu.memory_space<vmem>> -> memref<64x256xf32, #tpu.memory_space<vmem>>
    tpu.wait_dma2 semaphore(%dma_wait3A_327 : memref<!tpu.dma_semaphore, #tpu.memory_space<semaphore_mem>>) src(%dma_wait3A_333 : memref<64x256xf32, #tpu.memory_space<vmem>>) dst(%dma_wait3A_329 : memref<64x256xf32, #tpu.memory_space<hbm>>)
    %add3A_334 = arith.constant 192 : i32
    %add3A_335 = arith.addi %add3A_4, %add3A_334 : i32
    %dma_wait3A_336 = arith.constant 3 : i32
    %dma_wait3A_337 = arith.constant 3 : i32
    %dma_wait3A_338 = arith.constant 0 : i32
    %dma_wait3A_339 = arith.constant 0 : i32
    %dma_wait3A_340 = tpu.memref_slice %arg13[%dma_wait3A_336, %dma_wait3A_338, %dma_wait3A_339] : memref<6x64x256xf32, #tpu.memory_space<vmem>> -> memref<1x64x256xf32, #tpu.memory_space<vmem>>
    %dma_wait3A_341 = tpu.memref_squeeze %dma_wait3A_340 : memref<1x64x256xf32, #tpu.memory_space<vmem>> -> memref<64x256xf32, #tpu.memory_space<vmem>>
    %dma_wait3A_342 = arith.constant 0 : i32
    %dma_wait3A_343 = tpu.memref_slice %arg7[%add3A_335, %dma_wait3A_342] : memref<114688x256xf32, #tpu.memory_space<hbm>> -> memref<64x256xf32, #tpu.memory_space<hbm>>
    %dma_wait3A_344 = tpu.memref_slice %arg15[%dma_wait3A_337] : memref<6x!tpu.dma_semaphore, #tpu.memory_space<semaphore_mem>> -> memref<1x!tpu.dma_semaphore, #tpu.memory_space<semaphore_mem>>
    %dma_wait3A_345 = tpu.memref_squeeze %dma_wait3A_344 : memref<1x!tpu.dma_semaphore, #tpu.memory_space<semaphore_mem>> -> memref<!tpu.dma_semaphore, #tpu.memory_space<semaphore_mem>>
    %dma_wait3A_346 = arith.constant 0 : i32
    %dma_wait3A_347 = tpu.memref_slice %arg7[%add3A_335, %dma_wait3A_346] : memref<114688x256xf32, #tpu.memory_space<hbm>> -> memref<64x256xf32, #tpu.memory_space<hbm>>
    %dma_wait3A_348 = arith.constant 0 : i32
    %dma_wait3A_349 = arith.constant 0 : i32
    %dma_wait3A_350 = tpu.memref_slice %arg13[%dma_wait3A_336, %dma_wait3A_348, %dma_wait3A_349] : memref<6x64x256xf32, #tpu.memory_space<vmem>> -> memref<1x64x256xf32, #tpu.memory_space<vmem>>
    %dma_wait3A_351 = tpu.memref_squeeze %dma_wait3A_350 : memref<1x64x256xf32, #tpu.memory_space<vmem>> -> memref<64x256xf32, #tpu.memory_space<vmem>>
    tpu.wait_dma2 semaphore(%dma_wait3A_345 : memref<!tpu.dma_semaphore, #tpu.memory_space<semaphore_mem>>) src(%dma_wait3A_351 : memref<64x256xf32, #tpu.memory_space<vmem>>) dst(%dma_wait3A_347 : memref<64x256xf32, #tpu.memory_space<hbm>>)
    %add3A_352 = arith.constant 256 : i32
    %add3A_353 = arith.addi %add3A_4, %add3A_352 : i32
    %dma_wait3A_354 = arith.constant 4 : i32
    %dma_wait3A_355 = arith.constant 4 : i32
    %dma_wait3A_356 = arith.constant 0 : i32
    %dma_wait3A_357 = arith.constant 0 : i32
    %dma_wait3A_358 = tpu.memref_slice %arg13[%dma_wait3A_354, %dma_wait3A_356, %dma_wait3A_357] : memref<6x64x256xf32, #tpu.memory_space<vmem>> -> memref<1x64x256xf32, #tpu.memory_space<vmem>>
    %dma_wait3A_359 = tpu.memref_squeeze %dma_wait3A_358 : memref<1x64x256xf32, #tpu.memory_space<vmem>> -> memref<64x256xf32, #tpu.memory_space<vmem>>
    %dma_wait3A_360 = arith.constant 0 : i32
    %dma_wait3A_361 = tpu.memref_slice %arg7[%add3A_353, %dma_wait3A_360] : memref<114688x256xf32, #tpu.memory_space<hbm>> -> memref<64x256xf32, #tpu.memory_space<hbm>>
    %dma_wait3A_362 = tpu.memref_slice %arg15[%dma_wait3A_355] : memref<6x!tpu.dma_semaphore, #tpu.memory_space<semaphore_mem>> -> memref<1x!tpu.dma_semaphore, #tpu.memory_space<semaphore_mem>>
    %dma_wait3A_363 = tpu.memref_squeeze %dma_wait3A_362 : memref<1x!tpu.dma_semaphore, #tpu.memory_space<semaphore_mem>> -> memref<!tpu.dma_semaphore, #tpu.memory_space<semaphore_mem>>
    %dma_wait3A_364 = arith.constant 0 : i32
    %dma_wait3A_365 = tpu.memref_slice %arg7[%add3A_353, %dma_wait3A_364] : memref<114688x256xf32, #tpu.memory_space<hbm>> -> memref<64x256xf32, #tpu.memory_space<hbm>>
    %dma_wait3A_366 = arith.constant 0 : i32
    %dma_wait3A_367 = arith.constant 0 : i32
    %dma_wait3A_368 = tpu.memref_slice %arg13[%dma_wait3A_354, %dma_wait3A_366, %dma_wait3A_367] : memref<6x64x256xf32, #tpu.memory_space<vmem>> -> memref<1x64x256xf32, #tpu.memory_space<vmem>>
    %dma_wait3A_369 = tpu.memref_squeeze %dma_wait3A_368 : memref<1x64x256xf32, #tpu.memory_space<vmem>> -> memref<64x256xf32, #tpu.memory_space<vmem>>
    tpu.wait_dma2 semaphore(%dma_wait3A_363 : memref<!tpu.dma_semaphore, #tpu.memory_space<semaphore_mem>>) src(%dma_wait3A_369 : memref<64x256xf32, #tpu.memory_space<vmem>>) dst(%dma_wait3A_365 : memref<64x256xf32, #tpu.memory_space<hbm>>)
    %add3A_370 = arith.constant 320 : i32
    %add3A_371 = arith.addi %add3A_4, %add3A_370 : i32
    %dma_wait3A_372 = arith.constant 5 : i32
    %dma_wait3A_373 = arith.constant 5 : i32
    %dma_wait3A_374 = arith.constant 0 : i32
    %dma_wait3A_375 = arith.constant 0 : i32
    %dma_wait3A_376 = tpu.memref_slice %arg13[%dma_wait3A_372, %dma_wait3A_374, %dma_wait3A_375] : memref<6x64x256xf32, #tpu.memory_space<vmem>> -> memref<1x64x256xf32, #tpu.memory_space<vmem>>
    %dma_wait3A_377 = tpu.memref_squeeze %dma_wait3A_376 : memref<1x64x256xf32, #tpu.memory_space<vmem>> -> memref<64x256xf32, #tpu.memory_space<vmem>>
    %dma_wait3A_378 = arith.constant 0 : i32
    %dma_wait3A_379 = tpu.memref_slice %arg7[%add3A_371, %dma_wait3A_378] : memref<114688x256xf32, #tpu.memory_space<hbm>> -> memref<64x256xf32, #tpu.memory_space<hbm>>
    %dma_wait3A_380 = tpu.memref_slice %arg15[%dma_wait3A_373] : memref<6x!tpu.dma_semaphore, #tpu.memory_space<semaphore_mem>> -> memref<1x!tpu.dma_semaphore, #tpu.memory_space<semaphore_mem>>
    %dma_wait3A_381 = tpu.memref_squeeze %dma_wait3A_380 : memref<1x!tpu.dma_semaphore, #tpu.memory_space<semaphore_mem>> -> memref<!tpu.dma_semaphore, #tpu.memory_space<semaphore_mem>>
    %dma_wait3A_382 = arith.constant 0 : i32
    %dma_wait3A_383 = tpu.memref_slice %arg7[%add3A_371, %dma_wait3A_382] : memref<114688x256xf32, #tpu.memory_space<hbm>> -> memref<64x256xf32, #tpu.memory_space<hbm>>
    %dma_wait3A_384 = arith.constant 0 : i32
    %dma_wait3A_385 = arith.constant 0 : i32
    %dma_wait3A_386 = tpu.memref_slice %arg13[%dma_wait3A_372, %dma_wait3A_384, %dma_wait3A_385] : memref<6x64x256xf32, #tpu.memory_space<vmem>> -> memref<1x64x256xf32, #tpu.memory_space<vmem>>
    %dma_wait3A_387 = tpu.memref_squeeze %dma_wait3A_386 : memref<1x64x256xf32, #tpu.memory_space<vmem>> -> memref<64x256xf32, #tpu.memory_space<vmem>>
    tpu.wait_dma2 semaphore(%dma_wait3A_381 : memref<!tpu.dma_semaphore, #tpu.memory_space<semaphore_mem>>) src(%dma_wait3A_387 : memref<64x256xf32, #tpu.memory_space<vmem>>) dst(%dma_wait3A_383 : memref<64x256xf32, #tpu.memory_space<hbm>>)
    return
  }
}

module attributes {stable_mosaic.version = 14 : i64} {
  func.func @_table_body(%arg0: memref<16x256xf32, #tpu.memory_space<vmem>>, %arg1: memref<8x256xf32, #tpu.memory_space<vmem>>, %arg2: memref<8x256xf32, #tpu.memory_space<vmem>>, %arg3: memref<256x256xf32, #tpu.memory_space<vmem>>) attributes {dimension_semantics = [], scalar_prefetch = 0 : i64, scratch_operands = 0 : i64, tpu.core_type = #tpu.core_type<tc>} {
    %iota3A = tpu.iota {dimensions = array<i32: 0>} : vector<256x1xi32>
    %jit3A = arith.constant 16 : i32
    %div3A = vector.broadcast %jit3A : i32 to vector<256x1xi32>
    %div3A_0 = arith.divsi %iota3A, %div3A : vector<256x1xi32>
    %sign3A = arith.constant 0 : i32
    %sign3A_1 = vector.broadcast %sign3A : i32 to vector<256x1xi32>
    %sign3A_2 = arith.cmpi sgt, %iota3A, %sign3A_1 : vector<256x1xi32>
    %sign3A_3 = arith.extui %sign3A_2 : vector<256x1xi1> to vector<256x1xi32>
    %sign3A_4 = arith.constant 0 : i32
    %sign3A_5 = vector.broadcast %sign3A_4 : i32 to vector<256x1xi32>
    %sign3A_6 = arith.cmpi slt, %iota3A, %sign3A_5 : vector<256x1xi32>
    %sign3A_7 = arith.extui %sign3A_6 : vector<256x1xi1> to vector<256x1xi32>
    %sign3A_8 = arith.subi %sign3A_3, %sign3A_7 : vector<256x1xi32>
    %sign3A_9 = arith.constant 0 : i32
    %sign3A_10 = arith.cmpi sgt, %jit3A, %sign3A_9 : i32
    %sign3A_11 = arith.extui %sign3A_10 : i1 to i32
    %sign3A_12 = arith.constant 0 : i32
    %sign3A_13 = arith.cmpi slt, %jit3A, %sign3A_12 : i32
    %sign3A_14 = arith.extui %sign3A_13 : i1 to i32
    %sign3A_15 = arith.subi %sign3A_11, %sign3A_14 : i32
    %ne3A = vector.broadcast %sign3A_15 : i32 to vector<256x1xi32>
    %ne3A_16 = arith.cmpi ne, %sign3A_8, %ne3A : vector<256x1xi32>
    %rem3A = vector.broadcast %jit3A : i32 to vector<256x1xi32>
    %rem3A_17 = arith.remsi %iota3A, %rem3A : vector<256x1xi32>
    %ne3A_18 = arith.constant 0 : i32
    %ne3A_19 = vector.broadcast %ne3A_18 : i32 to vector<256x1xi32>
    %ne3A_20 = arith.cmpi ne, %rem3A_17, %ne3A_19 : vector<256x1xi32>
    %and3A = arith.andi %ne3A_16, %ne3A_20 : vector<256x1xi1>
    %sub3A = arith.constant 1 : i32
    %sub3A_21 = vector.broadcast %sub3A : i32 to vector<256x1xi32>
    %sub3A_22 = arith.subi %div3A_0, %sub3A_21 : vector<256x1xi32>
    %select_n3A = arith.select %and3A, %sub3A_22, %div3A_0 : vector<256x1xi1>, vector<256x1xi32>
    %iota3A_23 = tpu.iota {dimensions = array<i32: 1>} : vector<256x16xi32>
    %eq3A = vector.broadcast %select_n3A : vector<256x1xi32> to vector<256x16xi32>
    %eq3A_24 = arith.cmpi eq, %eq3A, %iota3A_23 : vector<256x16xi32>
    %convert_element_type3A = arith.extui %eq3A_24 : vector<256x16xi1> to vector<256x16xi32>
    %convert_element_type3A_25 = arith.sitofp %convert_element_type3A : vector<256x16xi32> to vector<256x16xf32>
    %jit3A_26 = arith.constant 4 : i32
    %div3A_27 = vector.broadcast %jit3A_26 : i32 to vector<256x1xi32>
    %div3A_28 = arith.divsi %iota3A, %div3A_27 : vector<256x1xi32>
    %sign3A_29 = arith.constant 0 : i32
    %sign3A_30 = vector.broadcast %sign3A_29 : i32 to vector<256x1xi32>
    %sign3A_31 = arith.cmpi sgt, %iota3A, %sign3A_30 : vector<256x1xi32>
    %sign3A_32 = arith.extui %sign3A_31 : vector<256x1xi1> to vector<256x1xi32>
    %sign3A_33 = arith.constant 0 : i32
    %sign3A_34 = vector.broadcast %sign3A_33 : i32 to vector<256x1xi32>
    %sign3A_35 = arith.cmpi slt, %iota3A, %sign3A_34 : vector<256x1xi32>
    %sign3A_36 = arith.extui %sign3A_35 : vector<256x1xi1> to vector<256x1xi32>
    %sign3A_37 = arith.subi %sign3A_32, %sign3A_36 : vector<256x1xi32>
    %sign3A_38 = arith.constant 0 : i32
    %sign3A_39 = arith.cmpi sgt, %jit3A_26, %sign3A_38 : i32
    %sign3A_40 = arith.extui %sign3A_39 : i1 to i32
    %sign3A_41 = arith.constant 0 : i32
    %sign3A_42 = arith.cmpi slt, %jit3A_26, %sign3A_41 : i32
    %sign3A_43 = arith.extui %sign3A_42 : i1 to i32
    %sign3A_44 = arith.subi %sign3A_40, %sign3A_43 : i32
    %ne3A_45 = vector.broadcast %sign3A_44 : i32 to vector<256x1xi32>
    %ne3A_46 = arith.cmpi ne, %sign3A_37, %ne3A_45 : vector<256x1xi32>
    %rem3A_47 = vector.broadcast %jit3A_26 : i32 to vector<256x1xi32>
    %rem3A_48 = arith.remsi %iota3A, %rem3A_47 : vector<256x1xi32>
    %ne3A_49 = arith.constant 0 : i32
    %ne3A_50 = vector.broadcast %ne3A_49 : i32 to vector<256x1xi32>
    %ne3A_51 = arith.cmpi ne, %rem3A_48, %ne3A_50 : vector<256x1xi32>
    %and3A_52 = arith.andi %ne3A_46, %ne3A_51 : vector<256x1xi1>
    %sub3A_53 = arith.constant 1 : i32
    %sub3A_54 = vector.broadcast %sub3A_53 : i32 to vector<256x1xi32>
    %sub3A_55 = arith.subi %div3A_28, %sub3A_54 : vector<256x1xi32>
    %select_n3A_56 = arith.select %and3A_52, %sub3A_55, %div3A_28 : vector<256x1xi1>, vector<256x1xi32>
    %jit3A_57 = arith.constant 4 : i32
    %eq3A_58 = arith.constant 0 : i32
    %eq3A_59 = arith.cmpi eq, %jit3A_57, %eq3A_58 : i32
    %jit3A_60 = arith.constant 1 : i32
    %select_n3A_61 = arith.select %eq3A_59, %jit3A_60, %jit3A_57 : i32
    %rem3A_62 = vector.broadcast %select_n3A_61 : i32 to vector<256x1xi32>
    %rem3A_63 = arith.remsi %select_n3A_56, %rem3A_62 : vector<256x1xi32>
    %ne3A_64 = arith.constant 0 : i32
    %ne3A_65 = vector.broadcast %ne3A_64 : i32 to vector<256x1xi32>
    %ne3A_66 = arith.cmpi ne, %rem3A_63, %ne3A_65 : vector<256x1xi32>
    %lt3A = arith.constant 0 : i32
    %lt3A_67 = vector.broadcast %lt3A : i32 to vector<256x1xi32>
    %lt3A_68 = arith.cmpi slt, %rem3A_63, %lt3A_67 : vector<256x1xi32>
    %lt3A_69 = arith.constant 0 : i32
    %lt3A_70 = arith.cmpi slt, %select_n3A_61, %lt3A_69 : i32
    %ne3A_71 = vector.broadcast %lt3A_70 : i1 to vector<256x1xi1>
    %ne3A_72 = vector.broadcast %ne3A_71 : vector<256x1xi1> to vector<256x1xi1>
    %ne3A_73 = arith.xori %lt3A_68, %ne3A_72 : vector<256x1xi1>
    %and3A_74 = arith.andi %ne3A_73, %ne3A_66 : vector<256x1xi1>
    %add3A = vector.broadcast %select_n3A_61 : i32 to vector<256x1xi32>
    %add3A_75 = arith.addi %rem3A_63, %add3A : vector<256x1xi32>
    %select_n3A_76 = arith.select %and3A_74, %add3A_75, %rem3A_63 : vector<256x1xi1>, vector<256x1xi32>
    %iota3A_77 = tpu.iota {dimensions = array<i32: 1>} : vector<256x8xi32>
    %eq3A_78 = vector.broadcast %select_n3A_76 : vector<256x1xi32> to vector<256x8xi32>
    %eq3A_79 = arith.cmpi eq, %eq3A_78, %iota3A_77 : vector<256x8xi32>
    %convert_element_type3A_80 = arith.extui %eq3A_79 : vector<256x8xi1> to vector<256x8xi32>
    %convert_element_type3A_81 = arith.sitofp %convert_element_type3A_80 : vector<256x8xi32> to vector<256x8xf32>
    %jit3A_82 = arith.constant 4 : i32
    %eq3A_83 = arith.constant 0 : i32
    %eq3A_84 = arith.cmpi eq, %jit3A_82, %eq3A_83 : i32
    %jit3A_85 = arith.constant 1 : i32
    %select_n3A_86 = arith.select %eq3A_84, %jit3A_85, %jit3A_82 : i32
    %rem3A_87 = vector.broadcast %select_n3A_86 : i32 to vector<256x1xi32>
    %rem3A_88 = arith.remsi %iota3A, %rem3A_87 : vector<256x1xi32>
    %ne3A_89 = arith.constant 0 : i32
    %ne3A_90 = vector.broadcast %ne3A_89 : i32 to vector<256x1xi32>
    %ne3A_91 = arith.cmpi ne, %rem3A_88, %ne3A_90 : vector<256x1xi32>
    %lt3A_92 = arith.constant 0 : i32
    %lt3A_93 = vector.broadcast %lt3A_92 : i32 to vector<256x1xi32>
    %lt3A_94 = arith.cmpi slt, %rem3A_88, %lt3A_93 : vector<256x1xi32>
    %lt3A_95 = arith.constant 0 : i32
    %lt3A_96 = arith.cmpi slt, %select_n3A_86, %lt3A_95 : i32
    %ne3A_97 = vector.broadcast %lt3A_96 : i1 to vector<256x1xi1>
    %ne3A_98 = vector.broadcast %ne3A_97 : vector<256x1xi1> to vector<256x1xi1>
    %ne3A_99 = arith.xori %lt3A_94, %ne3A_98 : vector<256x1xi1>
    %and3A_100 = arith.andi %ne3A_99, %ne3A_91 : vector<256x1xi1>
    %add3A_101 = vector.broadcast %select_n3A_86 : i32 to vector<256x1xi32>
    %add3A_102 = arith.addi %rem3A_88, %add3A_101 : vector<256x1xi32>
    %select_n3A_103 = arith.select %and3A_100, %add3A_102, %rem3A_88 : vector<256x1xi1>, vector<256x1xi32>
    %iota3A_104 = tpu.iota {dimensions = array<i32: 1>} : vector<256x8xi32>
    %eq3A_105 = vector.broadcast %select_n3A_103 : vector<256x1xi32> to vector<256x8xi32>
    %eq3A_106 = arith.cmpi eq, %eq3A_105, %iota3A_104 : vector<256x8xi32>
    %convert_element_type3A_107 = arith.extui %eq3A_106 : vector<256x8xi1> to vector<256x8xi32>
    %convert_element_type3A_108 = arith.sitofp %convert_element_type3A_107 : vector<256x8xi32> to vector<256x8xf32>
    %get3A = arith.constant 0 : index
    %get3A_109 = arith.constant 0 : index
    %get3A_110 = vector.load %arg0[%get3A, %get3A_109] : memref<16x256xf32, #tpu.memory_space<vmem>>, vector<16x256xf32>
    %dot_general3A = arith.constant dense<0.000000e+00> : vector<256x256xf32>
    %dot_general3A_111 = tpu.matmul %convert_element_type3A_25, %get3A_110, %dot_general3A {dimension_numbers = #tpu.dot_dimension_numbers<[1], [0], [0], [1], [0, 0, 1, 1], [], []>, precision = #tpu.contract_precision<fp32>, transpose_lhs_hint = false} : vector<256x16xf32>, vector<16x256xf32>, vector<256x256xf32> -> vector<256x256xf32>
    %get3A_112 = arith.constant 0 : index
    %get3A_113 = arith.constant 0 : index
    %get3A_114 = vector.load %arg1[%get3A_112, %get3A_113] : memref<8x256xf32, #tpu.memory_space<vmem>>, vector<8x256xf32>
    %dot_general3A_115 = arith.constant dense<0.000000e+00> : vector<256x256xf32>
    %dot_general3A_116 = tpu.matmul %convert_element_type3A_81, %get3A_114, %dot_general3A_115 {dimension_numbers = #tpu.dot_dimension_numbers<[1], [0], [0], [1], [0, 0, 1, 1], [], []>, precision = #tpu.contract_precision<fp32>, transpose_lhs_hint = false} : vector<256x8xf32>, vector<8x256xf32>, vector<256x256xf32> -> vector<256x256xf32>
    %add3A_117 = arith.addf %dot_general3A_111, %dot_general3A_116 : vector<256x256xf32>
    %get3A_118 = arith.constant 0 : index
    %get3A_119 = arith.constant 0 : index
    %get3A_120 = vector.load %arg2[%get3A_118, %get3A_119] : memref<8x256xf32, #tpu.memory_space<vmem>>, vector<8x256xf32>
    %dot_general3A_121 = arith.constant dense<0.000000e+00> : vector<256x256xf32>
    %dot_general3A_122 = tpu.matmul %convert_element_type3A_108, %get3A_120, %dot_general3A_121 {dimension_numbers = #tpu.dot_dimension_numbers<[1], [0], [0], [1], [0, 0, 1, 1], [], []>, precision = #tpu.contract_precision<fp32>, transpose_lhs_hint = false} : vector<256x8xf32>, vector<8x256xf32>, vector<256x256xf32> -> vector<256x256xf32>
    %add3A_123 = arith.addf %add3A_117, %dot_general3A_122 : vector<256x256xf32>
    %lt3A_124 = arith.constant 208 : i32
    %lt3A_125 = vector.broadcast %lt3A_124 : i32 to vector<256x1xi32>
    %lt3A_126 = arith.cmpi slt, %iota3A, %lt3A_125 : vector<256x1xi32>
    %jit3A_127 = arith.constant 0.000000e+00 : f32
    %broadcast_in_dim3A = vector.shape_cast %lt3A_126 : vector<256x1xi1> to vector<256x1xi1>
    %broadcast_in_dim3A_128 = vector.broadcast %broadcast_in_dim3A : vector<256x1xi1> to vector<256x256xi1>
    %broadcast_in_dim3A_129 = vector.broadcast %jit3A_127 : f32 to vector<256x256xf32>
    %select_n3A_130 = arith.select %broadcast_in_dim3A_128, %add3A_123, %broadcast_in_dim3A_129 : vector<256x256xi1>, vector<256x256xf32>
    %swap3A = arith.constant 0 : index
    %swap3A_131 = arith.constant 0 : index
    %swap3A_132 = vector.load %arg3[%swap3A, %swap3A_131] : memref<256x256xf32, #tpu.memory_space<vmem>>, vector<256x256xf32>
    tpu.vector_store %arg3[%swap3A, %swap3A_131], %select_n3A_130 {strides = array<i32>} : memref<256x256xf32, #tpu.memory_space<vmem>>, vector<256x256xf32>,
    return
  }
}

module attributes {stable_mosaic.version = 14 : i64} {
  func.func @_tc_main_body(%arg0: i32, %arg1: memref<1x32x128xi32, #tpu.memory_space<vmem>>, %arg2: memref<1x32x128xi32, #tpu.memory_space<vmem>>, %arg3: memref<1x32x128xi32, #tpu.memory_space<vmem>>, %arg4: memref<1x32x128xi32, #tpu.memory_space<vmem>>, %arg5: memref<96x256xbf16, #tpu.memory_space<vmem>>, %arg6: memref<114688x256xf32, #tpu.memory_space<any>>, %arg7: memref<4096x256xf32, #tpu.memory_space<vmem>>) attributes {dimension_semantics = [#tpu.dimension_semantics<arbitrary>], iteration_bounds = array<i64: 25>, scalar_prefetch = 0 : i64, scratch_operands = 0 : i64, tpu.core_type = #tpu.core_type<tc>, window_params = [{transform_indices = @transform_0, window_bounds = array<i64: 1, 32, 128>}, {transform_indices = @transform_1, window_bounds = array<i64: 1, 32, 128>}, {transform_indices = @transform_2, window_bounds = array<i64: 1, 32, 128>}, {transform_indices = @transform_3, window_bounds = array<i64: 1, 32, 128>}, {pipeline_mode = #tpu.pipeline_mode<synchronous>, transform_indices = @transform_4, window_bounds = array<i64: 96, 256>}, {}, {transform_indices = @transform_6, window_bounds = array<i64: 4096, 256>}]} {
    %iota3A = tpu.iota {dimensions = array<i32: 0>} : vector<32x128xi32>
    %get3A = arith.constant 0 : index
    %get3A_0 = arith.constant 0 : index
    %get3A_1 = arith.constant 0 : index
    %get3A_2 = vector.load %arg3[%get3A, %get3A_0, %get3A_1] : memref<1x32x128xi32, #tpu.memory_space<vmem>>, vector<1x1x128xi32>
    %get3A_3 = vector.shape_cast %get3A_2 : vector<1x1x128xi32> to vector<1x128xi32>
    %eq3A = vector.broadcast %get3A_3 : vector<1x128xi32> to vector<32x128xi32>
    %eq3A_4 = arith.cmpi eq, %iota3A, %eq3A : vector<32x128xi32>
    %get3A_5 = arith.constant 0 : index
    %get3A_6 = arith.constant 0 : index
    %get3A_7 = arith.constant 0 : index
    %get3A_8 = vector.load %arg4[%get3A_5, %get3A_6, %get3A_7] : memref<1x32x128xi32, #tpu.memory_space<vmem>>, vector<1x1x128xi32>
    %get3A_9 = vector.shape_cast %get3A_8 : vector<1x1x128xi32> to vector<1x128xi32>
    %add3A = arith.constant 16 : i32
    %add3A_10 = vector.broadcast %add3A : i32 to vector<1x128xi32>
    %add3A_11 = arith.addi %get3A_9, %add3A_10 : vector<1x128xi32>
    %eq3A_12 = vector.broadcast %add3A_11 : vector<1x128xi32> to vector<32x128xi32>
    %eq3A_13 = arith.cmpi eq, %iota3A, %eq3A_12 : vector<32x128xi32>
    %or3A = arith.ori %eq3A_4, %eq3A_13 : vector<32x128xi1>
    %get3A_14 = arith.constant 0 : index
    %get3A_15 = arith.constant 0 : index
    %get3A_16 = arith.constant 0 : index
    %get3A_17 = vector.load %arg2[%get3A_14, %get3A_15, %get3A_16] : memref<1x32x128xi32, #tpu.memory_space<vmem>>, vector<1x1x128xi32>
    %get3A_18 = vector.shape_cast %get3A_17 : vector<1x1x128xi32> to vector<1x128xi32>
    %add3A_19 = arith.constant 24 : i32
    %add3A_20 = vector.broadcast %add3A_19 : i32 to vector<1x128xi32>
    %add3A_21 = arith.addi %get3A_18, %add3A_20 : vector<1x128xi32>
    %eq3A_22 = vector.broadcast %add3A_21 : vector<1x128xi32> to vector<32x128xi32>
    %eq3A_23 = arith.cmpi eq, %iota3A, %eq3A_22 : vector<32x128xi32>
    %or3A_24 = arith.ori %or3A, %eq3A_23 : vector<32x128xi1>
    %get3A_25 = arith.constant 0 : index
    %get3A_26 = arith.constant 0 : index
    %get3A_27 = arith.constant 0 : index
    %get3A_28 = vector.load %arg1[%get3A_25, %get3A_26, %get3A_27] : memref<1x32x128xi32, #tpu.memory_space<vmem>>, vector<1x1x128xi32>
    %get3A_29 = vector.shape_cast %get3A_28 : vector<1x1x128xi32> to vector<1x128xi32>
    %ge3A = arith.constant 0 : i32
    %ge3A_30 = vector.broadcast %ge3A : i32 to vector<1x128xi32>
    %ge3A_31 = arith.cmpi sge, %get3A_29, %ge3A_30 : vector<1x128xi32>
    %and3A = vector.broadcast %ge3A_31 : vector<1x128xi1> to vector<32x128xi1>
    %and3A_32 = arith.andi %or3A_24, %and3A : vector<32x128xi1>
    %jit3A = arith.constant 1.000000e+00 : f32
    %jit3A_33 = arith.constant 0.000000e+00 : f32
    %broadcast_in_dim3A = vector.broadcast %jit3A : f32 to vector<32x128xf32>
    %broadcast_in_dim3A_34 = vector.broadcast %jit3A_33 : f32 to vector<32x128xf32>
    %select_n3A = arith.select %and3A_32, %broadcast_in_dim3A, %broadcast_in_dim3A_34 : vector<32x128xi1>, vector<32x128xf32>
    %convert_element_type3A = arith.truncf %select_n3A : vector<32x128xf32> to vector<32x128xbf16>
    %concatenate3A = tpu.concatenate %convert_element_type3A, %convert_element_type3A, %convert_element_type3A in 0 : vector<32x128xbf16>, vector<32x128xbf16>, vector<32x128xbf16> -> vector<96x128xbf16>
    %get3A_35 = arith.constant 0 : index
    %get3A_36 = arith.constant 0 : index
    %get3A_37 = vector.load %arg5[%get3A_35, %get3A_36] : memref<96x256xbf16, #tpu.memory_space<vmem>>, vector<96x256xbf16>
    %dot_general3A = arith.constant dense<0.000000e+00> : vector<128x256xf32>
    %dot_general3A_38 = tpu.matmul %concatenate3A, %get3A_37, %dot_general3A {dimension_numbers = #tpu.dot_dimension_numbers<[0], [0], [1], [1], [0, 1, 1, 1], [], []>, transpose_lhs_hint = false} : vector<96x128xbf16>, vector<96x256xbf16>, vector<128x256xf32> -> vector<128x256xf32>
    %swap3A = arith.constant 0 : index
    %swap3A_39 = arith.constant 0 : index
    %swap3A_40 = vector.load %arg7[%swap3A, %swap3A_39] : memref<4096x256xf32, #tpu.memory_space<vmem>>, vector<128x256xf32>
    tpu.vector_store %arg7[%swap3A, %swap3A_39], %dot_general3A_38 {strides = array<i32>} : memref<4096x256xf32, #tpu.memory_space<vmem>>, vector<128x256xf32>,
    %get3A_41 = arith.constant 0 : index
    %get3A_42 = arith.constant 1 : index
    %get3A_43 = arith.constant 0 : index
    %get3A_44 = vector.load %arg3[%get3A_41, %get3A_42, %get3A_43] : memref<1x32x128xi32, #tpu.memory_space<vmem>>, vector<1x1x128xi32>
    %get3A_45 = vector.shape_cast %get3A_44 : vector<1x1x128xi32> to vector<1x128xi32>
    %eq3A_46 = vector.broadcast %get3A_45 : vector<1x128xi32> to vector<32x128xi32>
    %eq3A_47 = arith.cmpi eq, %iota3A, %eq3A_46 : vector<32x128xi32>
    %get3A_48 = arith.constant 0 : index
    %get3A_49 = arith.constant 1 : index
    %get3A_50 = arith.constant 0 : index
    %get3A_51 = vector.load %arg4[%get3A_48, %get3A_49, %get3A_50] : memref<1x32x128xi32, #tpu.memory_space<vmem>>, vector<1x1x128xi32>
    %get3A_52 = vector.shape_cast %get3A_51 : vector<1x1x128xi32> to vector<1x128xi32>
    %add3A_53 = arith.constant 16 : i32
    %add3A_54 = vector.broadcast %add3A_53 : i32 to vector<1x128xi32>
    %add3A_55 = arith.addi %get3A_52, %add3A_54 : vector<1x128xi32>
    %eq3A_56 = vector.broadcast %add3A_55 : vector<1x128xi32> to vector<32x128xi32>
    %eq3A_57 = arith.cmpi eq, %iota3A, %eq3A_56 : vector<32x128xi32>
    %or3A_58 = arith.ori %eq3A_47, %eq3A_57 : vector<32x128xi1>
    %get3A_59 = arith.constant 0 : index
    %get3A_60 = arith.constant 1 : index
    %get3A_61 = arith.constant 0 : index
    %get3A_62 = vector.load %arg2[%get3A_59, %get3A_60, %get3A_61] : memref<1x32x128xi32, #tpu.memory_space<vmem>>, vector<1x1x128xi32>
    %get3A_63 = vector.shape_cast %get3A_62 : vector<1x1x128xi32> to vector<1x128xi32>
    %add3A_64 = arith.constant 24 : i32
    %add3A_65 = vector.broadcast %add3A_64 : i32 to vector<1x128xi32>
    %add3A_66 = arith.addi %get3A_63, %add3A_65 : vector<1x128xi32>
    %eq3A_67 = vector.broadcast %add3A_66 : vector<1x128xi32> to vector<32x128xi32>
    %eq3A_68 = arith.cmpi eq, %iota3A, %eq3A_67 : vector<32x128xi32>
    %or3A_69 = arith.ori %or3A_58, %eq3A_68 : vector<32x128xi1>
    %get3A_70 = arith.constant 0 : index
    %get3A_71 = arith.constant 1 : index
    %get3A_72 = arith.constant 0 : index
    %get3A_73 = vector.load %arg1[%get3A_70, %get3A_71, %get3A_72] : memref<1x32x128xi32, #tpu.memory_space<vmem>>, vector<1x1x128xi32>
    %get3A_74 = vector.shape_cast %get3A_73 : vector<1x1x128xi32> to vector<1x128xi32>
    %ge3A_75 = arith.constant 0 : i32
    %ge3A_76 = vector.broadcast %ge3A_75 : i32 to vector<1x128xi32>
    %ge3A_77 = arith.cmpi sge, %get3A_74, %ge3A_76 : vector<1x128xi32>
    %and3A_78 = vector.broadcast %ge3A_77 : vector<1x128xi1> to vector<32x128xi1>
    %and3A_79 = arith.andi %or3A_69, %and3A_78 : vector<32x128xi1>
    %jit3A_80 = arith.constant 1.000000e+00 : f32
    %jit3A_81 = arith.constant 0.000000e+00 : f32
    %broadcast_in_dim3A_82 = vector.broadcast %jit3A_80 : f32 to vector<32x128xf32>
    %broadcast_in_dim3A_83 = vector.broadcast %jit3A_81 : f32 to vector<32x128xf32>
    %select_n3A_84 = arith.select %and3A_79, %broadcast_in_dim3A_82, %broadcast_in_dim3A_83 : vector<32x128xi1>, vector<32x128xf32>
    %convert_element_type3A_85 = arith.truncf %select_n3A_84 : vector<32x128xf32> to vector<32x128xbf16>
    %concatenate3A_86 = tpu.concatenate %convert_element_type3A_85, %convert_element_type3A_85, %convert_element_type3A_85 in 0 : vector<32x128xbf16>, vector<32x128xbf16>, vector<32x128xbf16> -> vector<96x128xbf16>
    %get3A_87 = arith.constant 0 : index
    %get3A_88 = arith.constant 0 : index
    %get3A_89 = vector.load %arg5[%get3A_87, %get3A_88] : memref<96x256xbf16, #tpu.memory_space<vmem>>, vector<96x256xbf16>
    %dot_general3A_90 = arith.constant dense<0.000000e+00> : vector<128x256xf32>
    %dot_general3A_91 = tpu.matmul %concatenate3A_86, %get3A_89, %dot_general3A_90 {dimension_numbers = #tpu.dot_dimension_numbers<[0], [0], [1], [1], [0, 1, 1, 1], [], []>, transpose_lhs_hint = false} : vector<96x128xbf16>, vector<96x256xbf16>, vector<128x256xf32> -> vector<128x256xf32>
    %swap3A_92 = arith.constant 128 : index
    %swap3A_93 = arith.constant 0 : index
    %swap3A_94 = vector.load %arg7[%swap3A_92, %swap3A_93] : memref<4096x256xf32, #tpu.memory_space<vmem>>, vector<128x256xf32>
    tpu.vector_store %arg7[%swap3A_92, %swap3A_93], %dot_general3A_91 {strides = array<i32>} : memref<4096x256xf32, #tpu.memory_space<vmem>>, vector<128x256xf32>,
    %get3A_95 = arith.constant 0 : index
    %get3A_96 = arith.constant 2 : index
    %get3A_97 = arith.constant 0 : index
    %get3A_98 = vector.load %arg3[%get3A_95, %get3A_96, %get3A_97] : memref<1x32x128xi32, #tpu.memory_space<vmem>>, vector<1x1x128xi32>
    %get3A_99 = vector.shape_cast %get3A_98 : vector<1x1x128xi32> to vector<1x128xi32>
    %eq3A_100 = vector.broadcast %get3A_99 : vector<1x128xi32> to vector<32x128xi32>
    %eq3A_101 = arith.cmpi eq, %iota3A, %eq3A_100 : vector<32x128xi32>
    %get3A_102 = arith.constant 0 : index
    %get3A_103 = arith.constant 2 : index
    %get3A_104 = arith.constant 0 : index
    %get3A_105 = vector.load %arg4[%get3A_102, %get3A_103, %get3A_104] : memref<1x32x128xi32, #tpu.memory_space<vmem>>, vector<1x1x128xi32>
    %get3A_106 = vector.shape_cast %get3A_105 : vector<1x1x128xi32> to vector<1x128xi32>
    %add3A_107 = arith.constant 16 : i32
    %add3A_108 = vector.broadcast %add3A_107 : i32 to vector<1x128xi32>
    %add3A_109 = arith.addi %get3A_106, %add3A_108 : vector<1x128xi32>
    %eq3A_110 = vector.broadcast %add3A_109 : vector<1x128xi32> to vector<32x128xi32>
    %eq3A_111 = arith.cmpi eq, %iota3A, %eq3A_110 : vector<32x128xi32>
    %or3A_112 = arith.ori %eq3A_101, %eq3A_111 : vector<32x128xi1>
    %get3A_113 = arith.constant 0 : index
    %get3A_114 = arith.constant 2 : index
    %get3A_115 = arith.constant 0 : index
    %get3A_116 = vector.load %arg2[%get3A_113, %get3A_114, %get3A_115] : memref<1x32x128xi32, #tpu.memory_space<vmem>>, vector<1x1x128xi32>
    %get3A_117 = vector.shape_cast %get3A_116 : vector<1x1x128xi32> to vector<1x128xi32>
    %add3A_118 = arith.constant 24 : i32
    %add3A_119 = vector.broadcast %add3A_118 : i32 to vector<1x128xi32>
    %add3A_120 = arith.addi %get3A_117, %add3A_119 : vector<1x128xi32>
    %eq3A_121 = vector.broadcast %add3A_120 : vector<1x128xi32> to vector<32x128xi32>
    %eq3A_122 = arith.cmpi eq, %iota3A, %eq3A_121 : vector<32x128xi32>
    %or3A_123 = arith.ori %or3A_112, %eq3A_122 : vector<32x128xi1>
    %get3A_124 = arith.constant 0 : index
    %get3A_125 = arith.constant 2 : index
    %get3A_126 = arith.constant 0 : index
    %get3A_127 = vector.load %arg1[%get3A_124, %get3A_125, %get3A_126] : memref<1x32x128xi32, #tpu.memory_space<vmem>>, vector<1x1x128xi32>
    %get3A_128 = vector.shape_cast %get3A_127 : vector<1x1x128xi32> to vector<1x128xi32>
    %ge3A_129 = arith.constant 0 : i32
    %ge3A_130 = vector.broadcast %ge3A_129 : i32 to vector<1x128xi32>
    %ge3A_131 = arith.cmpi sge, %get3A_128, %ge3A_130 : vector<1x128xi32>
    %and3A_132 = vector.broadcast %ge3A_131 : vector<1x128xi1> to vector<32x128xi1>
    %and3A_133 = arith.andi %or3A_123, %and3A_132 : vector<32x128xi1>
    %jit3A_134 = arith.constant 1.000000e+00 : f32
    %jit3A_135 = arith.constant 0.000000e+00 : f32
    %broadcast_in_dim3A_136 = vector.broadcast %jit3A_134 : f32 to vector<32x128xf32>
    %broadcast_in_dim3A_137 = vector.broadcast %jit3A_135 : f32 to vector<32x128xf32>
    %select_n3A_138 = arith.select %and3A_133, %broadcast_in_dim3A_136, %broadcast_in_dim3A_137 : vector<32x128xi1>, vector<32x128xf32>
    %convert_element_type3A_139 = arith.truncf %select_n3A_138 : vector<32x128xf32> to vector<32x128xbf16>
    %concatenate3A_140 = tpu.concatenate %convert_element_type3A_139, %convert_element_type3A_139, %convert_element_type3A_139 in 0 : vector<32x128xbf16>, vector<32x128xbf16>, vector<32x128xbf16> -> vector<96x128xbf16>
    %get3A_141 = arith.constant 0 : index
    %get3A_142 = arith.constant 0 : index
    %get3A_143 = vector.load %arg5[%get3A_141, %get3A_142] : memref<96x256xbf16, #tpu.memory_space<vmem>>, vector<96x256xbf16>
    %dot_general3A_144 = arith.constant dense<0.000000e+00> : vector<128x256xf32>
    %dot_general3A_145 = tpu.matmul %concatenate3A_140, %get3A_143, %dot_general3A_144 {dimension_numbers = #tpu.dot_dimension_numbers<[0], [0], [1], [1], [0, 1, 1, 1], [], []>, transpose_lhs_hint = false} : vector<96x128xbf16>, vector<96x256xbf16>, vector<128x256xf32> -> vector<128x256xf32>
    %swap3A_146 = arith.constant 256 : index
    %swap3A_147 = arith.constant 0 : index
    %swap3A_148 = vector.load %arg7[%swap3A_146, %swap3A_147] : memref<4096x256xf32, #tpu.memory_space<vmem>>, vector<128x256xf32>
    tpu.vector_store %arg7[%swap3A_146, %swap3A_147], %dot_general3A_145 {strides = array<i32>} : memref<4096x256xf32, #tpu.memory_space<vmem>>, vector<128x256xf32>,
    %get3A_149 = arith.constant 0 : index
    %get3A_150 = arith.constant 3 : index
    %get3A_151 = arith.constant 0 : index
    %get3A_152 = vector.load %arg3[%get3A_149, %get3A_150, %get3A_151] : memref<1x32x128xi32, #tpu.memory_space<vmem>>, vector<1x1x128xi32>
    %get3A_153 = vector.shape_cast %get3A_152 : vector<1x1x128xi32> to vector<1x128xi32>
    %eq3A_154 = vector.broadcast %get3A_153 : vector<1x128xi32> to vector<32x128xi32>
    %eq3A_155 = arith.cmpi eq, %iota3A, %eq3A_154 : vector<32x128xi32>
    %get3A_156 = arith.constant 0 : index
    %get3A_157 = arith.constant 3 : index
    %get3A_158 = arith.constant 0 : index
    %get3A_159 = vector.load %arg4[%get3A_156, %get3A_157, %get3A_158] : memref<1x32x128xi32, #tpu.memory_space<vmem>>, vector<1x1x128xi32>
    %get3A_160 = vector.shape_cast %get3A_159 : vector<1x1x128xi32> to vector<1x128xi32>
    %add3A_161 = arith.constant 16 : i32
    %add3A_162 = vector.broadcast %add3A_161 : i32 to vector<1x128xi32>
    %add3A_163 = arith.addi %get3A_160, %add3A_162 : vector<1x128xi32>
    %eq3A_164 = vector.broadcast %add3A_163 : vector<1x128xi32> to vector<32x128xi32>
    %eq3A_165 = arith.cmpi eq, %iota3A, %eq3A_164 : vector<32x128xi32>
    %or3A_166 = arith.ori %eq3A_155, %eq3A_165 : vector<32x128xi1>
    %get3A_167 = arith.constant 0 : index
    %get3A_168 = arith.constant 3 : index
    %get3A_169 = arith.constant 0 : index
    %get3A_170 = vector.load %arg2[%get3A_167, %get3A_168, %get3A_169] : memref<1x32x128xi32, #tpu.memory_space<vmem>>, vector<1x1x128xi32>
    %get3A_171 = vector.shape_cast %get3A_170 : vector<1x1x128xi32> to vector<1x128xi32>
    %add3A_172 = arith.constant 24 : i32
    %add3A_173 = vector.broadcast %add3A_172 : i32 to vector<1x128xi32>
    %add3A_174 = arith.addi %get3A_171, %add3A_173 : vector<1x128xi32>
    %eq3A_175 = vector.broadcast %add3A_174 : vector<1x128xi32> to vector<32x128xi32>
    %eq3A_176 = arith.cmpi eq, %iota3A, %eq3A_175 : vector<32x128xi32>
    %or3A_177 = arith.ori %or3A_166, %eq3A_176 : vector<32x128xi1>
    %get3A_178 = arith.constant 0 : index
    %get3A_179 = arith.constant 3 : index
    %get3A_180 = arith.constant 0 : index
    %get3A_181 = vector.load %arg1[%get3A_178, %get3A_179, %get3A_180] : memref<1x32x128xi32, #tpu.memory_space<vmem>>, vector<1x1x128xi32>
    %get3A_182 = vector.shape_cast %get3A_181 : vector<1x1x128xi32> to vector<1x128xi32>
    %ge3A_183 = arith.constant 0 : i32
    %ge3A_184 = vector.broadcast %ge3A_183 : i32 to vector<1x128xi32>
    %ge3A_185 = arith.cmpi sge, %get3A_182, %ge3A_184 : vector<1x128xi32>
    %and3A_186 = vector.broadcast %ge3A_185 : vector<1x128xi1> to vector<32x128xi1>
    %and3A_187 = arith.andi %or3A_177, %and3A_186 : vector<32x128xi1>
    %jit3A_188 = arith.constant 1.000000e+00 : f32
    %jit3A_189 = arith.constant 0.000000e+00 : f32
    %broadcast_in_dim3A_190 = vector.broadcast %jit3A_188 : f32 to vector<32x128xf32>
    %broadcast_in_dim3A_191 = vector.broadcast %jit3A_189 : f32 to vector<32x128xf32>
    %select_n3A_192 = arith.select %and3A_187, %broadcast_in_dim3A_190, %broadcast_in_dim3A_191 : vector<32x128xi1>, vector<32x128xf32>
    %convert_element_type3A_193 = arith.truncf %select_n3A_192 : vector<32x128xf32> to vector<32x128xbf16>
    %concatenate3A_194 = tpu.concatenate %convert_element_type3A_193, %convert_element_type3A_193, %convert_element_type3A_193 in 0 : vector<32x128xbf16>, vector<32x128xbf16>, vector<32x128xbf16> -> vector<96x128xbf16>
    %get3A_195 = arith.constant 0 : index
    %get3A_196 = arith.constant 0 : index
    %get3A_197 = vector.load %arg5[%get3A_195, %get3A_196] : memref<96x256xbf16, #tpu.memory_space<vmem>>, vector<96x256xbf16>
    %dot_general3A_198 = arith.constant dense<0.000000e+00> : vector<128x256xf32>
    %dot_general3A_199 = tpu.matmul %concatenate3A_194, %get3A_197, %dot_general3A_198 {dimension_numbers = #tpu.dot_dimension_numbers<[0], [0], [1], [1], [0, 1, 1, 1], [], []>, transpose_lhs_hint = false} : vector<96x128xbf16>, vector<96x256xbf16>, vector<128x256xf32> -> vector<128x256xf32>
    %swap3A_200 = arith.constant 384 : index
    %swap3A_201 = arith.constant 0 : index
    %swap3A_202 = vector.load %arg7[%swap3A_200, %swap3A_201] : memref<4096x256xf32, #tpu.memory_space<vmem>>, vector<128x256xf32>
    tpu.vector_store %arg7[%swap3A_200, %swap3A_201], %dot_general3A_199 {strides = array<i32>} : memref<4096x256xf32, #tpu.memory_space<vmem>>, vector<128x256xf32>,
    %get3A_203 = arith.constant 0 : index
    %get3A_204 = arith.constant 4 : index
    %get3A_205 = arith.constant 0 : index
    %get3A_206 = vector.load %arg3[%get3A_203, %get3A_204, %get3A_205] : memref<1x32x128xi32, #tpu.memory_space<vmem>>, vector<1x1x128xi32>
    %get3A_207 = vector.shape_cast %get3A_206 : vector<1x1x128xi32> to vector<1x128xi32>
    %eq3A_208 = vector.broadcast %get3A_207 : vector<1x128xi32> to vector<32x128xi32>
    %eq3A_209 = arith.cmpi eq, %iota3A, %eq3A_208 : vector<32x128xi32>
    %get3A_210 = arith.constant 0 : index
    %get3A_211 = arith.constant 4 : index
    %get3A_212 = arith.constant 0 : index
    %get3A_213 = vector.load %arg4[%get3A_210, %get3A_211, %get3A_212] : memref<1x32x128xi32, #tpu.memory_space<vmem>>, vector<1x1x128xi32>
    %get3A_214 = vector.shape_cast %get3A_213 : vector<1x1x128xi32> to vector<1x128xi32>
    %add3A_215 = arith.constant 16 : i32
    %add3A_216 = vector.broadcast %add3A_215 : i32 to vector<1x128xi32>
    %add3A_217 = arith.addi %get3A_214, %add3A_216 : vector<1x128xi32>
    %eq3A_218 = vector.broadcast %add3A_217 : vector<1x128xi32> to vector<32x128xi32>
    %eq3A_219 = arith.cmpi eq, %iota3A, %eq3A_218 : vector<32x128xi32>
    %or3A_220 = arith.ori %eq3A_209, %eq3A_219 : vector<32x128xi1>
    %get3A_221 = arith.constant 0 : index
    %get3A_222 = arith.constant 4 : index
    %get3A_223 = arith.constant 0 : index
    %get3A_224 = vector.load %arg2[%get3A_221, %get3A_222, %get3A_223] : memref<1x32x128xi32, #tpu.memory_space<vmem>>, vector<1x1x128xi32>
    %get3A_225 = vector.shape_cast %get3A_224 : vector<1x1x128xi32> to vector<1x128xi32>
    %add3A_226 = arith.constant 24 : i32
    %add3A_227 = vector.broadcast %add3A_226 : i32 to vector<1x128xi32>
    %add3A_228 = arith.addi %get3A_225, %add3A_227 : vector<1x128xi32>
    %eq3A_229 = vector.broadcast %add3A_228 : vector<1x128xi32> to vector<32x128xi32>
    %eq3A_230 = arith.cmpi eq, %iota3A, %eq3A_229 : vector<32x128xi32>
    %or3A_231 = arith.ori %or3A_220, %eq3A_230 : vector<32x128xi1>
    %get3A_232 = arith.constant 0 : index
    %get3A_233 = arith.constant 4 : index
    %get3A_234 = arith.constant 0 : index
    %get3A_235 = vector.load %arg1[%get3A_232, %get3A_233, %get3A_234] : memref<1x32x128xi32, #tpu.memory_space<vmem>>, vector<1x1x128xi32>
    %get3A_236 = vector.shape_cast %get3A_235 : vector<1x1x128xi32> to vector<1x128xi32>
    %ge3A_237 = arith.constant 0 : i32
    %ge3A_238 = vector.broadcast %ge3A_237 : i32 to vector<1x128xi32>
    %ge3A_239 = arith.cmpi sge, %get3A_236, %ge3A_238 : vector<1x128xi32>
    %and3A_240 = vector.broadcast %ge3A_239 : vector<1x128xi1> to vector<32x128xi1>
    %and3A_241 = arith.andi %or3A_231, %and3A_240 : vector<32x128xi1>
    %jit3A_242 = arith.constant 1.000000e+00 : f32
    %jit3A_243 = arith.constant 0.000000e+00 : f32
    %broadcast_in_dim3A_244 = vector.broadcast %jit3A_242 : f32 to vector<32x128xf32>
    %broadcast_in_dim3A_245 = vector.broadcast %jit3A_243 : f32 to vector<32x128xf32>
    %select_n3A_246 = arith.select %and3A_241, %broadcast_in_dim3A_244, %broadcast_in_dim3A_245 : vector<32x128xi1>, vector<32x128xf32>
    %convert_element_type3A_247 = arith.truncf %select_n3A_246 : vector<32x128xf32> to vector<32x128xbf16>
    %concatenate3A_248 = tpu.concatenate %convert_element_type3A_247, %convert_element_type3A_247, %convert_element_type3A_247 in 0 : vector<32x128xbf16>, vector<32x128xbf16>, vector<32x128xbf16> -> vector<96x128xbf16>
    %get3A_249 = arith.constant 0 : index
    %get3A_250 = arith.constant 0 : index
    %get3A_251 = vector.load %arg5[%get3A_249, %get3A_250] : memref<96x256xbf16, #tpu.memory_space<vmem>>, vector<96x256xbf16>
    %dot_general3A_252 = arith.constant dense<0.000000e+00> : vector<128x256xf32>
    %dot_general3A_253 = tpu.matmul %concatenate3A_248, %get3A_251, %dot_general3A_252 {dimension_numbers = #tpu.dot_dimension_numbers<[0], [0], [1], [1], [0, 1, 1, 1], [], []>, transpose_lhs_hint = false} : vector<96x128xbf16>, vector<96x256xbf16>, vector<128x256xf32> -> vector<128x256xf32>
    %swap3A_254 = arith.constant 512 : index
    %swap3A_255 = arith.constant 0 : index
    %swap3A_256 = vector.load %arg7[%swap3A_254, %swap3A_255] : memref<4096x256xf32, #tpu.memory_space<vmem>>, vector<128x256xf32>
    tpu.vector_store %arg7[%swap3A_254, %swap3A_255], %dot_general3A_253 {strides = array<i32>} : memref<4096x256xf32, #tpu.memory_space<vmem>>, vector<128x256xf32>,
    %get3A_257 = arith.constant 0 : index
    %get3A_258 = arith.constant 5 : index
    %get3A_259 = arith.constant 0 : index
    %get3A_260 = vector.load %arg3[%get3A_257, %get3A_258, %get3A_259] : memref<1x32x128xi32, #tpu.memory_space<vmem>>, vector<1x1x128xi32>
    %get3A_261 = vector.shape_cast %get3A_260 : vector<1x1x128xi32> to vector<1x128xi32>
    %eq3A_262 = vector.broadcast %get3A_261 : vector<1x128xi32> to vector<32x128xi32>
    %eq3A_263 = arith.cmpi eq, %iota3A, %eq3A_262 : vector<32x128xi32>
    %get3A_264 = arith.constant 0 : index
    %get3A_265 = arith.constant 5 : index
    %get3A_266 = arith.constant 0 : index
    %get3A_267 = vector.load %arg4[%get3A_264, %get3A_265, %get3A_266] : memref<1x32x128xi32, #tpu.memory_space<vmem>>, vector<1x1x128xi32>
    %get3A_268 = vector.shape_cast %get3A_267 : vector<1x1x128xi32> to vector<1x128xi32>
    %add3A_269 = arith.constant 16 : i32
    %add3A_270 = vector.broadcast %add3A_269 : i32 to vector<1x128xi32>
    %add3A_271 = arith.addi %get3A_268, %add3A_270 : vector<1x128xi32>
    %eq3A_272 = vector.broadcast %add3A_271 : vector<1x128xi32> to vector<32x128xi32>
    %eq3A_273 = arith.cmpi eq, %iota3A, %eq3A_272 : vector<32x128xi32>
    %or3A_274 = arith.ori %eq3A_263, %eq3A_273 : vector<32x128xi1>
    %get3A_275 = arith.constant 0 : index
    %get3A_276 = arith.constant 5 : index
    %get3A_277 = arith.constant 0 : index
    %get3A_278 = vector.load %arg2[%get3A_275, %get3A_276, %get3A_277] : memref<1x32x128xi32, #tpu.memory_space<vmem>>, vector<1x1x128xi32>
    %get3A_279 = vector.shape_cast %get3A_278 : vector<1x1x128xi32> to vector<1x128xi32>
    %add3A_280 = arith.constant 24 : i32
    %add3A_281 = vector.broadcast %add3A_280 : i32 to vector<1x128xi32>
    %add3A_282 = arith.addi %get3A_279, %add3A_281 : vector<1x128xi32>
    %eq3A_283 = vector.broadcast %add3A_282 : vector<1x128xi32> to vector<32x128xi32>
    %eq3A_284 = arith.cmpi eq, %iota3A, %eq3A_283 : vector<32x128xi32>
    %or3A_285 = arith.ori %or3A_274, %eq3A_284 : vector<32x128xi1>
    %get3A_286 = arith.constant 0 : index
    %get3A_287 = arith.constant 5 : index
    %get3A_288 = arith.constant 0 : index
    %get3A_289 = vector.load %arg1[%get3A_286, %get3A_287, %get3A_288] : memref<1x32x128xi32, #tpu.memory_space<vmem>>, vector<1x1x128xi32>
    %get3A_290 = vector.shape_cast %get3A_289 : vector<1x1x128xi32> to vector<1x128xi32>
    %ge3A_291 = arith.constant 0 : i32
    %ge3A_292 = vector.broadcast %ge3A_291 : i32 to vector<1x128xi32>
    %ge3A_293 = arith.cmpi sge, %get3A_290, %ge3A_292 : vector<1x128xi32>
    %and3A_294 = vector.broadcast %ge3A_293 : vector<1x128xi1> to vector<32x128xi1>
    %and3A_295 = arith.andi %or3A_285, %and3A_294 : vector<32x128xi1>
    %jit3A_296 = arith.constant 1.000000e+00 : f32
    %jit3A_297 = arith.constant 0.000000e+00 : f32
    %broadcast_in_dim3A_298 = vector.broadcast %jit3A_296 : f32 to vector<32x128xf32>
    %broadcast_in_dim3A_299 = vector.broadcast %jit3A_297 : f32 to vector<32x128xf32>
    %select_n3A_300 = arith.select %and3A_295, %broadcast_in_dim3A_298, %broadcast_in_dim3A_299 : vector<32x128xi1>, vector<32x128xf32>
    %convert_element_type3A_301 = arith.truncf %select_n3A_300 : vector<32x128xf32> to vector<32x128xbf16>
    %concatenate3A_302 = tpu.concatenate %convert_element_type3A_301, %convert_element_type3A_301, %convert_element_type3A_301 in 0 : vector<32x128xbf16>, vector<32x128xbf16>, vector<32x128xbf16> -> vector<96x128xbf16>
    %get3A_303 = arith.constant 0 : index
    %get3A_304 = arith.constant 0 : index
    %get3A_305 = vector.load %arg5[%get3A_303, %get3A_304] : memref<96x256xbf16, #tpu.memory_space<vmem>>, vector<96x256xbf16>
    %dot_general3A_306 = arith.constant dense<0.000000e+00> : vector<128x256xf32>
    %dot_general3A_307 = tpu.matmul %concatenate3A_302, %get3A_305, %dot_general3A_306 {dimension_numbers = #tpu.dot_dimension_numbers<[0], [0], [1], [1], [0, 1, 1, 1], [], []>, transpose_lhs_hint = false} : vector<96x128xbf16>, vector<96x256xbf16>, vector<128x256xf32> -> vector<128x256xf32>
    %swap3A_308 = arith.constant 640 : index
    %swap3A_309 = arith.constant 0 : index
    %swap3A_310 = vector.load %arg7[%swap3A_308, %swap3A_309] : memref<4096x256xf32, #tpu.memory_space<vmem>>, vector<128x256xf32>
    tpu.vector_store %arg7[%swap3A_308, %swap3A_309], %dot_general3A_307 {strides = array<i32>} : memref<4096x256xf32, #tpu.memory_space<vmem>>, vector<128x256xf32>,
    %get3A_311 = arith.constant 0 : index
    %get3A_312 = arith.constant 6 : index
    %get3A_313 = arith.constant 0 : index
    %get3A_314 = vector.load %arg3[%get3A_311, %get3A_312, %get3A_313] : memref<1x32x128xi32, #tpu.memory_space<vmem>>, vector<1x1x128xi32>
    %get3A_315 = vector.shape_cast %get3A_314 : vector<1x1x128xi32> to vector<1x128xi32>
    %eq3A_316 = vector.broadcast %get3A_315 : vector<1x128xi32> to vector<32x128xi32>
    %eq3A_317 = arith.cmpi eq, %iota3A, %eq3A_316 : vector<32x128xi32>
    %get3A_318 = arith.constant 0 : index
    %get3A_319 = arith.constant 6 : index
    %get3A_320 = arith.constant 0 : index
    %get3A_321 = vector.load %arg4[%get3A_318, %get3A_319, %get3A_320] : memref<1x32x128xi32, #tpu.memory_space<vmem>>, vector<1x1x128xi32>
    %get3A_322 = vector.shape_cast %get3A_321 : vector<1x1x128xi32> to vector<1x128xi32>
    %add3A_323 = arith.constant 16 : i32
    %add3A_324 = vector.broadcast %add3A_323 : i32 to vector<1x128xi32>
    %add3A_325 = arith.addi %get3A_322, %add3A_324 : vector<1x128xi32>
    %eq3A_326 = vector.broadcast %add3A_325 : vector<1x128xi32> to vector<32x128xi32>
    %eq3A_327 = arith.cmpi eq, %iota3A, %eq3A_326 : vector<32x128xi32>
    %or3A_328 = arith.ori %eq3A_317, %eq3A_327 : vector<32x128xi1>
    %get3A_329 = arith.constant 0 : index
    %get3A_330 = arith.constant 6 : index
    %get3A_331 = arith.constant 0 : index
    %get3A_332 = vector.load %arg2[%get3A_329, %get3A_330, %get3A_331] : memref<1x32x128xi32, #tpu.memory_space<vmem>>, vector<1x1x128xi32>
    %get3A_333 = vector.shape_cast %get3A_332 : vector<1x1x128xi32> to vector<1x128xi32>
    %add3A_334 = arith.constant 24 : i32
    %add3A_335 = vector.broadcast %add3A_334 : i32 to vector<1x128xi32>
    %add3A_336 = arith.addi %get3A_333, %add3A_335 : vector<1x128xi32>
    %eq3A_337 = vector.broadcast %add3A_336 : vector<1x128xi32> to vector<32x128xi32>
    %eq3A_338 = arith.cmpi eq, %iota3A, %eq3A_337 : vector<32x128xi32>
    %or3A_339 = arith.ori %or3A_328, %eq3A_338 : vector<32x128xi1>
    %get3A_340 = arith.constant 0 : index
    %get3A_341 = arith.constant 6 : index
    %get3A_342 = arith.constant 0 : index
    %get3A_343 = vector.load %arg1[%get3A_340, %get3A_341, %get3A_342] : memref<1x32x128xi32, #tpu.memory_space<vmem>>, vector<1x1x128xi32>
    %get3A_344 = vector.shape_cast %get3A_343 : vector<1x1x128xi32> to vector<1x128xi32>
    %ge3A_345 = arith.constant 0 : i32
    %ge3A_346 = vector.broadcast %ge3A_345 : i32 to vector<1x128xi32>
    %ge3A_347 = arith.cmpi sge, %get3A_344, %ge3A_346 : vector<1x128xi32>
    %and3A_348 = vector.broadcast %ge3A_347 : vector<1x128xi1> to vector<32x128xi1>
    %and3A_349 = arith.andi %or3A_339, %and3A_348 : vector<32x128xi1>
    %jit3A_350 = arith.constant 1.000000e+00 : f32
    %jit3A_351 = arith.constant 0.000000e+00 : f32
    %broadcast_in_dim3A_352 = vector.broadcast %jit3A_350 : f32 to vector<32x128xf32>
    %broadcast_in_dim3A_353 = vector.broadcast %jit3A_351 : f32 to vector<32x128xf32>
    %select_n3A_354 = arith.select %and3A_349, %broadcast_in_dim3A_352, %broadcast_in_dim3A_353 : vector<32x128xi1>, vector<32x128xf32>
    %convert_element_type3A_355 = arith.truncf %select_n3A_354 : vector<32x128xf32> to vector<32x128xbf16>
    %concatenate3A_356 = tpu.concatenate %convert_element_type3A_355, %convert_element_type3A_355, %convert_element_type3A_355 in 0 : vector<32x128xbf16>, vector<32x128xbf16>, vector<32x128xbf16> -> vector<96x128xbf16>
    %get3A_357 = arith.constant 0 : index
    %get3A_358 = arith.constant 0 : index
    %get3A_359 = vector.load %arg5[%get3A_357, %get3A_358] : memref<96x256xbf16, #tpu.memory_space<vmem>>, vector<96x256xbf16>
    %dot_general3A_360 = arith.constant dense<0.000000e+00> : vector<128x256xf32>
    %dot_general3A_361 = tpu.matmul %concatenate3A_356, %get3A_359, %dot_general3A_360 {dimension_numbers = #tpu.dot_dimension_numbers<[0], [0], [1], [1], [0, 1, 1, 1], [], []>, transpose_lhs_hint = false} : vector<96x128xbf16>, vector<96x256xbf16>, vector<128x256xf32> -> vector<128x256xf32>
    %swap3A_362 = arith.constant 768 : index
    %swap3A_363 = arith.constant 0 : index
    %swap3A_364 = vector.load %arg7[%swap3A_362, %swap3A_363] : memref<4096x256xf32, #tpu.memory_space<vmem>>, vector<128x256xf32>
    tpu.vector_store %arg7[%swap3A_362, %swap3A_363], %dot_general3A_361 {strides = array<i32>} : memref<4096x256xf32, #tpu.memory_space<vmem>>, vector<128x256xf32>,
    %get3A_365 = arith.constant 0 : index
    %get3A_366 = arith.constant 7 : index
    %get3A_367 = arith.constant 0 : index
    %get3A_368 = vector.load %arg3[%get3A_365, %get3A_366, %get3A_367] : memref<1x32x128xi32, #tpu.memory_space<vmem>>, vector<1x1x128xi32>
    %get3A_369 = vector.shape_cast %get3A_368 : vector<1x1x128xi32> to vector<1x128xi32>
    %eq3A_370 = vector.broadcast %get3A_369 : vector<1x128xi32> to vector<32x128xi32>
    %eq3A_371 = arith.cmpi eq, %iota3A, %eq3A_370 : vector<32x128xi32>
    %get3A_372 = arith.constant 0 : index
    %get3A_373 = arith.constant 7 : index
    %get3A_374 = arith.constant 0 : index
    %get3A_375 = vector.load %arg4[%get3A_372, %get3A_373, %get3A_374] : memref<1x32x128xi32, #tpu.memory_space<vmem>>, vector<1x1x128xi32>
    %get3A_376 = vector.shape_cast %get3A_375 : vector<1x1x128xi32> to vector<1x128xi32>
    %add3A_377 = arith.constant 16 : i32
    %add3A_378 = vector.broadcast %add3A_377 : i32 to vector<1x128xi32>
    %add3A_379 = arith.addi %get3A_376, %add3A_378 : vector<1x128xi32>
    %eq3A_380 = vector.broadcast %add3A_379 : vector<1x128xi32> to vector<32x128xi32>
    %eq3A_381 = arith.cmpi eq, %iota3A, %eq3A_380 : vector<32x128xi32>
    %or3A_382 = arith.ori %eq3A_371, %eq3A_381 : vector<32x128xi1>
    %get3A_383 = arith.constant 0 : index
    %get3A_384 = arith.constant 7 : index
    %get3A_385 = arith.constant 0 : index
    %get3A_386 = vector.load %arg2[%get3A_383, %get3A_384, %get3A_385] : memref<1x32x128xi32, #tpu.memory_space<vmem>>, vector<1x1x128xi32>
    %get3A_387 = vector.shape_cast %get3A_386 : vector<1x1x128xi32> to vector<1x128xi32>
    %add3A_388 = arith.constant 24 : i32
    %add3A_389 = vector.broadcast %add3A_388 : i32 to vector<1x128xi32>
    %add3A_390 = arith.addi %get3A_387, %add3A_389 : vector<1x128xi32>
    %eq3A_391 = vector.broadcast %add3A_390 : vector<1x128xi32> to vector<32x128xi32>
    %eq3A_392 = arith.cmpi eq, %iota3A, %eq3A_391 : vector<32x128xi32>
    %or3A_393 = arith.ori %or3A_382, %eq3A_392 : vector<32x128xi1>
    %get3A_394 = arith.constant 0 : index
    %get3A_395 = arith.constant 7 : index
    %get3A_396 = arith.constant 0 : index
    %get3A_397 = vector.load %arg1[%get3A_394, %get3A_395, %get3A_396] : memref<1x32x128xi32, #tpu.memory_space<vmem>>, vector<1x1x128xi32>
    %get3A_398 = vector.shape_cast %get3A_397 : vector<1x1x128xi32> to vector<1x128xi32>
    %ge3A_399 = arith.constant 0 : i32
    %ge3A_400 = vector.broadcast %ge3A_399 : i32 to vector<1x128xi32>
    %ge3A_401 = arith.cmpi sge, %get3A_398, %ge3A_400 : vector<1x128xi32>
    %and3A_402 = vector.broadcast %ge3A_401 : vector<1x128xi1> to vector<32x128xi1>
    %and3A_403 = arith.andi %or3A_393, %and3A_402 : vector<32x128xi1>
    %jit3A_404 = arith.constant 1.000000e+00 : f32
    %jit3A_405 = arith.constant 0.000000e+00 : f32
    %broadcast_in_dim3A_406 = vector.broadcast %jit3A_404 : f32 to vector<32x128xf32>
    %broadcast_in_dim3A_407 = vector.broadcast %jit3A_405 : f32 to vector<32x128xf32>
    %select_n3A_408 = arith.select %and3A_403, %broadcast_in_dim3A_406, %broadcast_in_dim3A_407 : vector<32x128xi1>, vector<32x128xf32>
    %convert_element_type3A_409 = arith.truncf %select_n3A_408 : vector<32x128xf32> to vector<32x128xbf16>
    %concatenate3A_410 = tpu.concatenate %convert_element_type3A_409, %convert_element_type3A_409, %convert_element_type3A_409 in 0 : vector<32x128xbf16>, vector<32x128xbf16>, vector<32x128xbf16> -> vector<96x128xbf16>
    %get3A_411 = arith.constant 0 : index
    %get3A_412 = arith.constant 0 : index
    %get3A_413 = vector.load %arg5[%get3A_411, %get3A_412] : memref<96x256xbf16, #tpu.memory_space<vmem>>, vector<96x256xbf16>
    %dot_general3A_414 = arith.constant dense<0.000000e+00> : vector<128x256xf32>
    %dot_general3A_415 = tpu.matmul %concatenate3A_410, %get3A_413, %dot_general3A_414 {dimension_numbers = #tpu.dot_dimension_numbers<[0], [0], [1], [1], [0, 1, 1, 1], [], []>, transpose_lhs_hint = false} : vector<96x128xbf16>, vector<96x256xbf16>, vector<128x256xf32> -> vector<128x256xf32>
    %swap3A_416 = arith.constant 896 : index
    %swap3A_417 = arith.constant 0 : index
    %swap3A_418 = vector.load %arg7[%swap3A_416, %swap3A_417] : memref<4096x256xf32, #tpu.memory_space<vmem>>, vector<128x256xf32>
    tpu.vector_store %arg7[%swap3A_416, %swap3A_417], %dot_general3A_415 {strides = array<i32>} : memref<4096x256xf32, #tpu.memory_space<vmem>>, vector<128x256xf32>,
    %get3A_419 = arith.constant 0 : index
    %get3A_420 = arith.constant 8 : index
    %get3A_421 = arith.constant 0 : index
    %get3A_422 = vector.load %arg3[%get3A_419, %get3A_420, %get3A_421] : memref<1x32x128xi32, #tpu.memory_space<vmem>>, vector<1x1x128xi32>
    %get3A_423 = vector.shape_cast %get3A_422 : vector<1x1x128xi32> to vector<1x128xi32>
    %eq3A_424 = vector.broadcast %get3A_423 : vector<1x128xi32> to vector<32x128xi32>
    %eq3A_425 = arith.cmpi eq, %iota3A, %eq3A_424 : vector<32x128xi32>
    %get3A_426 = arith.constant 0 : index
    %get3A_427 = arith.constant 8 : index
    %get3A_428 = arith.constant 0 : index
    %get3A_429 = vector.load %arg4[%get3A_426, %get3A_427, %get3A_428] : memref<1x32x128xi32, #tpu.memory_space<vmem>>, vector<1x1x128xi32>
    %get3A_430 = vector.shape_cast %get3A_429 : vector<1x1x128xi32> to vector<1x128xi32>
    %add3A_431 = arith.constant 16 : i32
    %add3A_432 = vector.broadcast %add3A_431 : i32 to vector<1x128xi32>
    %add3A_433 = arith.addi %get3A_430, %add3A_432 : vector<1x128xi32>
    %eq3A_434 = vector.broadcast %add3A_433 : vector<1x128xi32> to vector<32x128xi32>
    %eq3A_435 = arith.cmpi eq, %iota3A, %eq3A_434 : vector<32x128xi32>
    %or3A_436 = arith.ori %eq3A_425, %eq3A_435 : vector<32x128xi1>
    %get3A_437 = arith.constant 0 : index
    %get3A_438 = arith.constant 8 : index
    %get3A_439 = arith.constant 0 : index
    %get3A_440 = vector.load %arg2[%get3A_437, %get3A_438, %get3A_439] : memref<1x32x128xi32, #tpu.memory_space<vmem>>, vector<1x1x128xi32>
    %get3A_441 = vector.shape_cast %get3A_440 : vector<1x1x128xi32> to vector<1x128xi32>
    %add3A_442 = arith.constant 24 : i32
    %add3A_443 = vector.broadcast %add3A_442 : i32 to vector<1x128xi32>
    %add3A_444 = arith.addi %get3A_441, %add3A_443 : vector<1x128xi32>
    %eq3A_445 = vector.broadcast %add3A_444 : vector<1x128xi32> to vector<32x128xi32>
    %eq3A_446 = arith.cmpi eq, %iota3A, %eq3A_445 : vector<32x128xi32>
    %or3A_447 = arith.ori %or3A_436, %eq3A_446 : vector<32x128xi1>
    %get3A_448 = arith.constant 0 : index
    %get3A_449 = arith.constant 8 : index
    %get3A_450 = arith.constant 0 : index
    %get3A_451 = vector.load %arg1[%get3A_448, %get3A_449, %get3A_450] : memref<1x32x128xi32, #tpu.memory_space<vmem>>, vector<1x1x128xi32>
    %get3A_452 = vector.shape_cast %get3A_451 : vector<1x1x128xi32> to vector<1x128xi32>
    %ge3A_453 = arith.constant 0 : i32
    %ge3A_454 = vector.broadcast %ge3A_453 : i32 to vector<1x128xi32>
    %ge3A_455 = arith.cmpi sge, %get3A_452, %ge3A_454 : vector<1x128xi32>
    %and3A_456 = vector.broadcast %ge3A_455 : vector<1x128xi1> to vector<32x128xi1>
    %and3A_457 = arith.andi %or3A_447, %and3A_456 : vector<32x128xi1>
    %jit3A_458 = arith.constant 1.000000e+00 : f32
    %jit3A_459 = arith.constant 0.000000e+00 : f32
    %broadcast_in_dim3A_460 = vector.broadcast %jit3A_458 : f32 to vector<32x128xf32>
    %broadcast_in_dim3A_461 = vector.broadcast %jit3A_459 : f32 to vector<32x128xf32>
    %select_n3A_462 = arith.select %and3A_457, %broadcast_in_dim3A_460, %broadcast_in_dim3A_461 : vector<32x128xi1>, vector<32x128xf32>
    %convert_element_type3A_463 = arith.truncf %select_n3A_462 : vector<32x128xf32> to vector<32x128xbf16>
    %concatenate3A_464 = tpu.concatenate %convert_element_type3A_463, %convert_element_type3A_463, %convert_element_type3A_463 in 0 : vector<32x128xbf16>, vector<32x128xbf16>, vector<32x128xbf16> -> vector<96x128xbf16>
    %get3A_465 = arith.constant 0 : index
    %get3A_466 = arith.constant 0 : index
    %get3A_467 = vector.load %arg5[%get3A_465, %get3A_466] : memref<96x256xbf16, #tpu.memory_space<vmem>>, vector<96x256xbf16>
    %dot_general3A_468 = arith.constant dense<0.000000e+00> : vector<128x256xf32>
    %dot_general3A_469 = tpu.matmul %concatenate3A_464, %get3A_467, %dot_general3A_468 {dimension_numbers = #tpu.dot_dimension_numbers<[0], [0], [1], [1], [0, 1, 1, 1], [], []>, transpose_lhs_hint = false} : vector<96x128xbf16>, vector<96x256xbf16>, vector<128x256xf32> -> vector<128x256xf32>
    %swap3A_470 = arith.constant 1024 : index
    %swap3A_471 = arith.constant 0 : index
    %swap3A_472 = vector.load %arg7[%swap3A_470, %swap3A_471] : memref<4096x256xf32, #tpu.memory_space<vmem>>, vector<128x256xf32>
    tpu.vector_store %arg7[%swap3A_470, %swap3A_471], %dot_general3A_469 {strides = array<i32>} : memref<4096x256xf32, #tpu.memory_space<vmem>>, vector<128x256xf32>,
    %get3A_473 = arith.constant 0 : index
    %get3A_474 = arith.constant 9 : index
    %get3A_475 = arith.constant 0 : index
    %get3A_476 = vector.load %arg3[%get3A_473, %get3A_474, %get3A_475] : memref<1x32x128xi32, #tpu.memory_space<vmem>>, vector<1x1x128xi32>
    %get3A_477 = vector.shape_cast %get3A_476 : vector<1x1x128xi32> to vector<1x128xi32>
    %eq3A_478 = vector.broadcast %get3A_477 : vector<1x128xi32> to vector<32x128xi32>
    %eq3A_479 = arith.cmpi eq, %iota3A, %eq3A_478 : vector<32x128xi32>
    %get3A_480 = arith.constant 0 : index
    %get3A_481 = arith.constant 9 : index
    %get3A_482 = arith.constant 0 : index
    %get3A_483 = vector.load %arg4[%get3A_480, %get3A_481, %get3A_482] : memref<1x32x128xi32, #tpu.memory_space<vmem>>, vector<1x1x128xi32>
    %get3A_484 = vector.shape_cast %get3A_483 : vector<1x1x128xi32> to vector<1x128xi32>
    %add3A_485 = arith.constant 16 : i32
    %add3A_486 = vector.broadcast %add3A_485 : i32 to vector<1x128xi32>
    %add3A_487 = arith.addi %get3A_484, %add3A_486 : vector<1x128xi32>
    %eq3A_488 = vector.broadcast %add3A_487 : vector<1x128xi32> to vector<32x128xi32>
    %eq3A_489 = arith.cmpi eq, %iota3A, %eq3A_488 : vector<32x128xi32>
    %or3A_490 = arith.ori %eq3A_479, %eq3A_489 : vector<32x128xi1>
    %get3A_491 = arith.constant 0 : index
    %get3A_492 = arith.constant 9 : index
    %get3A_493 = arith.constant 0 : index
    %get3A_494 = vector.load %arg2[%get3A_491, %get3A_492, %get3A_493] : memref<1x32x128xi32, #tpu.memory_space<vmem>>, vector<1x1x128xi32>
    %get3A_495 = vector.shape_cast %get3A_494 : vector<1x1x128xi32> to vector<1x128xi32>
    %add3A_496 = arith.constant 24 : i32
    %add3A_497 = vector.broadcast %add3A_496 : i32 to vector<1x128xi32>
    %add3A_498 = arith.addi %get3A_495, %add3A_497 : vector<1x128xi32>
    %eq3A_499 = vector.broadcast %add3A_498 : vector<1x128xi32> to vector<32x128xi32>
    %eq3A_500 = arith.cmpi eq, %iota3A, %eq3A_499 : vector<32x128xi32>
    %or3A_501 = arith.ori %or3A_490, %eq3A_500 : vector<32x128xi1>
    %get3A_502 = arith.constant 0 : index
    %get3A_503 = arith.constant 9 : index
    %get3A_504 = arith.constant 0 : index
    %get3A_505 = vector.load %arg1[%get3A_502, %get3A_503, %get3A_504] : memref<1x32x128xi32, #tpu.memory_space<vmem>>, vector<1x1x128xi32>
    %get3A_506 = vector.shape_cast %get3A_505 : vector<1x1x128xi32> to vector<1x128xi32>
    %ge3A_507 = arith.constant 0 : i32
    %ge3A_508 = vector.broadcast %ge3A_507 : i32 to vector<1x128xi32>
    %ge3A_509 = arith.cmpi sge, %get3A_506, %ge3A_508 : vector<1x128xi32>
    %and3A_510 = vector.broadcast %ge3A_509 : vector<1x128xi1> to vector<32x128xi1>
    %and3A_511 = arith.andi %or3A_501, %and3A_510 : vector<32x128xi1>
    %jit3A_512 = arith.constant 1.000000e+00 : f32
    %jit3A_513 = arith.constant 0.000000e+00 : f32
    %broadcast_in_dim3A_514 = vector.broadcast %jit3A_512 : f32 to vector<32x128xf32>
    %broadcast_in_dim3A_515 = vector.broadcast %jit3A_513 : f32 to vector<32x128xf32>
    %select_n3A_516 = arith.select %and3A_511, %broadcast_in_dim3A_514, %broadcast_in_dim3A_515 : vector<32x128xi1>, vector<32x128xf32>
    %convert_element_type3A_517 = arith.truncf %select_n3A_516 : vector<32x128xf32> to vector<32x128xbf16>
    %concatenate3A_518 = tpu.concatenate %convert_element_type3A_517, %convert_element_type3A_517, %convert_element_type3A_517 in 0 : vector<32x128xbf16>, vector<32x128xbf16>, vector<32x128xbf16> -> vector<96x128xbf16>
    %get3A_519 = arith.constant 0 : index
    %get3A_520 = arith.constant 0 : index
    %get3A_521 = vector.load %arg5[%get3A_519, %get3A_520] : memref<96x256xbf16, #tpu.memory_space<vmem>>, vector<96x256xbf16>
    %dot_general3A_522 = arith.constant dense<0.000000e+00> : vector<128x256xf32>
    %dot_general3A_523 = tpu.matmul %concatenate3A_518, %get3A_521, %dot_general3A_522 {dimension_numbers = #tpu.dot_dimension_numbers<[0], [0], [1], [1], [0, 1, 1, 1], [], []>, transpose_lhs_hint = false} : vector<96x128xbf16>, vector<96x256xbf16>, vector<128x256xf32> -> vector<128x256xf32>
    %swap3A_524 = arith.constant 1152 : index
    %swap3A_525 = arith.constant 0 : index
    %swap3A_526 = vector.load %arg7[%swap3A_524, %swap3A_525] : memref<4096x256xf32, #tpu.memory_space<vmem>>, vector<128x256xf32>
    tpu.vector_store %arg7[%swap3A_524, %swap3A_525], %dot_general3A_523 {strides = array<i32>} : memref<4096x256xf32, #tpu.memory_space<vmem>>, vector<128x256xf32>,
    %get3A_527 = arith.constant 0 : index
    %get3A_528 = arith.constant 10 : index
    %get3A_529 = arith.constant 0 : index
    %get3A_530 = vector.load %arg3[%get3A_527, %get3A_528, %get3A_529] : memref<1x32x128xi32, #tpu.memory_space<vmem>>, vector<1x1x128xi32>
    %get3A_531 = vector.shape_cast %get3A_530 : vector<1x1x128xi32> to vector<1x128xi32>
    %eq3A_532 = vector.broadcast %get3A_531 : vector<1x128xi32> to vector<32x128xi32>
    %eq3A_533 = arith.cmpi eq, %iota3A, %eq3A_532 : vector<32x128xi32>
    %get3A_534 = arith.constant 0 : index
    %get3A_535 = arith.constant 10 : index
    %get3A_536 = arith.constant 0 : index
    %get3A_537 = vector.load %arg4[%get3A_534, %get3A_535, %get3A_536] : memref<1x32x128xi32, #tpu.memory_space<vmem>>, vector<1x1x128xi32>
    %get3A_538 = vector.shape_cast %get3A_537 : vector<1x1x128xi32> to vector<1x128xi32>
    %add3A_539 = arith.constant 16 : i32
    %add3A_540 = vector.broadcast %add3A_539 : i32 to vector<1x128xi32>
    %add3A_541 = arith.addi %get3A_538, %add3A_540 : vector<1x128xi32>
    %eq3A_542 = vector.broadcast %add3A_541 : vector<1x128xi32> to vector<32x128xi32>
    %eq3A_543 = arith.cmpi eq, %iota3A, %eq3A_542 : vector<32x128xi32>
    %or3A_544 = arith.ori %eq3A_533, %eq3A_543 : vector<32x128xi1>
    %get3A_545 = arith.constant 0 : index
    %get3A_546 = arith.constant 10 : index
    %get3A_547 = arith.constant 0 : index
    %get3A_548 = vector.load %arg2[%get3A_545, %get3A_546, %get3A_547] : memref<1x32x128xi32, #tpu.memory_space<vmem>>, vector<1x1x128xi32>
    %get3A_549 = vector.shape_cast %get3A_548 : vector<1x1x128xi32> to vector<1x128xi32>
    %add3A_550 = arith.constant 24 : i32
    %add3A_551 = vector.broadcast %add3A_550 : i32 to vector<1x128xi32>
    %add3A_552 = arith.addi %get3A_549, %add3A_551 : vector<1x128xi32>
    %eq3A_553 = vector.broadcast %add3A_552 : vector<1x128xi32> to vector<32x128xi32>
    %eq3A_554 = arith.cmpi eq, %iota3A, %eq3A_553 : vector<32x128xi32>
    %or3A_555 = arith.ori %or3A_544, %eq3A_554 : vector<32x128xi1>
    %get3A_556 = arith.constant 0 : index
    %get3A_557 = arith.constant 10 : index
    %get3A_558 = arith.constant 0 : index
    %get3A_559 = vector.load %arg1[%get3A_556, %get3A_557, %get3A_558] : memref<1x32x128xi32, #tpu.memory_space<vmem>>, vector<1x1x128xi32>
    %get3A_560 = vector.shape_cast %get3A_559 : vector<1x1x128xi32> to vector<1x128xi32>
    %ge3A_561 = arith.constant 0 : i32
    %ge3A_562 = vector.broadcast %ge3A_561 : i32 to vector<1x128xi32>
    %ge3A_563 = arith.cmpi sge, %get3A_560, %ge3A_562 : vector<1x128xi32>
    %and3A_564 = vector.broadcast %ge3A_563 : vector<1x128xi1> to vector<32x128xi1>
    %and3A_565 = arith.andi %or3A_555, %and3A_564 : vector<32x128xi1>
    %jit3A_566 = arith.constant 1.000000e+00 : f32
    %jit3A_567 = arith.constant 0.000000e+00 : f32
    %broadcast_in_dim3A_568 = vector.broadcast %jit3A_566 : f32 to vector<32x128xf32>
    %broadcast_in_dim3A_569 = vector.broadcast %jit3A_567 : f32 to vector<32x128xf32>
    %select_n3A_570 = arith.select %and3A_565, %broadcast_in_dim3A_568, %broadcast_in_dim3A_569 : vector<32x128xi1>, vector<32x128xf32>
    %convert_element_type3A_571 = arith.truncf %select_n3A_570 : vector<32x128xf32> to vector<32x128xbf16>
    %concatenate3A_572 = tpu.concatenate %convert_element_type3A_571, %convert_element_type3A_571, %convert_element_type3A_571 in 0 : vector<32x128xbf16>, vector<32x128xbf16>, vector<32x128xbf16> -> vector<96x128xbf16>
    %get3A_573 = arith.constant 0 : index
    %get3A_574 = arith.constant 0 : index
    %get3A_575 = vector.load %arg5[%get3A_573, %get3A_574] : memref<96x256xbf16, #tpu.memory_space<vmem>>, vector<96x256xbf16>
    %dot_general3A_576 = arith.constant dense<0.000000e+00> : vector<128x256xf32>
    %dot_general3A_577 = tpu.matmul %concatenate3A_572, %get3A_575, %dot_general3A_576 {dimension_numbers = #tpu.dot_dimension_numbers<[0], [0], [1], [1], [0, 1, 1, 1], [], []>, transpose_lhs_hint = false} : vector<96x128xbf16>, vector<96x256xbf16>, vector<128x256xf32> -> vector<128x256xf32>
    %swap3A_578 = arith.constant 1280 : index
    %swap3A_579 = arith.constant 0 : index
    %swap3A_580 = vector.load %arg7[%swap3A_578, %swap3A_579] : memref<4096x256xf32, #tpu.memory_space<vmem>>, vector<128x256xf32>
    tpu.vector_store %arg7[%swap3A_578, %swap3A_579], %dot_general3A_577 {strides = array<i32>} : memref<4096x256xf32, #tpu.memory_space<vmem>>, vector<128x256xf32>,
    %get3A_581 = arith.constant 0 : index
    %get3A_582 = arith.constant 11 : index
    %get3A_583 = arith.constant 0 : index
    %get3A_584 = vector.load %arg3[%get3A_581, %get3A_582, %get3A_583] : memref<1x32x128xi32, #tpu.memory_space<vmem>>, vector<1x1x128xi32>
    %get3A_585 = vector.shape_cast %get3A_584 : vector<1x1x128xi32> to vector<1x128xi32>
    %eq3A_586 = vector.broadcast %get3A_585 : vector<1x128xi32> to vector<32x128xi32>
    %eq3A_587 = arith.cmpi eq, %iota3A, %eq3A_586 : vector<32x128xi32>
    %get3A_588 = arith.constant 0 : index
    %get3A_589 = arith.constant 11 : index
    %get3A_590 = arith.constant 0 : index
    %get3A_591 = vector.load %arg4[%get3A_588, %get3A_589, %get3A_590] : memref<1x32x128xi32, #tpu.memory_space<vmem>>, vector<1x1x128xi32>
    %get3A_592 = vector.shape_cast %get3A_591 : vector<1x1x128xi32> to vector<1x128xi32>
    %add3A_593 = arith.constant 16 : i32
    %add3A_594 = vector.broadcast %add3A_593 : i32 to vector<1x128xi32>
    %add3A_595 = arith.addi %get3A_592, %add3A_594 : vector<1x128xi32>
    %eq3A_596 = vector.broadcast %add3A_595 : vector<1x128xi32> to vector<32x128xi32>
    %eq3A_597 = arith.cmpi eq, %iota3A, %eq3A_596 : vector<32x128xi32>
    %or3A_598 = arith.ori %eq3A_587, %eq3A_597 : vector<32x128xi1>
    %get3A_599 = arith.constant 0 : index
    %get3A_600 = arith.constant 11 : index
    %get3A_601 = arith.constant 0 : index
    %get3A_602 = vector.load %arg2[%get3A_599, %get3A_600, %get3A_601] : memref<1x32x128xi32, #tpu.memory_space<vmem>>, vector<1x1x128xi32>
    %get3A_603 = vector.shape_cast %get3A_602 : vector<1x1x128xi32> to vector<1x128xi32>
    %add3A_604 = arith.constant 24 : i32
    %add3A_605 = vector.broadcast %add3A_604 : i32 to vector<1x128xi32>
    %add3A_606 = arith.addi %get3A_603, %add3A_605 : vector<1x128xi32>
    %eq3A_607 = vector.broadcast %add3A_606 : vector<1x128xi32> to vector<32x128xi32>
    %eq3A_608 = arith.cmpi eq, %iota3A, %eq3A_607 : vector<32x128xi32>
    %or3A_609 = arith.ori %or3A_598, %eq3A_608 : vector<32x128xi1>
    %get3A_610 = arith.constant 0 : index
    %get3A_611 = arith.constant 11 : index
    %get3A_612 = arith.constant 0 : index
    %get3A_613 = vector.load %arg1[%get3A_610, %get3A_611, %get3A_612] : memref<1x32x128xi32, #tpu.memory_space<vmem>>, vector<1x1x128xi32>
    %get3A_614 = vector.shape_cast %get3A_613 : vector<1x1x128xi32> to vector<1x128xi32>
    %ge3A_615 = arith.constant 0 : i32
    %ge3A_616 = vector.broadcast %ge3A_615 : i32 to vector<1x128xi32>
    %ge3A_617 = arith.cmpi sge, %get3A_614, %ge3A_616 : vector<1x128xi32>
    %and3A_618 = vector.broadcast %ge3A_617 : vector<1x128xi1> to vector<32x128xi1>
    %and3A_619 = arith.andi %or3A_609, %and3A_618 : vector<32x128xi1>
    %jit3A_620 = arith.constant 1.000000e+00 : f32
    %jit3A_621 = arith.constant 0.000000e+00 : f32
    %broadcast_in_dim3A_622 = vector.broadcast %jit3A_620 : f32 to vector<32x128xf32>
    %broadcast_in_dim3A_623 = vector.broadcast %jit3A_621 : f32 to vector<32x128xf32>
    %select_n3A_624 = arith.select %and3A_619, %broadcast_in_dim3A_622, %broadcast_in_dim3A_623 : vector<32x128xi1>, vector<32x128xf32>
    %convert_element_type3A_625 = arith.truncf %select_n3A_624 : vector<32x128xf32> to vector<32x128xbf16>
    %concatenate3A_626 = tpu.concatenate %convert_element_type3A_625, %convert_element_type3A_625, %convert_element_type3A_625 in 0 : vector<32x128xbf16>, vector<32x128xbf16>, vector<32x128xbf16> -> vector<96x128xbf16>
    %get3A_627 = arith.constant 0 : index
    %get3A_628 = arith.constant 0 : index
    %get3A_629 = vector.load %arg5[%get3A_627, %get3A_628] : memref<96x256xbf16, #tpu.memory_space<vmem>>, vector<96x256xbf16>
    %dot_general3A_630 = arith.constant dense<0.000000e+00> : vector<128x256xf32>
    %dot_general3A_631 = tpu.matmul %concatenate3A_626, %get3A_629, %dot_general3A_630 {dimension_numbers = #tpu.dot_dimension_numbers<[0], [0], [1], [1], [0, 1, 1, 1], [], []>, transpose_lhs_hint = false} : vector<96x128xbf16>, vector<96x256xbf16>, vector<128x256xf32> -> vector<128x256xf32>
    %swap3A_632 = arith.constant 1408 : index
    %swap3A_633 = arith.constant 0 : index
    %swap3A_634 = vector.load %arg7[%swap3A_632, %swap3A_633] : memref<4096x256xf32, #tpu.memory_space<vmem>>, vector<128x256xf32>
    tpu.vector_store %arg7[%swap3A_632, %swap3A_633], %dot_general3A_631 {strides = array<i32>} : memref<4096x256xf32, #tpu.memory_space<vmem>>, vector<128x256xf32>,
    %get3A_635 = arith.constant 0 : index
    %get3A_636 = arith.constant 12 : index
    %get3A_637 = arith.constant 0 : index
    %get3A_638 = vector.load %arg3[%get3A_635, %get3A_636, %get3A_637] : memref<1x32x128xi32, #tpu.memory_space<vmem>>, vector<1x1x128xi32>
    %get3A_639 = vector.shape_cast %get3A_638 : vector<1x1x128xi32> to vector<1x128xi32>
    %eq3A_640 = vector.broadcast %get3A_639 : vector<1x128xi32> to vector<32x128xi32>
    %eq3A_641 = arith.cmpi eq, %iota3A, %eq3A_640 : vector<32x128xi32>
    %get3A_642 = arith.constant 0 : index
    %get3A_643 = arith.constant 12 : index
    %get3A_644 = arith.constant 0 : index
    %get3A_645 = vector.load %arg4[%get3A_642, %get3A_643, %get3A_644] : memref<1x32x128xi32, #tpu.memory_space<vmem>>, vector<1x1x128xi32>
    %get3A_646 = vector.shape_cast %get3A_645 : vector<1x1x128xi32> to vector<1x128xi32>
    %add3A_647 = arith.constant 16 : i32
    %add3A_648 = vector.broadcast %add3A_647 : i32 to vector<1x128xi32>
    %add3A_649 = arith.addi %get3A_646, %add3A_648 : vector<1x128xi32>
    %eq3A_650 = vector.broadcast %add3A_649 : vector<1x128xi32> to vector<32x128xi32>
    %eq3A_651 = arith.cmpi eq, %iota3A, %eq3A_650 : vector<32x128xi32>
    %or3A_652 = arith.ori %eq3A_641, %eq3A_651 : vector<32x128xi1>
    %get3A_653 = arith.constant 0 : index
    %get3A_654 = arith.constant 12 : index
    %get3A_655 = arith.constant 0 : index
    %get3A_656 = vector.load %arg2[%get3A_653, %get3A_654, %get3A_655] : memref<1x32x128xi32, #tpu.memory_space<vmem>>, vector<1x1x128xi32>
    %get3A_657 = vector.shape_cast %get3A_656 : vector<1x1x128xi32> to vector<1x128xi32>
    %add3A_658 = arith.constant 24 : i32
    %add3A_659 = vector.broadcast %add3A_658 : i32 to vector<1x128xi32>
    %add3A_660 = arith.addi %get3A_657, %add3A_659 : vector<1x128xi32>
    %eq3A_661 = vector.broadcast %add3A_660 : vector<1x128xi32> to vector<32x128xi32>
    %eq3A_662 = arith.cmpi eq, %iota3A, %eq3A_661 : vector<32x128xi32>
    %or3A_663 = arith.ori %or3A_652, %eq3A_662 : vector<32x128xi1>
    %get3A_664 = arith.constant 0 : index
    %get3A_665 = arith.constant 12 : index
    %get3A_666 = arith.constant 0 : index
    %get3A_667 = vector.load %arg1[%get3A_664, %get3A_665, %get3A_666] : memref<1x32x128xi32, #tpu.memory_space<vmem>>, vector<1x1x128xi32>
    %get3A_668 = vector.shape_cast %get3A_667 : vector<1x1x128xi32> to vector<1x128xi32>
    %ge3A_669 = arith.constant 0 : i32
    %ge3A_670 = vector.broadcast %ge3A_669 : i32 to vector<1x128xi32>
    %ge3A_671 = arith.cmpi sge, %get3A_668, %ge3A_670 : vector<1x128xi32>
    %and3A_672 = vector.broadcast %ge3A_671 : vector<1x128xi1> to vector<32x128xi1>
    %and3A_673 = arith.andi %or3A_663, %and3A_672 : vector<32x128xi1>
    %jit3A_674 = arith.constant 1.000000e+00 : f32
    %jit3A_675 = arith.constant 0.000000e+00 : f32
    %broadcast_in_dim3A_676 = vector.broadcast %jit3A_674 : f32 to vector<32x128xf32>
    %broadcast_in_dim3A_677 = vector.broadcast %jit3A_675 : f32 to vector<32x128xf32>
    %select_n3A_678 = arith.select %and3A_673, %broadcast_in_dim3A_676, %broadcast_in_dim3A_677 : vector<32x128xi1>, vector<32x128xf32>
    %convert_element_type3A_679 = arith.truncf %select_n3A_678 : vector<32x128xf32> to vector<32x128xbf16>
    %concatenate3A_680 = tpu.concatenate %convert_element_type3A_679, %convert_element_type3A_679, %convert_element_type3A_679 in 0 : vector<32x128xbf16>, vector<32x128xbf16>, vector<32x128xbf16> -> vector<96x128xbf16>
    %get3A_681 = arith.constant 0 : index
    %get3A_682 = arith.constant 0 : index
    %get3A_683 = vector.load %arg5[%get3A_681, %get3A_682] : memref<96x256xbf16, #tpu.memory_space<vmem>>, vector<96x256xbf16>
    %dot_general3A_684 = arith.constant dense<0.000000e+00> : vector<128x256xf32>
    %dot_general3A_685 = tpu.matmul %concatenate3A_680, %get3A_683, %dot_general3A_684 {dimension_numbers = #tpu.dot_dimension_numbers<[0], [0], [1], [1], [0, 1, 1, 1], [], []>, transpose_lhs_hint = false} : vector<96x128xbf16>, vector<96x256xbf16>, vector<128x256xf32> -> vector<128x256xf32>
    %swap3A_686 = arith.constant 1536 : index
    %swap3A_687 = arith.constant 0 : index
    %swap3A_688 = vector.load %arg7[%swap3A_686, %swap3A_687] : memref<4096x256xf32, #tpu.memory_space<vmem>>, vector<128x256xf32>
    tpu.vector_store %arg7[%swap3A_686, %swap3A_687], %dot_general3A_685 {strides = array<i32>} : memref<4096x256xf32, #tpu.memory_space<vmem>>, vector<128x256xf32>,
    %get3A_689 = arith.constant 0 : index
    %get3A_690 = arith.constant 13 : index
    %get3A_691 = arith.constant 0 : index
    %get3A_692 = vector.load %arg3[%get3A_689, %get3A_690, %get3A_691] : memref<1x32x128xi32, #tpu.memory_space<vmem>>, vector<1x1x128xi32>
    %get3A_693 = vector.shape_cast %get3A_692 : vector<1x1x128xi32> to vector<1x128xi32>
    %eq3A_694 = vector.broadcast %get3A_693 : vector<1x128xi32> to vector<32x128xi32>
    %eq3A_695 = arith.cmpi eq, %iota3A, %eq3A_694 : vector<32x128xi32>
    %get3A_696 = arith.constant 0 : index
    %get3A_697 = arith.constant 13 : index
    %get3A_698 = arith.constant 0 : index
    %get3A_699 = vector.load %arg4[%get3A_696, %get3A_697, %get3A_698] : memref<1x32x128xi32, #tpu.memory_space<vmem>>, vector<1x1x128xi32>
    %get3A_700 = vector.shape_cast %get3A_699 : vector<1x1x128xi32> to vector<1x128xi32>
    %add3A_701 = arith.constant 16 : i32
    %add3A_702 = vector.broadcast %add3A_701 : i32 to vector<1x128xi32>
    %add3A_703 = arith.addi %get3A_700, %add3A_702 : vector<1x128xi32>
    %eq3A_704 = vector.broadcast %add3A_703 : vector<1x128xi32> to vector<32x128xi32>
    %eq3A_705 = arith.cmpi eq, %iota3A, %eq3A_704 : vector<32x128xi32>
    %or3A_706 = arith.ori %eq3A_695, %eq3A_705 : vector<32x128xi1>
    %get3A_707 = arith.constant 0 : index
    %get3A_708 = arith.constant 13 : index
    %get3A_709 = arith.constant 0 : index
    %get3A_710 = vector.load %arg2[%get3A_707, %get3A_708, %get3A_709] : memref<1x32x128xi32, #tpu.memory_space<vmem>>, vector<1x1x128xi32>
    %get3A_711 = vector.shape_cast %get3A_710 : vector<1x1x128xi32> to vector<1x128xi32>
    %add3A_712 = arith.constant 24 : i32
    %add3A_713 = vector.broadcast %add3A_712 : i32 to vector<1x128xi32>
    %add3A_714 = arith.addi %get3A_711, %add3A_713 : vector<1x128xi32>
    %eq3A_715 = vector.broadcast %add3A_714 : vector<1x128xi32> to vector<32x128xi32>
    %eq3A_716 = arith.cmpi eq, %iota3A, %eq3A_715 : vector<32x128xi32>
    %or3A_717 = arith.ori %or3A_706, %eq3A_716 : vector<32x128xi1>
    %get3A_718 = arith.constant 0 : index
    %get3A_719 = arith.constant 13 : index
    %get3A_720 = arith.constant 0 : index
    %get3A_721 = vector.load %arg1[%get3A_718, %get3A_719, %get3A_720] : memref<1x32x128xi32, #tpu.memory_space<vmem>>, vector<1x1x128xi32>
    %get3A_722 = vector.shape_cast %get3A_721 : vector<1x1x128xi32> to vector<1x128xi32>
    %ge3A_723 = arith.constant 0 : i32
    %ge3A_724 = vector.broadcast %ge3A_723 : i32 to vector<1x128xi32>
    %ge3A_725 = arith.cmpi sge, %get3A_722, %ge3A_724 : vector<1x128xi32>
    %and3A_726 = vector.broadcast %ge3A_725 : vector<1x128xi1> to vector<32x128xi1>
    %and3A_727 = arith.andi %or3A_717, %and3A_726 : vector<32x128xi1>
    %jit3A_728 = arith.constant 1.000000e+00 : f32
    %jit3A_729 = arith.constant 0.000000e+00 : f32
    %broadcast_in_dim3A_730 = vector.broadcast %jit3A_728 : f32 to vector<32x128xf32>
    %broadcast_in_dim3A_731 = vector.broadcast %jit3A_729 : f32 to vector<32x128xf32>
    %select_n3A_732 = arith.select %and3A_727, %broadcast_in_dim3A_730, %broadcast_in_dim3A_731 : vector<32x128xi1>, vector<32x128xf32>
    %convert_element_type3A_733 = arith.truncf %select_n3A_732 : vector<32x128xf32> to vector<32x128xbf16>
    %concatenate3A_734 = tpu.concatenate %convert_element_type3A_733, %convert_element_type3A_733, %convert_element_type3A_733 in 0 : vector<32x128xbf16>, vector<32x128xbf16>, vector<32x128xbf16> -> vector<96x128xbf16>
    %get3A_735 = arith.constant 0 : index
    %get3A_736 = arith.constant 0 : index
    %get3A_737 = vector.load %arg5[%get3A_735, %get3A_736] : memref<96x256xbf16, #tpu.memory_space<vmem>>, vector<96x256xbf16>
    %dot_general3A_738 = arith.constant dense<0.000000e+00> : vector<128x256xf32>
    %dot_general3A_739 = tpu.matmul %concatenate3A_734, %get3A_737, %dot_general3A_738 {dimension_numbers = #tpu.dot_dimension_numbers<[0], [0], [1], [1], [0, 1, 1, 1], [], []>, transpose_lhs_hint = false} : vector<96x128xbf16>, vector<96x256xbf16>, vector<128x256xf32> -> vector<128x256xf32>
    %swap3A_740 = arith.constant 1664 : index
    %swap3A_741 = arith.constant 0 : index
    %swap3A_742 = vector.load %arg7[%swap3A_740, %swap3A_741] : memref<4096x256xf32, #tpu.memory_space<vmem>>, vector<128x256xf32>
    tpu.vector_store %arg7[%swap3A_740, %swap3A_741], %dot_general3A_739 {strides = array<i32>} : memref<4096x256xf32, #tpu.memory_space<vmem>>, vector<128x256xf32>,
    %get3A_743 = arith.constant 0 : index
    %get3A_744 = arith.constant 14 : index
    %get3A_745 = arith.constant 0 : index
    %get3A_746 = vector.load %arg3[%get3A_743, %get3A_744, %get3A_745] : memref<1x32x128xi32, #tpu.memory_space<vmem>>, vector<1x1x128xi32>
    %get3A_747 = vector.shape_cast %get3A_746 : vector<1x1x128xi32> to vector<1x128xi32>
    %eq3A_748 = vector.broadcast %get3A_747 : vector<1x128xi32> to vector<32x128xi32>
    %eq3A_749 = arith.cmpi eq, %iota3A, %eq3A_748 : vector<32x128xi32>
    %get3A_750 = arith.constant 0 : index
    %get3A_751 = arith.constant 14 : index
    %get3A_752 = arith.constant 0 : index
    %get3A_753 = vector.load %arg4[%get3A_750, %get3A_751, %get3A_752] : memref<1x32x128xi32, #tpu.memory_space<vmem>>, vector<1x1x128xi32>
    %get3A_754 = vector.shape_cast %get3A_753 : vector<1x1x128xi32> to vector<1x128xi32>
    %add3A_755 = arith.constant 16 : i32
    %add3A_756 = vector.broadcast %add3A_755 : i32 to vector<1x128xi32>
    %add3A_757 = arith.addi %get3A_754, %add3A_756 : vector<1x128xi32>
    %eq3A_758 = vector.broadcast %add3A_757 : vector<1x128xi32> to vector<32x128xi32>
    %eq3A_759 = arith.cmpi eq, %iota3A, %eq3A_758 : vector<32x128xi32>
    %or3A_760 = arith.ori %eq3A_749, %eq3A_759 : vector<32x128xi1>
    %get3A_761 = arith.constant 0 : index
    %get3A_762 = arith.constant 14 : index
    %get3A_763 = arith.constant 0 : index
    %get3A_764 = vector.load %arg2[%get3A_761, %get3A_762, %get3A_763] : memref<1x32x128xi32, #tpu.memory_space<vmem>>, vector<1x1x128xi32>
    %get3A_765 = vector.shape_cast %get3A_764 : vector<1x1x128xi32> to vector<1x128xi32>
    %add3A_766 = arith.constant 24 : i32
    %add3A_767 = vector.broadcast %add3A_766 : i32 to vector<1x128xi32>
    %add3A_768 = arith.addi %get3A_765, %add3A_767 : vector<1x128xi32>
    %eq3A_769 = vector.broadcast %add3A_768 : vector<1x128xi32> to vector<32x128xi32>
    %eq3A_770 = arith.cmpi eq, %iota3A, %eq3A_769 : vector<32x128xi32>
    %or3A_771 = arith.ori %or3A_760, %eq3A_770 : vector<32x128xi1>
    %get3A_772 = arith.constant 0 : index
    %get3A_773 = arith.constant 14 : index
    %get3A_774 = arith.constant 0 : index
    %get3A_775 = vector.load %arg1[%get3A_772, %get3A_773, %get3A_774] : memref<1x32x128xi32, #tpu.memory_space<vmem>>, vector<1x1x128xi32>
    %get3A_776 = vector.shape_cast %get3A_775 : vector<1x1x128xi32> to vector<1x128xi32>
    %ge3A_777 = arith.constant 0 : i32
    %ge3A_778 = vector.broadcast %ge3A_777 : i32 to vector<1x128xi32>
    %ge3A_779 = arith.cmpi sge, %get3A_776, %ge3A_778 : vector<1x128xi32>
    %and3A_780 = vector.broadcast %ge3A_779 : vector<1x128xi1> to vector<32x128xi1>
    %and3A_781 = arith.andi %or3A_771, %and3A_780 : vector<32x128xi1>
    %jit3A_782 = arith.constant 1.000000e+00 : f32
    %jit3A_783 = arith.constant 0.000000e+00 : f32
    %broadcast_in_dim3A_784 = vector.broadcast %jit3A_782 : f32 to vector<32x128xf32>
    %broadcast_in_dim3A_785 = vector.broadcast %jit3A_783 : f32 to vector<32x128xf32>
    %select_n3A_786 = arith.select %and3A_781, %broadcast_in_dim3A_784, %broadcast_in_dim3A_785 : vector<32x128xi1>, vector<32x128xf32>
    %convert_element_type3A_787 = arith.truncf %select_n3A_786 : vector<32x128xf32> to vector<32x128xbf16>
    %concatenate3A_788 = tpu.concatenate %convert_element_type3A_787, %convert_element_type3A_787, %convert_element_type3A_787 in 0 : vector<32x128xbf16>, vector<32x128xbf16>, vector<32x128xbf16> -> vector<96x128xbf16>
    %get3A_789 = arith.constant 0 : index
    %get3A_790 = arith.constant 0 : index
    %get3A_791 = vector.load %arg5[%get3A_789, %get3A_790] : memref<96x256xbf16, #tpu.memory_space<vmem>>, vector<96x256xbf16>
    %dot_general3A_792 = arith.constant dense<0.000000e+00> : vector<128x256xf32>
    %dot_general3A_793 = tpu.matmul %concatenate3A_788, %get3A_791, %dot_general3A_792 {dimension_numbers = #tpu.dot_dimension_numbers<[0], [0], [1], [1], [0, 1, 1, 1], [], []>, transpose_lhs_hint = false} : vector<96x128xbf16>, vector<96x256xbf16>, vector<128x256xf32> -> vector<128x256xf32>
    %swap3A_794 = arith.constant 1792 : index
    %swap3A_795 = arith.constant 0 : index
    %swap3A_796 = vector.load %arg7[%swap3A_794, %swap3A_795] : memref<4096x256xf32, #tpu.memory_space<vmem>>, vector<128x256xf32>
    tpu.vector_store %arg7[%swap3A_794, %swap3A_795], %dot_general3A_793 {strides = array<i32>} : memref<4096x256xf32, #tpu.memory_space<vmem>>, vector<128x256xf32>,
    %get3A_797 = arith.constant 0 : index
    %get3A_798 = arith.constant 15 : index
    %get3A_799 = arith.constant 0 : index
    %get3A_800 = vector.load %arg3[%get3A_797, %get3A_798, %get3A_799] : memref<1x32x128xi32, #tpu.memory_space<vmem>>, vector<1x1x128xi32>
    %get3A_801 = vector.shape_cast %get3A_800 : vector<1x1x128xi32> to vector<1x128xi32>
    %eq3A_802 = vector.broadcast %get3A_801 : vector<1x128xi32> to vector<32x128xi32>
    %eq3A_803 = arith.cmpi eq, %iota3A, %eq3A_802 : vector<32x128xi32>
    %get3A_804 = arith.constant 0 : index
    %get3A_805 = arith.constant 15 : index
    %get3A_806 = arith.constant 0 : index
    %get3A_807 = vector.load %arg4[%get3A_804, %get3A_805, %get3A_806] : memref<1x32x128xi32, #tpu.memory_space<vmem>>, vector<1x1x128xi32>
    %get3A_808 = vector.shape_cast %get3A_807 : vector<1x1x128xi32> to vector<1x128xi32>
    %add3A_809 = arith.constant 16 : i32
    %add3A_810 = vector.broadcast %add3A_809 : i32 to vector<1x128xi32>
    %add3A_811 = arith.addi %get3A_808, %add3A_810 : vector<1x128xi32>
    %eq3A_812 = vector.broadcast %add3A_811 : vector<1x128xi32> to vector<32x128xi32>
    %eq3A_813 = arith.cmpi eq, %iota3A, %eq3A_812 : vector<32x128xi32>
    %or3A_814 = arith.ori %eq3A_803, %eq3A_813 : vector<32x128xi1>
    %get3A_815 = arith.constant 0 : index
    %get3A_816 = arith.constant 15 : index
    %get3A_817 = arith.constant 0 : index
    %get3A_818 = vector.load %arg2[%get3A_815, %get3A_816, %get3A_817] : memref<1x32x128xi32, #tpu.memory_space<vmem>>, vector<1x1x128xi32>
    %get3A_819 = vector.shape_cast %get3A_818 : vector<1x1x128xi32> to vector<1x128xi32>
    %add3A_820 = arith.constant 24 : i32
    %add3A_821 = vector.broadcast %add3A_820 : i32 to vector<1x128xi32>
    %add3A_822 = arith.addi %get3A_819, %add3A_821 : vector<1x128xi32>
    %eq3A_823 = vector.broadcast %add3A_822 : vector<1x128xi32> to vector<32x128xi32>
    %eq3A_824 = arith.cmpi eq, %iota3A, %eq3A_823 : vector<32x128xi32>
    %or3A_825 = arith.ori %or3A_814, %eq3A_824 : vector<32x128xi1>
    %get3A_826 = arith.constant 0 : index
    %get3A_827 = arith.constant 15 : index
    %get3A_828 = arith.constant 0 : index
    %get3A_829 = vector.load %arg1[%get3A_826, %get3A_827, %get3A_828] : memref<1x32x128xi32, #tpu.memory_space<vmem>>, vector<1x1x128xi32>
    %get3A_830 = vector.shape_cast %get3A_829 : vector<1x1x128xi32> to vector<1x128xi32>
    %ge3A_831 = arith.constant 0 : i32
    %ge3A_832 = vector.broadcast %ge3A_831 : i32 to vector<1x128xi32>
    %ge3A_833 = arith.cmpi sge, %get3A_830, %ge3A_832 : vector<1x128xi32>
    %and3A_834 = vector.broadcast %ge3A_833 : vector<1x128xi1> to vector<32x128xi1>
    %and3A_835 = arith.andi %or3A_825, %and3A_834 : vector<32x128xi1>
    %jit3A_836 = arith.constant 1.000000e+00 : f32
    %jit3A_837 = arith.constant 0.000000e+00 : f32
    %broadcast_in_dim3A_838 = vector.broadcast %jit3A_836 : f32 to vector<32x128xf32>
    %broadcast_in_dim3A_839 = vector.broadcast %jit3A_837 : f32 to vector<32x128xf32>
    %select_n3A_840 = arith.select %and3A_835, %broadcast_in_dim3A_838, %broadcast_in_dim3A_839 : vector<32x128xi1>, vector<32x128xf32>
    %convert_element_type3A_841 = arith.truncf %select_n3A_840 : vector<32x128xf32> to vector<32x128xbf16>
    %concatenate3A_842 = tpu.concatenate %convert_element_type3A_841, %convert_element_type3A_841, %convert_element_type3A_841 in 0 : vector<32x128xbf16>, vector<32x128xbf16>, vector<32x128xbf16> -> vector<96x128xbf16>
    %get3A_843 = arith.constant 0 : index
    %get3A_844 = arith.constant 0 : index
    %get3A_845 = vector.load %arg5[%get3A_843, %get3A_844] : memref<96x256xbf16, #tpu.memory_space<vmem>>, vector<96x256xbf16>
    %dot_general3A_846 = arith.constant dense<0.000000e+00> : vector<128x256xf32>
    %dot_general3A_847 = tpu.matmul %concatenate3A_842, %get3A_845, %dot_general3A_846 {dimension_numbers = #tpu.dot_dimension_numbers<[0], [0], [1], [1], [0, 1, 1, 1], [], []>, transpose_lhs_hint = false} : vector<96x128xbf16>, vector<96x256xbf16>, vector<128x256xf32> -> vector<128x256xf32>
    %swap3A_848 = arith.constant 1920 : index
    %swap3A_849 = arith.constant 0 : index
    %swap3A_850 = vector.load %arg7[%swap3A_848, %swap3A_849] : memref<4096x256xf32, #tpu.memory_space<vmem>>, vector<128x256xf32>
    tpu.vector_store %arg7[%swap3A_848, %swap3A_849], %dot_general3A_847 {strides = array<i32>} : memref<4096x256xf32, #tpu.memory_space<vmem>>, vector<128x256xf32>,
    %get3A_851 = arith.constant 0 : index
    %get3A_852 = arith.constant 16 : index
    %get3A_853 = arith.constant 0 : index
    %get3A_854 = vector.load %arg3[%get3A_851, %get3A_852, %get3A_853] : memref<1x32x128xi32, #tpu.memory_space<vmem>>, vector<1x1x128xi32>
    %get3A_855 = vector.shape_cast %get3A_854 : vector<1x1x128xi32> to vector<1x128xi32>
    %eq3A_856 = vector.broadcast %get3A_855 : vector<1x128xi32> to vector<32x128xi32>
    %eq3A_857 = arith.cmpi eq, %iota3A, %eq3A_856 : vector<32x128xi32>
    %get3A_858 = arith.constant 0 : index
    %get3A_859 = arith.constant 16 : index
    %get3A_860 = arith.constant 0 : index
    %get3A_861 = vector.load %arg4[%get3A_858, %get3A_859, %get3A_860] : memref<1x32x128xi32, #tpu.memory_space<vmem>>, vector<1x1x128xi32>
    %get3A_862 = vector.shape_cast %get3A_861 : vector<1x1x128xi32> to vector<1x128xi32>
    %add3A_863 = arith.constant 16 : i32
    %add3A_864 = vector.broadcast %add3A_863 : i32 to vector<1x128xi32>
    %add3A_865 = arith.addi %get3A_862, %add3A_864 : vector<1x128xi32>
    %eq3A_866 = vector.broadcast %add3A_865 : vector<1x128xi32> to vector<32x128xi32>
    %eq3A_867 = arith.cmpi eq, %iota3A, %eq3A_866 : vector<32x128xi32>
    %or3A_868 = arith.ori %eq3A_857, %eq3A_867 : vector<32x128xi1>
    %get3A_869 = arith.constant 0 : index
    %get3A_870 = arith.constant 16 : index
    %get3A_871 = arith.constant 0 : index
    %get3A_872 = vector.load %arg2[%get3A_869, %get3A_870, %get3A_871] : memref<1x32x128xi32, #tpu.memory_space<vmem>>, vector<1x1x128xi32>
    %get3A_873 = vector.shape_cast %get3A_872 : vector<1x1x128xi32> to vector<1x128xi32>
    %add3A_874 = arith.constant 24 : i32
    %add3A_875 = vector.broadcast %add3A_874 : i32 to vector<1x128xi32>
    %add3A_876 = arith.addi %get3A_873, %add3A_875 : vector<1x128xi32>
    %eq3A_877 = vector.broadcast %add3A_876 : vector<1x128xi32> to vector<32x128xi32>
    %eq3A_878 = arith.cmpi eq, %iota3A, %eq3A_877 : vector<32x128xi32>
    %or3A_879 = arith.ori %or3A_868, %eq3A_878 : vector<32x128xi1>
    %get3A_880 = arith.constant 0 : index
    %get3A_881 = arith.constant 16 : index
    %get3A_882 = arith.constant 0 : index
    %get3A_883 = vector.load %arg1[%get3A_880, %get3A_881, %get3A_882] : memref<1x32x128xi32, #tpu.memory_space<vmem>>, vector<1x1x128xi32>
    %get3A_884 = vector.shape_cast %get3A_883 : vector<1x1x128xi32> to vector<1x128xi32>
    %ge3A_885 = arith.constant 0 : i32
    %ge3A_886 = vector.broadcast %ge3A_885 : i32 to vector<1x128xi32>
    %ge3A_887 = arith.cmpi sge, %get3A_884, %ge3A_886 : vector<1x128xi32>
    %and3A_888 = vector.broadcast %ge3A_887 : vector<1x128xi1> to vector<32x128xi1>
    %and3A_889 = arith.andi %or3A_879, %and3A_888 : vector<32x128xi1>
    %jit3A_890 = arith.constant 1.000000e+00 : f32
    %jit3A_891 = arith.constant 0.000000e+00 : f32
    %broadcast_in_dim3A_892 = vector.broadcast %jit3A_890 : f32 to vector<32x128xf32>
    %broadcast_in_dim3A_893 = vector.broadcast %jit3A_891 : f32 to vector<32x128xf32>
    %select_n3A_894 = arith.select %and3A_889, %broadcast_in_dim3A_892, %broadcast_in_dim3A_893 : vector<32x128xi1>, vector<32x128xf32>
    %convert_element_type3A_895 = arith.truncf %select_n3A_894 : vector<32x128xf32> to vector<32x128xbf16>
    %concatenate3A_896 = tpu.concatenate %convert_element_type3A_895, %convert_element_type3A_895, %convert_element_type3A_895 in 0 : vector<32x128xbf16>, vector<32x128xbf16>, vector<32x128xbf16> -> vector<96x128xbf16>
    %get3A_897 = arith.constant 0 : index
    %get3A_898 = arith.constant 0 : index
    %get3A_899 = vector.load %arg5[%get3A_897, %get3A_898] : memref<96x256xbf16, #tpu.memory_space<vmem>>, vector<96x256xbf16>
    %dot_general3A_900 = arith.constant dense<0.000000e+00> : vector<128x256xf32>
    %dot_general3A_901 = tpu.matmul %concatenate3A_896, %get3A_899, %dot_general3A_900 {dimension_numbers = #tpu.dot_dimension_numbers<[0], [0], [1], [1], [0, 1, 1, 1], [], []>, transpose_lhs_hint = false} : vector<96x128xbf16>, vector<96x256xbf16>, vector<128x256xf32> -> vector<128x256xf32>
    %swap3A_902 = arith.constant 2048 : index
    %swap3A_903 = arith.constant 0 : index
    %swap3A_904 = vector.load %arg7[%swap3A_902, %swap3A_903] : memref<4096x256xf32, #tpu.memory_space<vmem>>, vector<128x256xf32>
    tpu.vector_store %arg7[%swap3A_902, %swap3A_903], %dot_general3A_901 {strides = array<i32>} : memref<4096x256xf32, #tpu.memory_space<vmem>>, vector<128x256xf32>,
    %get3A_905 = arith.constant 0 : index
    %get3A_906 = arith.constant 17 : index
    %get3A_907 = arith.constant 0 : index
    %get3A_908 = vector.load %arg3[%get3A_905, %get3A_906, %get3A_907] : memref<1x32x128xi32, #tpu.memory_space<vmem>>, vector<1x1x128xi32>
    %get3A_909 = vector.shape_cast %get3A_908 : vector<1x1x128xi32> to vector<1x128xi32>
    %eq3A_910 = vector.broadcast %get3A_909 : vector<1x128xi32> to vector<32x128xi32>
    %eq3A_911 = arith.cmpi eq, %iota3A, %eq3A_910 : vector<32x128xi32>
    %get3A_912 = arith.constant 0 : index
    %get3A_913 = arith.constant 17 : index
    %get3A_914 = arith.constant 0 : index
    %get3A_915 = vector.load %arg4[%get3A_912, %get3A_913, %get3A_914] : memref<1x32x128xi32, #tpu.memory_space<vmem>>, vector<1x1x128xi32>
    %get3A_916 = vector.shape_cast %get3A_915 : vector<1x1x128xi32> to vector<1x128xi32>
    %add3A_917 = arith.constant 16 : i32
    %add3A_918 = vector.broadcast %add3A_917 : i32 to vector<1x128xi32>
    %add3A_919 = arith.addi %get3A_916, %add3A_918 : vector<1x128xi32>
    %eq3A_920 = vector.broadcast %add3A_919 : vector<1x128xi32> to vector<32x128xi32>
    %eq3A_921 = arith.cmpi eq, %iota3A, %eq3A_920 : vector<32x128xi32>
    %or3A_922 = arith.ori %eq3A_911, %eq3A_921 : vector<32x128xi1>
    %get3A_923 = arith.constant 0 : index
    %get3A_924 = arith.constant 17 : index
    %get3A_925 = arith.constant 0 : index
    %get3A_926 = vector.load %arg2[%get3A_923, %get3A_924, %get3A_925] : memref<1x32x128xi32, #tpu.memory_space<vmem>>, vector<1x1x128xi32>
    %get3A_927 = vector.shape_cast %get3A_926 : vector<1x1x128xi32> to vector<1x128xi32>
    %add3A_928 = arith.constant 24 : i32
    %add3A_929 = vector.broadcast %add3A_928 : i32 to vector<1x128xi32>
    %add3A_930 = arith.addi %get3A_927, %add3A_929 : vector<1x128xi32>
    %eq3A_931 = vector.broadcast %add3A_930 : vector<1x128xi32> to vector<32x128xi32>
    %eq3A_932 = arith.cmpi eq, %iota3A, %eq3A_931 : vector<32x128xi32>
    %or3A_933 = arith.ori %or3A_922, %eq3A_932 : vector<32x128xi1>
    %get3A_934 = arith.constant 0 : index
    %get3A_935 = arith.constant 17 : index
    %get3A_936 = arith.constant 0 : index
    %get3A_937 = vector.load %arg1[%get3A_934, %get3A_935, %get3A_936] : memref<1x32x128xi32, #tpu.memory_space<vmem>>, vector<1x1x128xi32>
    %get3A_938 = vector.shape_cast %get3A_937 : vector<1x1x128xi32> to vector<1x128xi32>
    %ge3A_939 = arith.constant 0 : i32
    %ge3A_940 = vector.broadcast %ge3A_939 : i32 to vector<1x128xi32>
    %ge3A_941 = arith.cmpi sge, %get3A_938, %ge3A_940 : vector<1x128xi32>
    %and3A_942 = vector.broadcast %ge3A_941 : vector<1x128xi1> to vector<32x128xi1>
    %and3A_943 = arith.andi %or3A_933, %and3A_942 : vector<32x128xi1>
    %jit3A_944 = arith.constant 1.000000e+00 : f32
    %jit3A_945 = arith.constant 0.000000e+00 : f32
    %broadcast_in_dim3A_946 = vector.broadcast %jit3A_944 : f32 to vector<32x128xf32>
    %broadcast_in_dim3A_947 = vector.broadcast %jit3A_945 : f32 to vector<32x128xf32>
    %select_n3A_948 = arith.select %and3A_943, %broadcast_in_dim3A_946, %broadcast_in_dim3A_947 : vector<32x128xi1>, vector<32x128xf32>
    %convert_element_type3A_949 = arith.truncf %select_n3A_948 : vector<32x128xf32> to vector<32x128xbf16>
    %concatenate3A_950 = tpu.concatenate %convert_element_type3A_949, %convert_element_type3A_949, %convert_element_type3A_949 in 0 : vector<32x128xbf16>, vector<32x128xbf16>, vector<32x128xbf16> -> vector<96x128xbf16>
    %get3A_951 = arith.constant 0 : index
    %get3A_952 = arith.constant 0 : index
    %get3A_953 = vector.load %arg5[%get3A_951, %get3A_952] : memref<96x256xbf16, #tpu.memory_space<vmem>>, vector<96x256xbf16>
    %dot_general3A_954 = arith.constant dense<0.000000e+00> : vector<128x256xf32>
    %dot_general3A_955 = tpu.matmul %concatenate3A_950, %get3A_953, %dot_general3A_954 {dimension_numbers = #tpu.dot_dimension_numbers<[0], [0], [1], [1], [0, 1, 1, 1], [], []>, transpose_lhs_hint = false} : vector<96x128xbf16>, vector<96x256xbf16>, vector<128x256xf32> -> vector<128x256xf32>
    %swap3A_956 = arith.constant 2176 : index
    %swap3A_957 = arith.constant 0 : index
    %swap3A_958 = vector.load %arg7[%swap3A_956, %swap3A_957] : memref<4096x256xf32, #tpu.memory_space<vmem>>, vector<128x256xf32>
    tpu.vector_store %arg7[%swap3A_956, %swap3A_957], %dot_general3A_955 {strides = array<i32>} : memref<4096x256xf32, #tpu.memory_space<vmem>>, vector<128x256xf32>,
    %get3A_959 = arith.constant 0 : index
    %get3A_960 = arith.constant 18 : index
    %get3A_961 = arith.constant 0 : index
    %get3A_962 = vector.load %arg3[%get3A_959, %get3A_960, %get3A_961] : memref<1x32x128xi32, #tpu.memory_space<vmem>>, vector<1x1x128xi32>
    %get3A_963 = vector.shape_cast %get3A_962 : vector<1x1x128xi32> to vector<1x128xi32>
    %eq3A_964 = vector.broadcast %get3A_963 : vector<1x128xi32> to vector<32x128xi32>
    %eq3A_965 = arith.cmpi eq, %iota3A, %eq3A_964 : vector<32x128xi32>
    %get3A_966 = arith.constant 0 : index
    %get3A_967 = arith.constant 18 : index
    %get3A_968 = arith.constant 0 : index
    %get3A_969 = vector.load %arg4[%get3A_966, %get3A_967, %get3A_968] : memref<1x32x128xi32, #tpu.memory_space<vmem>>, vector<1x1x128xi32>
    %get3A_970 = vector.shape_cast %get3A_969 : vector<1x1x128xi32> to vector<1x128xi32>
    %add3A_971 = arith.constant 16 : i32
    %add3A_972 = vector.broadcast %add3A_971 : i32 to vector<1x128xi32>
    %add3A_973 = arith.addi %get3A_970, %add3A_972 : vector<1x128xi32>
    %eq3A_974 = vector.broadcast %add3A_973 : vector<1x128xi32> to vector<32x128xi32>
    %eq3A_975 = arith.cmpi eq, %iota3A, %eq3A_974 : vector<32x128xi32>
    %or3A_976 = arith.ori %eq3A_965, %eq3A_975 : vector<32x128xi1>
    %get3A_977 = arith.constant 0 : index
    %get3A_978 = arith.constant 18 : index
    %get3A_979 = arith.constant 0 : index
    %get3A_980 = vector.load %arg2[%get3A_977, %get3A_978, %get3A_979] : memref<1x32x128xi32, #tpu.memory_space<vmem>>, vector<1x1x128xi32>
    %get3A_981 = vector.shape_cast %get3A_980 : vector<1x1x128xi32> to vector<1x128xi32>
    %add3A_982 = arith.constant 24 : i32
    %add3A_983 = vector.broadcast %add3A_982 : i32 to vector<1x128xi32>
    %add3A_984 = arith.addi %get3A_981, %add3A_983 : vector<1x128xi32>
    %eq3A_985 = vector.broadcast %add3A_984 : vector<1x128xi32> to vector<32x128xi32>
    %eq3A_986 = arith.cmpi eq, %iota3A, %eq3A_985 : vector<32x128xi32>
    %or3A_987 = arith.ori %or3A_976, %eq3A_986 : vector<32x128xi1>
    %get3A_988 = arith.constant 0 : index
    %get3A_989 = arith.constant 18 : index
    %get3A_990 = arith.constant 0 : index
    %get3A_991 = vector.load %arg1[%get3A_988, %get3A_989, %get3A_990] : memref<1x32x128xi32, #tpu.memory_space<vmem>>, vector<1x1x128xi32>
    %get3A_992 = vector.shape_cast %get3A_991 : vector<1x1x128xi32> to vector<1x128xi32>
    %ge3A_993 = arith.constant 0 : i32
    %ge3A_994 = vector.broadcast %ge3A_993 : i32 to vector<1x128xi32>
    %ge3A_995 = arith.cmpi sge, %get3A_992, %ge3A_994 : vector<1x128xi32>
    %and3A_996 = vector.broadcast %ge3A_995 : vector<1x128xi1> to vector<32x128xi1>
    %and3A_997 = arith.andi %or3A_987, %and3A_996 : vector<32x128xi1>
    %jit3A_998 = arith.constant 1.000000e+00 : f32
    %jit3A_999 = arith.constant 0.000000e+00 : f32
    %broadcast_in_dim3A_1000 = vector.broadcast %jit3A_998 : f32 to vector<32x128xf32>
    %broadcast_in_dim3A_1001 = vector.broadcast %jit3A_999 : f32 to vector<32x128xf32>
    %select_n3A_1002 = arith.select %and3A_997, %broadcast_in_dim3A_1000, %broadcast_in_dim3A_1001 : vector<32x128xi1>, vector<32x128xf32>
    %convert_element_type3A_1003 = arith.truncf %select_n3A_1002 : vector<32x128xf32> to vector<32x128xbf16>
    %concatenate3A_1004 = tpu.concatenate %convert_element_type3A_1003, %convert_element_type3A_1003, %convert_element_type3A_1003 in 0 : vector<32x128xbf16>, vector<32x128xbf16>, vector<32x128xbf16> -> vector<96x128xbf16>
    %get3A_1005 = arith.constant 0 : index
    %get3A_1006 = arith.constant 0 : index
    %get3A_1007 = vector.load %arg5[%get3A_1005, %get3A_1006] : memref<96x256xbf16, #tpu.memory_space<vmem>>, vector<96x256xbf16>
    %dot_general3A_1008 = arith.constant dense<0.000000e+00> : vector<128x256xf32>
    %dot_general3A_1009 = tpu.matmul %concatenate3A_1004, %get3A_1007, %dot_general3A_1008 {dimension_numbers = #tpu.dot_dimension_numbers<[0], [0], [1], [1], [0, 1, 1, 1], [], []>, transpose_lhs_hint = false} : vector<96x128xbf16>, vector<96x256xbf16>, vector<128x256xf32> -> vector<128x256xf32>
    %swap3A_1010 = arith.constant 2304 : index
    %swap3A_1011 = arith.constant 0 : index
    %swap3A_1012 = vector.load %arg7[%swap3A_1010, %swap3A_1011] : memref<4096x256xf32, #tpu.memory_space<vmem>>, vector<128x256xf32>
    tpu.vector_store %arg7[%swap3A_1010, %swap3A_1011], %dot_general3A_1009 {strides = array<i32>} : memref<4096x256xf32, #tpu.memory_space<vmem>>, vector<128x256xf32>,
    %get3A_1013 = arith.constant 0 : index
    %get3A_1014 = arith.constant 19 : index
    %get3A_1015 = arith.constant 0 : index
    %get3A_1016 = vector.load %arg3[%get3A_1013, %get3A_1014, %get3A_1015] : memref<1x32x128xi32, #tpu.memory_space<vmem>>, vector<1x1x128xi32>
    %get3A_1017 = vector.shape_cast %get3A_1016 : vector<1x1x128xi32> to vector<1x128xi32>
    %eq3A_1018 = vector.broadcast %get3A_1017 : vector<1x128xi32> to vector<32x128xi32>
    %eq3A_1019 = arith.cmpi eq, %iota3A, %eq3A_1018 : vector<32x128xi32>
    %get3A_1020 = arith.constant 0 : index
    %get3A_1021 = arith.constant 19 : index
    %get3A_1022 = arith.constant 0 : index
    %get3A_1023 = vector.load %arg4[%get3A_1020, %get3A_1021, %get3A_1022] : memref<1x32x128xi32, #tpu.memory_space<vmem>>, vector<1x1x128xi32>
    %get3A_1024 = vector.shape_cast %get3A_1023 : vector<1x1x128xi32> to vector<1x128xi32>
    %add3A_1025 = arith.constant 16 : i32
    %add3A_1026 = vector.broadcast %add3A_1025 : i32 to vector<1x128xi32>
    %add3A_1027 = arith.addi %get3A_1024, %add3A_1026 : vector<1x128xi32>
    %eq3A_1028 = vector.broadcast %add3A_1027 : vector<1x128xi32> to vector<32x128xi32>
    %eq3A_1029 = arith.cmpi eq, %iota3A, %eq3A_1028 : vector<32x128xi32>
    %or3A_1030 = arith.ori %eq3A_1019, %eq3A_1029 : vector<32x128xi1>
    %get3A_1031 = arith.constant 0 : index
    %get3A_1032 = arith.constant 19 : index
    %get3A_1033 = arith.constant 0 : index
    %get3A_1034 = vector.load %arg2[%get3A_1031, %get3A_1032, %get3A_1033] : memref<1x32x128xi32, #tpu.memory_space<vmem>>, vector<1x1x128xi32>
    %get3A_1035 = vector.shape_cast %get3A_1034 : vector<1x1x128xi32> to vector<1x128xi32>
    %add3A_1036 = arith.constant 24 : i32
    %add3A_1037 = vector.broadcast %add3A_1036 : i32 to vector<1x128xi32>
    %add3A_1038 = arith.addi %get3A_1035, %add3A_1037 : vector<1x128xi32>
    %eq3A_1039 = vector.broadcast %add3A_1038 : vector<1x128xi32> to vector<32x128xi32>
    %eq3A_1040 = arith.cmpi eq, %iota3A, %eq3A_1039 : vector<32x128xi32>
    %or3A_1041 = arith.ori %or3A_1030, %eq3A_1040 : vector<32x128xi1>
    %get3A_1042 = arith.constant 0 : index
    %get3A_1043 = arith.constant 19 : index
    %get3A_1044 = arith.constant 0 : index
    %get3A_1045 = vector.load %arg1[%get3A_1042, %get3A_1043, %get3A_1044] : memref<1x32x128xi32, #tpu.memory_space<vmem>>, vector<1x1x128xi32>
    %get3A_1046 = vector.shape_cast %get3A_1045 : vector<1x1x128xi32> to vector<1x128xi32>
    %ge3A_1047 = arith.constant 0 : i32
    %ge3A_1048 = vector.broadcast %ge3A_1047 : i32 to vector<1x128xi32>
    %ge3A_1049 = arith.cmpi sge, %get3A_1046, %ge3A_1048 : vector<1x128xi32>
    %and3A_1050 = vector.broadcast %ge3A_1049 : vector<1x128xi1> to vector<32x128xi1>
    %and3A_1051 = arith.andi %or3A_1041, %and3A_1050 : vector<32x128xi1>
    %jit3A_1052 = arith.constant 1.000000e+00 : f32
    %jit3A_1053 = arith.constant 0.000000e+00 : f32
    %broadcast_in_dim3A_1054 = vector.broadcast %jit3A_1052 : f32 to vector<32x128xf32>
    %broadcast_in_dim3A_1055 = vector.broadcast %jit3A_1053 : f32 to vector<32x128xf32>
    %select_n3A_1056 = arith.select %and3A_1051, %broadcast_in_dim3A_1054, %broadcast_in_dim3A_1055 : vector<32x128xi1>, vector<32x128xf32>
    %convert_element_type3A_1057 = arith.truncf %select_n3A_1056 : vector<32x128xf32> to vector<32x128xbf16>
    %concatenate3A_1058 = tpu.concatenate %convert_element_type3A_1057, %convert_element_type3A_1057, %convert_element_type3A_1057 in 0 : vector<32x128xbf16>, vector<32x128xbf16>, vector<32x128xbf16> -> vector<96x128xbf16>
    %get3A_1059 = arith.constant 0 : index
    %get3A_1060 = arith.constant 0 : index
    %get3A_1061 = vector.load %arg5[%get3A_1059, %get3A_1060] : memref<96x256xbf16, #tpu.memory_space<vmem>>, vector<96x256xbf16>
    %dot_general3A_1062 = arith.constant dense<0.000000e+00> : vector<128x256xf32>
    %dot_general3A_1063 = tpu.matmul %concatenate3A_1058, %get3A_1061, %dot_general3A_1062 {dimension_numbers = #tpu.dot_dimension_numbers<[0], [0], [1], [1], [0, 1, 1, 1], [], []>, transpose_lhs_hint = false} : vector<96x128xbf16>, vector<96x256xbf16>, vector<128x256xf32> -> vector<128x256xf32>
    %swap3A_1064 = arith.constant 2432 : index
    %swap3A_1065 = arith.constant 0 : index
    %swap3A_1066 = vector.load %arg7[%swap3A_1064, %swap3A_1065] : memref<4096x256xf32, #tpu.memory_space<vmem>>, vector<128x256xf32>
    tpu.vector_store %arg7[%swap3A_1064, %swap3A_1065], %dot_general3A_1063 {strides = array<i32>} : memref<4096x256xf32, #tpu.memory_space<vmem>>, vector<128x256xf32>,
    %get3A_1067 = arith.constant 0 : index
    %get3A_1068 = arith.constant 20 : index
    %get3A_1069 = arith.constant 0 : index
    %get3A_1070 = vector.load %arg3[%get3A_1067, %get3A_1068, %get3A_1069] : memref<1x32x128xi32, #tpu.memory_space<vmem>>, vector<1x1x128xi32>
    %get3A_1071 = vector.shape_cast %get3A_1070 : vector<1x1x128xi32> to vector<1x128xi32>
    %eq3A_1072 = vector.broadcast %get3A_1071 : vector<1x128xi32> to vector<32x128xi32>
    %eq3A_1073 = arith.cmpi eq, %iota3A, %eq3A_1072 : vector<32x128xi32>
    %get3A_1074 = arith.constant 0 : index
    %get3A_1075 = arith.constant 20 : index
    %get3A_1076 = arith.constant 0 : index
    %get3A_1077 = vector.load %arg4[%get3A_1074, %get3A_1075, %get3A_1076] : memref<1x32x128xi32, #tpu.memory_space<vmem>>, vector<1x1x128xi32>
    %get3A_1078 = vector.shape_cast %get3A_1077 : vector<1x1x128xi32> to vector<1x128xi32>
    %add3A_1079 = arith.constant 16 : i32
    %add3A_1080 = vector.broadcast %add3A_1079 : i32 to vector<1x128xi32>
    %add3A_1081 = arith.addi %get3A_1078, %add3A_1080 : vector<1x128xi32>
    %eq3A_1082 = vector.broadcast %add3A_1081 : vector<1x128xi32> to vector<32x128xi32>
    %eq3A_1083 = arith.cmpi eq, %iota3A, %eq3A_1082 : vector<32x128xi32>
    %or3A_1084 = arith.ori %eq3A_1073, %eq3A_1083 : vector<32x128xi1>
    %get3A_1085 = arith.constant 0 : index
    %get3A_1086 = arith.constant 20 : index
    %get3A_1087 = arith.constant 0 : index
    %get3A_1088 = vector.load %arg2[%get3A_1085, %get3A_1086, %get3A_1087] : memref<1x32x128xi32, #tpu.memory_space<vmem>>, vector<1x1x128xi32>
    %get3A_1089 = vector.shape_cast %get3A_1088 : vector<1x1x128xi32> to vector<1x128xi32>
    %add3A_1090 = arith.constant 24 : i32
    %add3A_1091 = vector.broadcast %add3A_1090 : i32 to vector<1x128xi32>
    %add3A_1092 = arith.addi %get3A_1089, %add3A_1091 : vector<1x128xi32>
    %eq3A_1093 = vector.broadcast %add3A_1092 : vector<1x128xi32> to vector<32x128xi32>
    %eq3A_1094 = arith.cmpi eq, %iota3A, %eq3A_1093 : vector<32x128xi32>
    %or3A_1095 = arith.ori %or3A_1084, %eq3A_1094 : vector<32x128xi1>
    %get3A_1096 = arith.constant 0 : index
    %get3A_1097 = arith.constant 20 : index
    %get3A_1098 = arith.constant 0 : index
    %get3A_1099 = vector.load %arg1[%get3A_1096, %get3A_1097, %get3A_1098] : memref<1x32x128xi32, #tpu.memory_space<vmem>>, vector<1x1x128xi32>
    %get3A_1100 = vector.shape_cast %get3A_1099 : vector<1x1x128xi32> to vector<1x128xi32>
    %ge3A_1101 = arith.constant 0 : i32
    %ge3A_1102 = vector.broadcast %ge3A_1101 : i32 to vector<1x128xi32>
    %ge3A_1103 = arith.cmpi sge, %get3A_1100, %ge3A_1102 : vector<1x128xi32>
    %and3A_1104 = vector.broadcast %ge3A_1103 : vector<1x128xi1> to vector<32x128xi1>
    %and3A_1105 = arith.andi %or3A_1095, %and3A_1104 : vector<32x128xi1>
    %jit3A_1106 = arith.constant 1.000000e+00 : f32
    %jit3A_1107 = arith.constant 0.000000e+00 : f32
    %broadcast_in_dim3A_1108 = vector.broadcast %jit3A_1106 : f32 to vector<32x128xf32>
    %broadcast_in_dim3A_1109 = vector.broadcast %jit3A_1107 : f32 to vector<32x128xf32>
    %select_n3A_1110 = arith.select %and3A_1105, %broadcast_in_dim3A_1108, %broadcast_in_dim3A_1109 : vector<32x128xi1>, vector<32x128xf32>
    %convert_element_type3A_1111 = arith.truncf %select_n3A_1110 : vector<32x128xf32> to vector<32x128xbf16>
    %concatenate3A_1112 = tpu.concatenate %convert_element_type3A_1111, %convert_element_type3A_1111, %convert_element_type3A_1111 in 0 : vector<32x128xbf16>, vector<32x128xbf16>, vector<32x128xbf16> -> vector<96x128xbf16>
    %get3A_1113 = arith.constant 0 : index
    %get3A_1114 = arith.constant 0 : index
    %get3A_1115 = vector.load %arg5[%get3A_1113, %get3A_1114] : memref<96x256xbf16, #tpu.memory_space<vmem>>, vector<96x256xbf16>
    %dot_general3A_1116 = arith.constant dense<0.000000e+00> : vector<128x256xf32>
    %dot_general3A_1117 = tpu.matmul %concatenate3A_1112, %get3A_1115, %dot_general3A_1116 {dimension_numbers = #tpu.dot_dimension_numbers<[0], [0], [1], [1], [0, 1, 1, 1], [], []>, transpose_lhs_hint = false} : vector<96x128xbf16>, vector<96x256xbf16>, vector<128x256xf32> -> vector<128x256xf32>
    %swap3A_1118 = arith.constant 2560 : index
    %swap3A_1119 = arith.constant 0 : index
    %swap3A_1120 = vector.load %arg7[%swap3A_1118, %swap3A_1119] : memref<4096x256xf32, #tpu.memory_space<vmem>>, vector<128x256xf32>
    tpu.vector_store %arg7[%swap3A_1118, %swap3A_1119], %dot_general3A_1117 {strides = array<i32>} : memref<4096x256xf32, #tpu.memory_space<vmem>>, vector<128x256xf32>,
    %get3A_1121 = arith.constant 0 : index
    %get3A_1122 = arith.constant 21 : index
    %get3A_1123 = arith.constant 0 : index
    %get3A_1124 = vector.load %arg3[%get3A_1121, %get3A_1122, %get3A_1123] : memref<1x32x128xi32, #tpu.memory_space<vmem>>, vector<1x1x128xi32>
    %get3A_1125 = vector.shape_cast %get3A_1124 : vector<1x1x128xi32> to vector<1x128xi32>
    %eq3A_1126 = vector.broadcast %get3A_1125 : vector<1x128xi32> to vector<32x128xi32>
    %eq3A_1127 = arith.cmpi eq, %iota3A, %eq3A_1126 : vector<32x128xi32>
    %get3A_1128 = arith.constant 0 : index
    %get3A_1129 = arith.constant 21 : index
    %get3A_1130 = arith.constant 0 : index
    %get3A_1131 = vector.load %arg4[%get3A_1128, %get3A_1129, %get3A_1130] : memref<1x32x128xi32, #tpu.memory_space<vmem>>, vector<1x1x128xi32>
    %get3A_1132 = vector.shape_cast %get3A_1131 : vector<1x1x128xi32> to vector<1x128xi32>
    %add3A_1133 = arith.constant 16 : i32
    %add3A_1134 = vector.broadcast %add3A_1133 : i32 to vector<1x128xi32>
    %add3A_1135 = arith.addi %get3A_1132, %add3A_1134 : vector<1x128xi32>
    %eq3A_1136 = vector.broadcast %add3A_1135 : vector<1x128xi32> to vector<32x128xi32>
    %eq3A_1137 = arith.cmpi eq, %iota3A, %eq3A_1136 : vector<32x128xi32>
    %or3A_1138 = arith.ori %eq3A_1127, %eq3A_1137 : vector<32x128xi1>
    %get3A_1139 = arith.constant 0 : index
    %get3A_1140 = arith.constant 21 : index
    %get3A_1141 = arith.constant 0 : index
    %get3A_1142 = vector.load %arg2[%get3A_1139, %get3A_1140, %get3A_1141] : memref<1x32x128xi32, #tpu.memory_space<vmem>>, vector<1x1x128xi32>
    %get3A_1143 = vector.shape_cast %get3A_1142 : vector<1x1x128xi32> to vector<1x128xi32>
    %add3A_1144 = arith.constant 24 : i32
    %add3A_1145 = vector.broadcast %add3A_1144 : i32 to vector<1x128xi32>
    %add3A_1146 = arith.addi %get3A_1143, %add3A_1145 : vector<1x128xi32>
    %eq3A_1147 = vector.broadcast %add3A_1146 : vector<1x128xi32> to vector<32x128xi32>
    %eq3A_1148 = arith.cmpi eq, %iota3A, %eq3A_1147 : vector<32x128xi32>
    %or3A_1149 = arith.ori %or3A_1138, %eq3A_1148 : vector<32x128xi1>
    %get3A_1150 = arith.constant 0 : index
    %get3A_1151 = arith.constant 21 : index
    %get3A_1152 = arith.constant 0 : index
    %get3A_1153 = vector.load %arg1[%get3A_1150, %get3A_1151, %get3A_1152] : memref<1x32x128xi32, #tpu.memory_space<vmem>>, vector<1x1x128xi32>
    %get3A_1154 = vector.shape_cast %get3A_1153 : vector<1x1x128xi32> to vector<1x128xi32>
    %ge3A_1155 = arith.constant 0 : i32
    %ge3A_1156 = vector.broadcast %ge3A_1155 : i32 to vector<1x128xi32>
    %ge3A_1157 = arith.cmpi sge, %get3A_1154, %ge3A_1156 : vector<1x128xi32>
    %and3A_1158 = vector.broadcast %ge3A_1157 : vector<1x128xi1> to vector<32x128xi1>
    %and3A_1159 = arith.andi %or3A_1149, %and3A_1158 : vector<32x128xi1>
    %jit3A_1160 = arith.constant 1.000000e+00 : f32
    %jit3A_1161 = arith.constant 0.000000e+00 : f32
    %broadcast_in_dim3A_1162 = vector.broadcast %jit3A_1160 : f32 to vector<32x128xf32>
    %broadcast_in_dim3A_1163 = vector.broadcast %jit3A_1161 : f32 to vector<32x128xf32>
    %select_n3A_1164 = arith.select %and3A_1159, %broadcast_in_dim3A_1162, %broadcast_in_dim3A_1163 : vector<32x128xi1>, vector<32x128xf32>
    %convert_element_type3A_1165 = arith.truncf %select_n3A_1164 : vector<32x128xf32> to vector<32x128xbf16>
    %concatenate3A_1166 = tpu.concatenate %convert_element_type3A_1165, %convert_element_type3A_1165, %convert_element_type3A_1165 in 0 : vector<32x128xbf16>, vector<32x128xbf16>, vector<32x128xbf16> -> vector<96x128xbf16>
    %get3A_1167 = arith.constant 0 : index
    %get3A_1168 = arith.constant 0 : index
    %get3A_1169 = vector.load %arg5[%get3A_1167, %get3A_1168] : memref<96x256xbf16, #tpu.memory_space<vmem>>, vector<96x256xbf16>
    %dot_general3A_1170 = arith.constant dense<0.000000e+00> : vector<128x256xf32>
    %dot_general3A_1171 = tpu.matmul %concatenate3A_1166, %get3A_1169, %dot_general3A_1170 {dimension_numbers = #tpu.dot_dimension_numbers<[0], [0], [1], [1], [0, 1, 1, 1], [], []>, transpose_lhs_hint = false} : vector<96x128xbf16>, vector<96x256xbf16>, vector<128x256xf32> -> vector<128x256xf32>
    %swap3A_1172 = arith.constant 2688 : index
    %swap3A_1173 = arith.constant 0 : index
    %swap3A_1174 = vector.load %arg7[%swap3A_1172, %swap3A_1173] : memref<4096x256xf32, #tpu.memory_space<vmem>>, vector<128x256xf32>
    tpu.vector_store %arg7[%swap3A_1172, %swap3A_1173], %dot_general3A_1171 {strides = array<i32>} : memref<4096x256xf32, #tpu.memory_space<vmem>>, vector<128x256xf32>,
    %get3A_1175 = arith.constant 0 : index
    %get3A_1176 = arith.constant 22 : index
    %get3A_1177 = arith.constant 0 : index
    %get3A_1178 = vector.load %arg3[%get3A_1175, %get3A_1176, %get3A_1177] : memref<1x32x128xi32, #tpu.memory_space<vmem>>, vector<1x1x128xi32>
    %get3A_1179 = vector.shape_cast %get3A_1178 : vector<1x1x128xi32> to vector<1x128xi32>
    %eq3A_1180 = vector.broadcast %get3A_1179 : vector<1x128xi32> to vector<32x128xi32>
    %eq3A_1181 = arith.cmpi eq, %iota3A, %eq3A_1180 : vector<32x128xi32>
    %get3A_1182 = arith.constant 0 : index
    %get3A_1183 = arith.constant 22 : index
    %get3A_1184 = arith.constant 0 : index
    %get3A_1185 = vector.load %arg4[%get3A_1182, %get3A_1183, %get3A_1184] : memref<1x32x128xi32, #tpu.memory_space<vmem>>, vector<1x1x128xi32>
    %get3A_1186 = vector.shape_cast %get3A_1185 : vector<1x1x128xi32> to vector<1x128xi32>
    %add3A_1187 = arith.constant 16 : i32
    %add3A_1188 = vector.broadcast %add3A_1187 : i32 to vector<1x128xi32>
    %add3A_1189 = arith.addi %get3A_1186, %add3A_1188 : vector<1x128xi32>
    %eq3A_1190 = vector.broadcast %add3A_1189 : vector<1x128xi32> to vector<32x128xi32>
    %eq3A_1191 = arith.cmpi eq, %iota3A, %eq3A_1190 : vector<32x128xi32>
    %or3A_1192 = arith.ori %eq3A_1181, %eq3A_1191 : vector<32x128xi1>
    %get3A_1193 = arith.constant 0 : index
    %get3A_1194 = arith.constant 22 : index
    %get3A_1195 = arith.constant 0 : index
    %get3A_1196 = vector.load %arg2[%get3A_1193, %get3A_1194, %get3A_1195] : memref<1x32x128xi32, #tpu.memory_space<vmem>>, vector<1x1x128xi32>
    %get3A_1197 = vector.shape_cast %get3A_1196 : vector<1x1x128xi32> to vector<1x128xi32>
    %add3A_1198 = arith.constant 24 : i32
    %add3A_1199 = vector.broadcast %add3A_1198 : i32 to vector<1x128xi32>
    %add3A_1200 = arith.addi %get3A_1197, %add3A_1199 : vector<1x128xi32>
    %eq3A_1201 = vector.broadcast %add3A_1200 : vector<1x128xi32> to vector<32x128xi32>
    %eq3A_1202 = arith.cmpi eq, %iota3A, %eq3A_1201 : vector<32x128xi32>
    %or3A_1203 = arith.ori %or3A_1192, %eq3A_1202 : vector<32x128xi1>
    %get3A_1204 = arith.constant 0 : index
    %get3A_1205 = arith.constant 22 : index
    %get3A_1206 = arith.constant 0 : index
    %get3A_1207 = vector.load %arg1[%get3A_1204, %get3A_1205, %get3A_1206] : memref<1x32x128xi32, #tpu.memory_space<vmem>>, vector<1x1x128xi32>
    %get3A_1208 = vector.shape_cast %get3A_1207 : vector<1x1x128xi32> to vector<1x128xi32>
    %ge3A_1209 = arith.constant 0 : i32
    %ge3A_1210 = vector.broadcast %ge3A_1209 : i32 to vector<1x128xi32>
    %ge3A_1211 = arith.cmpi sge, %get3A_1208, %ge3A_1210 : vector<1x128xi32>
    %and3A_1212 = vector.broadcast %ge3A_1211 : vector<1x128xi1> to vector<32x128xi1>
    %and3A_1213 = arith.andi %or3A_1203, %and3A_1212 : vector<32x128xi1>
    %jit3A_1214 = arith.constant 1.000000e+00 : f32
    %jit3A_1215 = arith.constant 0.000000e+00 : f32
    %broadcast_in_dim3A_1216 = vector.broadcast %jit3A_1214 : f32 to vector<32x128xf32>
    %broadcast_in_dim3A_1217 = vector.broadcast %jit3A_1215 : f32 to vector<32x128xf32>
    %select_n3A_1218 = arith.select %and3A_1213, %broadcast_in_dim3A_1216, %broadcast_in_dim3A_1217 : vector<32x128xi1>, vector<32x128xf32>
    %convert_element_type3A_1219 = arith.truncf %select_n3A_1218 : vector<32x128xf32> to vector<32x128xbf16>
    %concatenate3A_1220 = tpu.concatenate %convert_element_type3A_1219, %convert_element_type3A_1219, %convert_element_type3A_1219 in 0 : vector<32x128xbf16>, vector<32x128xbf16>, vector<32x128xbf16> -> vector<96x128xbf16>
    %get3A_1221 = arith.constant 0 : index
    %get3A_1222 = arith.constant 0 : index
    %get3A_1223 = vector.load %arg5[%get3A_1221, %get3A_1222] : memref<96x256xbf16, #tpu.memory_space<vmem>>, vector<96x256xbf16>
    %dot_general3A_1224 = arith.constant dense<0.000000e+00> : vector<128x256xf32>
    %dot_general3A_1225 = tpu.matmul %concatenate3A_1220, %get3A_1223, %dot_general3A_1224 {dimension_numbers = #tpu.dot_dimension_numbers<[0], [0], [1], [1], [0, 1, 1, 1], [], []>, transpose_lhs_hint = false} : vector<96x128xbf16>, vector<96x256xbf16>, vector<128x256xf32> -> vector<128x256xf32>
    %swap3A_1226 = arith.constant 2816 : index
    %swap3A_1227 = arith.constant 0 : index
    %swap3A_1228 = vector.load %arg7[%swap3A_1226, %swap3A_1227] : memref<4096x256xf32, #tpu.memory_space<vmem>>, vector<128x256xf32>
    tpu.vector_store %arg7[%swap3A_1226, %swap3A_1227], %dot_general3A_1225 {strides = array<i32>} : memref<4096x256xf32, #tpu.memory_space<vmem>>, vector<128x256xf32>,
    %get3A_1229 = arith.constant 0 : index
    %get3A_1230 = arith.constant 23 : index
    %get3A_1231 = arith.constant 0 : index
    %get3A_1232 = vector.load %arg3[%get3A_1229, %get3A_1230, %get3A_1231] : memref<1x32x128xi32, #tpu.memory_space<vmem>>, vector<1x1x128xi32>
    %get3A_1233 = vector.shape_cast %get3A_1232 : vector<1x1x128xi32> to vector<1x128xi32>
    %eq3A_1234 = vector.broadcast %get3A_1233 : vector<1x128xi32> to vector<32x128xi32>
    %eq3A_1235 = arith.cmpi eq, %iota3A, %eq3A_1234 : vector<32x128xi32>
    %get3A_1236 = arith.constant 0 : index
    %get3A_1237 = arith.constant 23 : index
    %get3A_1238 = arith.constant 0 : index
    %get3A_1239 = vector.load %arg4[%get3A_1236, %get3A_1237, %get3A_1238] : memref<1x32x128xi32, #tpu.memory_space<vmem>>, vector<1x1x128xi32>
    %get3A_1240 = vector.shape_cast %get3A_1239 : vector<1x1x128xi32> to vector<1x128xi32>
    %add3A_1241 = arith.constant 16 : i32
    %add3A_1242 = vector.broadcast %add3A_1241 : i32 to vector<1x128xi32>
    %add3A_1243 = arith.addi %get3A_1240, %add3A_1242 : vector<1x128xi32>
    %eq3A_1244 = vector.broadcast %add3A_1243 : vector<1x128xi32> to vector<32x128xi32>
    %eq3A_1245 = arith.cmpi eq, %iota3A, %eq3A_1244 : vector<32x128xi32>
    %or3A_1246 = arith.ori %eq3A_1235, %eq3A_1245 : vector<32x128xi1>
    %get3A_1247 = arith.constant 0 : index
    %get3A_1248 = arith.constant 23 : index
    %get3A_1249 = arith.constant 0 : index
    %get3A_1250 = vector.load %arg2[%get3A_1247, %get3A_1248, %get3A_1249] : memref<1x32x128xi32, #tpu.memory_space<vmem>>, vector<1x1x128xi32>
    %get3A_1251 = vector.shape_cast %get3A_1250 : vector<1x1x128xi32> to vector<1x128xi32>
    %add3A_1252 = arith.constant 24 : i32
    %add3A_1253 = vector.broadcast %add3A_1252 : i32 to vector<1x128xi32>
    %add3A_1254 = arith.addi %get3A_1251, %add3A_1253 : vector<1x128xi32>
    %eq3A_1255 = vector.broadcast %add3A_1254 : vector<1x128xi32> to vector<32x128xi32>
    %eq3A_1256 = arith.cmpi eq, %iota3A, %eq3A_1255 : vector<32x128xi32>
    %or3A_1257 = arith.ori %or3A_1246, %eq3A_1256 : vector<32x128xi1>
    %get3A_1258 = arith.constant 0 : index
    %get3A_1259 = arith.constant 23 : index
    %get3A_1260 = arith.constant 0 : index
    %get3A_1261 = vector.load %arg1[%get3A_1258, %get3A_1259, %get3A_1260] : memref<1x32x128xi32, #tpu.memory_space<vmem>>, vector<1x1x128xi32>
    %get3A_1262 = vector.shape_cast %get3A_1261 : vector<1x1x128xi32> to vector<1x128xi32>
    %ge3A_1263 = arith.constant 0 : i32
    %ge3A_1264 = vector.broadcast %ge3A_1263 : i32 to vector<1x128xi32>
    %ge3A_1265 = arith.cmpi sge, %get3A_1262, %ge3A_1264 : vector<1x128xi32>
    %and3A_1266 = vector.broadcast %ge3A_1265 : vector<1x128xi1> to vector<32x128xi1>
    %and3A_1267 = arith.andi %or3A_1257, %and3A_1266 : vector<32x128xi1>
    %jit3A_1268 = arith.constant 1.000000e+00 : f32
    %jit3A_1269 = arith.constant 0.000000e+00 : f32
    %broadcast_in_dim3A_1270 = vector.broadcast %jit3A_1268 : f32 to vector<32x128xf32>
    %broadcast_in_dim3A_1271 = vector.broadcast %jit3A_1269 : f32 to vector<32x128xf32>
    %select_n3A_1272 = arith.select %and3A_1267, %broadcast_in_dim3A_1270, %broadcast_in_dim3A_1271 : vector<32x128xi1>, vector<32x128xf32>
    %convert_element_type3A_1273 = arith.truncf %select_n3A_1272 : vector<32x128xf32> to vector<32x128xbf16>
    %concatenate3A_1274 = tpu.concatenate %convert_element_type3A_1273, %convert_element_type3A_1273, %convert_element_type3A_1273 in 0 : vector<32x128xbf16>, vector<32x128xbf16>, vector<32x128xbf16> -> vector<96x128xbf16>
    %get3A_1275 = arith.constant 0 : index
    %get3A_1276 = arith.constant 0 : index
    %get3A_1277 = vector.load %arg5[%get3A_1275, %get3A_1276] : memref<96x256xbf16, #tpu.memory_space<vmem>>, vector<96x256xbf16>
    %dot_general3A_1278 = arith.constant dense<0.000000e+00> : vector<128x256xf32>
    %dot_general3A_1279 = tpu.matmul %concatenate3A_1274, %get3A_1277, %dot_general3A_1278 {dimension_numbers = #tpu.dot_dimension_numbers<[0], [0], [1], [1], [0, 1, 1, 1], [], []>, transpose_lhs_hint = false} : vector<96x128xbf16>, vector<96x256xbf16>, vector<128x256xf32> -> vector<128x256xf32>
    %swap3A_1280 = arith.constant 2944 : index
    %swap3A_1281 = arith.constant 0 : index
    %swap3A_1282 = vector.load %arg7[%swap3A_1280, %swap3A_1281] : memref<4096x256xf32, #tpu.memory_space<vmem>>, vector<128x256xf32>
    tpu.vector_store %arg7[%swap3A_1280, %swap3A_1281], %dot_general3A_1279 {strides = array<i32>} : memref<4096x256xf32, #tpu.memory_space<vmem>>, vector<128x256xf32>,
    %get3A_1283 = arith.constant 0 : index
    %get3A_1284 = arith.constant 24 : index
    %get3A_1285 = arith.constant 0 : index
    %get3A_1286 = vector.load %arg3[%get3A_1283, %get3A_1284, %get3A_1285] : memref<1x32x128xi32, #tpu.memory_space<vmem>>, vector<1x1x128xi32>
    %get3A_1287 = vector.shape_cast %get3A_1286 : vector<1x1x128xi32> to vector<1x128xi32>
    %eq3A_1288 = vector.broadcast %get3A_1287 : vector<1x128xi32> to vector<32x128xi32>
    %eq3A_1289 = arith.cmpi eq, %iota3A, %eq3A_1288 : vector<32x128xi32>
    %get3A_1290 = arith.constant 0 : index
    %get3A_1291 = arith.constant 24 : index
    %get3A_1292 = arith.constant 0 : index
    %get3A_1293 = vector.load %arg4[%get3A_1290, %get3A_1291, %get3A_1292] : memref<1x32x128xi32, #tpu.memory_space<vmem>>, vector<1x1x128xi32>
    %get3A_1294 = vector.shape_cast %get3A_1293 : vector<1x1x128xi32> to vector<1x128xi32>
    %add3A_1295 = arith.constant 16 : i32
    %add3A_1296 = vector.broadcast %add3A_1295 : i32 to vector<1x128xi32>
    %add3A_1297 = arith.addi %get3A_1294, %add3A_1296 : vector<1x128xi32>
    %eq3A_1298 = vector.broadcast %add3A_1297 : vector<1x128xi32> to vector<32x128xi32>
    %eq3A_1299 = arith.cmpi eq, %iota3A, %eq3A_1298 : vector<32x128xi32>
    %or3A_1300 = arith.ori %eq3A_1289, %eq3A_1299 : vector<32x128xi1>
    %get3A_1301 = arith.constant 0 : index
    %get3A_1302 = arith.constant 24 : index
    %get3A_1303 = arith.constant 0 : index
    %get3A_1304 = vector.load %arg2[%get3A_1301, %get3A_1302, %get3A_1303] : memref<1x32x128xi32, #tpu.memory_space<vmem>>, vector<1x1x128xi32>
    %get3A_1305 = vector.shape_cast %get3A_1304 : vector<1x1x128xi32> to vector<1x128xi32>
    %add3A_1306 = arith.constant 24 : i32
    %add3A_1307 = vector.broadcast %add3A_1306 : i32 to vector<1x128xi32>
    %add3A_1308 = arith.addi %get3A_1305, %add3A_1307 : vector<1x128xi32>
    %eq3A_1309 = vector.broadcast %add3A_1308 : vector<1x128xi32> to vector<32x128xi32>
    %eq3A_1310 = arith.cmpi eq, %iota3A, %eq3A_1309 : vector<32x128xi32>
    %or3A_1311 = arith.ori %or3A_1300, %eq3A_1310 : vector<32x128xi1>
    %get3A_1312 = arith.constant 0 : index
    %get3A_1313 = arith.constant 24 : index
    %get3A_1314 = arith.constant 0 : index
    %get3A_1315 = vector.load %arg1[%get3A_1312, %get3A_1313, %get3A_1314] : memref<1x32x128xi32, #tpu.memory_space<vmem>>, vector<1x1x128xi32>
    %get3A_1316 = vector.shape_cast %get3A_1315 : vector<1x1x128xi32> to vector<1x128xi32>
    %ge3A_1317 = arith.constant 0 : i32
    %ge3A_1318 = vector.broadcast %ge3A_1317 : i32 to vector<1x128xi32>
    %ge3A_1319 = arith.cmpi sge, %get3A_1316, %ge3A_1318 : vector<1x128xi32>
    %and3A_1320 = vector.broadcast %ge3A_1319 : vector<1x128xi1> to vector<32x128xi1>
    %and3A_1321 = arith.andi %or3A_1311, %and3A_1320 : vector<32x128xi1>
    %jit3A_1322 = arith.constant 1.000000e+00 : f32
    %jit3A_1323 = arith.constant 0.000000e+00 : f32
    %broadcast_in_dim3A_1324 = vector.broadcast %jit3A_1322 : f32 to vector<32x128xf32>
    %broadcast_in_dim3A_1325 = vector.broadcast %jit3A_1323 : f32 to vector<32x128xf32>
    %select_n3A_1326 = arith.select %and3A_1321, %broadcast_in_dim3A_1324, %broadcast_in_dim3A_1325 : vector<32x128xi1>, vector<32x128xf32>
    %convert_element_type3A_1327 = arith.truncf %select_n3A_1326 : vector<32x128xf32> to vector<32x128xbf16>
    %concatenate3A_1328 = tpu.concatenate %convert_element_type3A_1327, %convert_element_type3A_1327, %convert_element_type3A_1327 in 0 : vector<32x128xbf16>, vector<32x128xbf16>, vector<32x128xbf16> -> vector<96x128xbf16>
    %get3A_1329 = arith.constant 0 : index
    %get3A_1330 = arith.constant 0 : index
    %get3A_1331 = vector.load %arg5[%get3A_1329, %get3A_1330] : memref<96x256xbf16, #tpu.memory_space<vmem>>, vector<96x256xbf16>
    %dot_general3A_1332 = arith.constant dense<0.000000e+00> : vector<128x256xf32>
    %dot_general3A_1333 = tpu.matmul %concatenate3A_1328, %get3A_1331, %dot_general3A_1332 {dimension_numbers = #tpu.dot_dimension_numbers<[0], [0], [1], [1], [0, 1, 1, 1], [], []>, transpose_lhs_hint = false} : vector<96x128xbf16>, vector<96x256xbf16>, vector<128x256xf32> -> vector<128x256xf32>
    %swap3A_1334 = arith.constant 3072 : index
    %swap3A_1335 = arith.constant 0 : index
    %swap3A_1336 = vector.load %arg7[%swap3A_1334, %swap3A_1335] : memref<4096x256xf32, #tpu.memory_space<vmem>>, vector<128x256xf32>
    tpu.vector_store %arg7[%swap3A_1334, %swap3A_1335], %dot_general3A_1333 {strides = array<i32>} : memref<4096x256xf32, #tpu.memory_space<vmem>>, vector<128x256xf32>,
    %get3A_1337 = arith.constant 0 : index
    %get3A_1338 = arith.constant 25 : index
    %get3A_1339 = arith.constant 0 : index
    %get3A_1340 = vector.load %arg3[%get3A_1337, %get3A_1338, %get3A_1339] : memref<1x32x128xi32, #tpu.memory_space<vmem>>, vector<1x1x128xi32>
    %get3A_1341 = vector.shape_cast %get3A_1340 : vector<1x1x128xi32> to vector<1x128xi32>
    %eq3A_1342 = vector.broadcast %get3A_1341 : vector<1x128xi32> to vector<32x128xi32>
    %eq3A_1343 = arith.cmpi eq, %iota3A, %eq3A_1342 : vector<32x128xi32>
    %get3A_1344 = arith.constant 0 : index
    %get3A_1345 = arith.constant 25 : index
    %get3A_1346 = arith.constant 0 : index
    %get3A_1347 = vector.load %arg4[%get3A_1344, %get3A_1345, %get3A_1346] : memref<1x32x128xi32, #tpu.memory_space<vmem>>, vector<1x1x128xi32>
    %get3A_1348 = vector.shape_cast %get3A_1347 : vector<1x1x128xi32> to vector<1x128xi32>
    %add3A_1349 = arith.constant 16 : i32
    %add3A_1350 = vector.broadcast %add3A_1349 : i32 to vector<1x128xi32>
    %add3A_1351 = arith.addi %get3A_1348, %add3A_1350 : vector<1x128xi32>
    %eq3A_1352 = vector.broadcast %add3A_1351 : vector<1x128xi32> to vector<32x128xi32>
    %eq3A_1353 = arith.cmpi eq, %iota3A, %eq3A_1352 : vector<32x128xi32>
    %or3A_1354 = arith.ori %eq3A_1343, %eq3A_1353 : vector<32x128xi1>
    %get3A_1355 = arith.constant 0 : index
    %get3A_1356 = arith.constant 25 : index
    %get3A_1357 = arith.constant 0 : index
    %get3A_1358 = vector.load %arg2[%get3A_1355, %get3A_1356, %get3A_1357] : memref<1x32x128xi32, #tpu.memory_space<vmem>>, vector<1x1x128xi32>
    %get3A_1359 = vector.shape_cast %get3A_1358 : vector<1x1x128xi32> to vector<1x128xi32>
    %add3A_1360 = arith.constant 24 : i32
    %add3A_1361 = vector.broadcast %add3A_1360 : i32 to vector<1x128xi32>
    %add3A_1362 = arith.addi %get3A_1359, %add3A_1361 : vector<1x128xi32>
    %eq3A_1363 = vector.broadcast %add3A_1362 : vector<1x128xi32> to vector<32x128xi32>
    %eq3A_1364 = arith.cmpi eq, %iota3A, %eq3A_1363 : vector<32x128xi32>
    %or3A_1365 = arith.ori %or3A_1354, %eq3A_1364 : vector<32x128xi1>
    %get3A_1366 = arith.constant 0 : index
    %get3A_1367 = arith.constant 25 : index
    %get3A_1368 = arith.constant 0 : index
    %get3A_1369 = vector.load %arg1[%get3A_1366, %get3A_1367, %get3A_1368] : memref<1x32x128xi32, #tpu.memory_space<vmem>>, vector<1x1x128xi32>
    %get3A_1370 = vector.shape_cast %get3A_1369 : vector<1x1x128xi32> to vector<1x128xi32>
    %ge3A_1371 = arith.constant 0 : i32
    %ge3A_1372 = vector.broadcast %ge3A_1371 : i32 to vector<1x128xi32>
    %ge3A_1373 = arith.cmpi sge, %get3A_1370, %ge3A_1372 : vector<1x128xi32>
    %and3A_1374 = vector.broadcast %ge3A_1373 : vector<1x128xi1> to vector<32x128xi1>
    %and3A_1375 = arith.andi %or3A_1365, %and3A_1374 : vector<32x128xi1>
    %jit3A_1376 = arith.constant 1.000000e+00 : f32
    %jit3A_1377 = arith.constant 0.000000e+00 : f32
    %broadcast_in_dim3A_1378 = vector.broadcast %jit3A_1376 : f32 to vector<32x128xf32>
    %broadcast_in_dim3A_1379 = vector.broadcast %jit3A_1377 : f32 to vector<32x128xf32>
    %select_n3A_1380 = arith.select %and3A_1375, %broadcast_in_dim3A_1378, %broadcast_in_dim3A_1379 : vector<32x128xi1>, vector<32x128xf32>
    %convert_element_type3A_1381 = arith.truncf %select_n3A_1380 : vector<32x128xf32> to vector<32x128xbf16>
    %concatenate3A_1382 = tpu.concatenate %convert_element_type3A_1381, %convert_element_type3A_1381, %convert_element_type3A_1381 in 0 : vector<32x128xbf16>, vector<32x128xbf16>, vector<32x128xbf16> -> vector<96x128xbf16>
    %get3A_1383 = arith.constant 0 : index
    %get3A_1384 = arith.constant 0 : index
    %get3A_1385 = vector.load %arg5[%get3A_1383, %get3A_1384] : memref<96x256xbf16, #tpu.memory_space<vmem>>, vector<96x256xbf16>
    %dot_general3A_1386 = arith.constant dense<0.000000e+00> : vector<128x256xf32>
    %dot_general3A_1387 = tpu.matmul %concatenate3A_1382, %get3A_1385, %dot_general3A_1386 {dimension_numbers = #tpu.dot_dimension_numbers<[0], [0], [1], [1], [0, 1, 1, 1], [], []>, transpose_lhs_hint = false} : vector<96x128xbf16>, vector<96x256xbf16>, vector<128x256xf32> -> vector<128x256xf32>
    %swap3A_1388 = arith.constant 3200 : index
    %swap3A_1389 = arith.constant 0 : index
    %swap3A_1390 = vector.load %arg7[%swap3A_1388, %swap3A_1389] : memref<4096x256xf32, #tpu.memory_space<vmem>>, vector<128x256xf32>
    tpu.vector_store %arg7[%swap3A_1388, %swap3A_1389], %dot_general3A_1387 {strides = array<i32>} : memref<4096x256xf32, #tpu.memory_space<vmem>>, vector<128x256xf32>,
    %get3A_1391 = arith.constant 0 : index
    %get3A_1392 = arith.constant 26 : index
    %get3A_1393 = arith.constant 0 : index
    %get3A_1394 = vector.load %arg3[%get3A_1391, %get3A_1392, %get3A_1393] : memref<1x32x128xi32, #tpu.memory_space<vmem>>, vector<1x1x128xi32>
    %get3A_1395 = vector.shape_cast %get3A_1394 : vector<1x1x128xi32> to vector<1x128xi32>
    %eq3A_1396 = vector.broadcast %get3A_1395 : vector<1x128xi32> to vector<32x128xi32>
    %eq3A_1397 = arith.cmpi eq, %iota3A, %eq3A_1396 : vector<32x128xi32>
    %get3A_1398 = arith.constant 0 : index
    %get3A_1399 = arith.constant 26 : index
    %get3A_1400 = arith.constant 0 : index
    %get3A_1401 = vector.load %arg4[%get3A_1398, %get3A_1399, %get3A_1400] : memref<1x32x128xi32, #tpu.memory_space<vmem>>, vector<1x1x128xi32>
    %get3A_1402 = vector.shape_cast %get3A_1401 : vector<1x1x128xi32> to vector<1x128xi32>
    %add3A_1403 = arith.constant 16 : i32
    %add3A_1404 = vector.broadcast %add3A_1403 : i32 to vector<1x128xi32>
    %add3A_1405 = arith.addi %get3A_1402, %add3A_1404 : vector<1x128xi32>
    %eq3A_1406 = vector.broadcast %add3A_1405 : vector<1x128xi32> to vector<32x128xi32>
    %eq3A_1407 = arith.cmpi eq, %iota3A, %eq3A_1406 : vector<32x128xi32>
    %or3A_1408 = arith.ori %eq3A_1397, %eq3A_1407 : vector<32x128xi1>
    %get3A_1409 = arith.constant 0 : index
    %get3A_1410 = arith.constant 26 : index
    %get3A_1411 = arith.constant 0 : index
    %get3A_1412 = vector.load %arg2[%get3A_1409, %get3A_1410, %get3A_1411] : memref<1x32x128xi32, #tpu.memory_space<vmem>>, vector<1x1x128xi32>
    %get3A_1413 = vector.shape_cast %get3A_1412 : vector<1x1x128xi32> to vector<1x128xi32>
    %add3A_1414 = arith.constant 24 : i32
    %add3A_1415 = vector.broadcast %add3A_1414 : i32 to vector<1x128xi32>
    %add3A_1416 = arith.addi %get3A_1413, %add3A_1415 : vector<1x128xi32>
    %eq3A_1417 = vector.broadcast %add3A_1416 : vector<1x128xi32> to vector<32x128xi32>
    %eq3A_1418 = arith.cmpi eq, %iota3A, %eq3A_1417 : vector<32x128xi32>
    %or3A_1419 = arith.ori %or3A_1408, %eq3A_1418 : vector<32x128xi1>
    %get3A_1420 = arith.constant 0 : index
    %get3A_1421 = arith.constant 26 : index
    %get3A_1422 = arith.constant 0 : index
    %get3A_1423 = vector.load %arg1[%get3A_1420, %get3A_1421, %get3A_1422] : memref<1x32x128xi32, #tpu.memory_space<vmem>>, vector<1x1x128xi32>
    %get3A_1424 = vector.shape_cast %get3A_1423 : vector<1x1x128xi32> to vector<1x128xi32>
    %ge3A_1425 = arith.constant 0 : i32
    %ge3A_1426 = vector.broadcast %ge3A_1425 : i32 to vector<1x128xi32>
    %ge3A_1427 = arith.cmpi sge, %get3A_1424, %ge3A_1426 : vector<1x128xi32>
    %and3A_1428 = vector.broadcast %ge3A_1427 : vector<1x128xi1> to vector<32x128xi1>
    %and3A_1429 = arith.andi %or3A_1419, %and3A_1428 : vector<32x128xi1>
    %jit3A_1430 = arith.constant 1.000000e+00 : f32
    %jit3A_1431 = arith.constant 0.000000e+00 : f32
    %broadcast_in_dim3A_1432 = vector.broadcast %jit3A_1430 : f32 to vector<32x128xf32>
    %broadcast_in_dim3A_1433 = vector.broadcast %jit3A_1431 : f32 to vector<32x128xf32>
    %select_n3A_1434 = arith.select %and3A_1429, %broadcast_in_dim3A_1432, %broadcast_in_dim3A_1433 : vector<32x128xi1>, vector<32x128xf32>
    %convert_element_type3A_1435 = arith.truncf %select_n3A_1434 : vector<32x128xf32> to vector<32x128xbf16>
    %concatenate3A_1436 = tpu.concatenate %convert_element_type3A_1435, %convert_element_type3A_1435, %convert_element_type3A_1435 in 0 : vector<32x128xbf16>, vector<32x128xbf16>, vector<32x128xbf16> -> vector<96x128xbf16>
    %get3A_1437 = arith.constant 0 : index
    %get3A_1438 = arith.constant 0 : index
    %get3A_1439 = vector.load %arg5[%get3A_1437, %get3A_1438] : memref<96x256xbf16, #tpu.memory_space<vmem>>, vector<96x256xbf16>
    %dot_general3A_1440 = arith.constant dense<0.000000e+00> : vector<128x256xf32>
    %dot_general3A_1441 = tpu.matmul %concatenate3A_1436, %get3A_1439, %dot_general3A_1440 {dimension_numbers = #tpu.dot_dimension_numbers<[0], [0], [1], [1], [0, 1, 1, 1], [], []>, transpose_lhs_hint = false} : vector<96x128xbf16>, vector<96x256xbf16>, vector<128x256xf32> -> vector<128x256xf32>
    %swap3A_1442 = arith.constant 3328 : index
    %swap3A_1443 = arith.constant 0 : index
    %swap3A_1444 = vector.load %arg7[%swap3A_1442, %swap3A_1443] : memref<4096x256xf32, #tpu.memory_space<vmem>>, vector<128x256xf32>
    tpu.vector_store %arg7[%swap3A_1442, %swap3A_1443], %dot_general3A_1441 {strides = array<i32>} : memref<4096x256xf32, #tpu.memory_space<vmem>>, vector<128x256xf32>,
    %get3A_1445 = arith.constant 0 : index
    %get3A_1446 = arith.constant 27 : index
    %get3A_1447 = arith.constant 0 : index
    %get3A_1448 = vector.load %arg3[%get3A_1445, %get3A_1446, %get3A_1447] : memref<1x32x128xi32, #tpu.memory_space<vmem>>, vector<1x1x128xi32>
    %get3A_1449 = vector.shape_cast %get3A_1448 : vector<1x1x128xi32> to vector<1x128xi32>
    %eq3A_1450 = vector.broadcast %get3A_1449 : vector<1x128xi32> to vector<32x128xi32>
    %eq3A_1451 = arith.cmpi eq, %iota3A, %eq3A_1450 : vector<32x128xi32>
    %get3A_1452 = arith.constant 0 : index
    %get3A_1453 = arith.constant 27 : index
    %get3A_1454 = arith.constant 0 : index
    %get3A_1455 = vector.load %arg4[%get3A_1452, %get3A_1453, %get3A_1454] : memref<1x32x128xi32, #tpu.memory_space<vmem>>, vector<1x1x128xi32>
    %get3A_1456 = vector.shape_cast %get3A_1455 : vector<1x1x128xi32> to vector<1x128xi32>
    %add3A_1457 = arith.constant 16 : i32
    %add3A_1458 = vector.broadcast %add3A_1457 : i32 to vector<1x128xi32>
    %add3A_1459 = arith.addi %get3A_1456, %add3A_1458 : vector<1x128xi32>
    %eq3A_1460 = vector.broadcast %add3A_1459 : vector<1x128xi32> to vector<32x128xi32>
    %eq3A_1461 = arith.cmpi eq, %iota3A, %eq3A_1460 : vector<32x128xi32>
    %or3A_1462 = arith.ori %eq3A_1451, %eq3A_1461 : vector<32x128xi1>
    %get3A_1463 = arith.constant 0 : index
    %get3A_1464 = arith.constant 27 : index
    %get3A_1465 = arith.constant 0 : index
    %get3A_1466 = vector.load %arg2[%get3A_1463, %get3A_1464, %get3A_1465] : memref<1x32x128xi32, #tpu.memory_space<vmem>>, vector<1x1x128xi32>
    %get3A_1467 = vector.shape_cast %get3A_1466 : vector<1x1x128xi32> to vector<1x128xi32>
    %add3A_1468 = arith.constant 24 : i32
    %add3A_1469 = vector.broadcast %add3A_1468 : i32 to vector<1x128xi32>
    %add3A_1470 = arith.addi %get3A_1467, %add3A_1469 : vector<1x128xi32>
    %eq3A_1471 = vector.broadcast %add3A_1470 : vector<1x128xi32> to vector<32x128xi32>
    %eq3A_1472 = arith.cmpi eq, %iota3A, %eq3A_1471 : vector<32x128xi32>
    %or3A_1473 = arith.ori %or3A_1462, %eq3A_1472 : vector<32x128xi1>
    %get3A_1474 = arith.constant 0 : index
    %get3A_1475 = arith.constant 27 : index
    %get3A_1476 = arith.constant 0 : index
    %get3A_1477 = vector.load %arg1[%get3A_1474, %get3A_1475, %get3A_1476] : memref<1x32x128xi32, #tpu.memory_space<vmem>>, vector<1x1x128xi32>
    %get3A_1478 = vector.shape_cast %get3A_1477 : vector<1x1x128xi32> to vector<1x128xi32>
    %ge3A_1479 = arith.constant 0 : i32
    %ge3A_1480 = vector.broadcast %ge3A_1479 : i32 to vector<1x128xi32>
    %ge3A_1481 = arith.cmpi sge, %get3A_1478, %ge3A_1480 : vector<1x128xi32>
    %and3A_1482 = vector.broadcast %ge3A_1481 : vector<1x128xi1> to vector<32x128xi1>
    %and3A_1483 = arith.andi %or3A_1473, %and3A_1482 : vector<32x128xi1>
    %jit3A_1484 = arith.constant 1.000000e+00 : f32
    %jit3A_1485 = arith.constant 0.000000e+00 : f32
    %broadcast_in_dim3A_1486 = vector.broadcast %jit3A_1484 : f32 to vector<32x128xf32>
    %broadcast_in_dim3A_1487 = vector.broadcast %jit3A_1485 : f32 to vector<32x128xf32>
    %select_n3A_1488 = arith.select %and3A_1483, %broadcast_in_dim3A_1486, %broadcast_in_dim3A_1487 : vector<32x128xi1>, vector<32x128xf32>
    %convert_element_type3A_1489 = arith.truncf %select_n3A_1488 : vector<32x128xf32> to vector<32x128xbf16>
    %concatenate3A_1490 = tpu.concatenate %convert_element_type3A_1489, %convert_element_type3A_1489, %convert_element_type3A_1489 in 0 : vector<32x128xbf16>, vector<32x128xbf16>, vector<32x128xbf16> -> vector<96x128xbf16>
    %get3A_1491 = arith.constant 0 : index
    %get3A_1492 = arith.constant 0 : index
    %get3A_1493 = vector.load %arg5[%get3A_1491, %get3A_1492] : memref<96x256xbf16, #tpu.memory_space<vmem>>, vector<96x256xbf16>
    %dot_general3A_1494 = arith.constant dense<0.000000e+00> : vector<128x256xf32>
    %dot_general3A_1495 = tpu.matmul %concatenate3A_1490, %get3A_1493, %dot_general3A_1494 {dimension_numbers = #tpu.dot_dimension_numbers<[0], [0], [1], [1], [0, 1, 1, 1], [], []>, transpose_lhs_hint = false} : vector<96x128xbf16>, vector<96x256xbf16>, vector<128x256xf32> -> vector<128x256xf32>
    %swap3A_1496 = arith.constant 3456 : index
    %swap3A_1497 = arith.constant 0 : index
    %swap3A_1498 = vector.load %arg7[%swap3A_1496, %swap3A_1497] : memref<4096x256xf32, #tpu.memory_space<vmem>>, vector<128x256xf32>
    tpu.vector_store %arg7[%swap3A_1496, %swap3A_1497], %dot_general3A_1495 {strides = array<i32>} : memref<4096x256xf32, #tpu.memory_space<vmem>>, vector<128x256xf32>,
    %get3A_1499 = arith.constant 0 : index
    %get3A_1500 = arith.constant 28 : index
    %get3A_1501 = arith.constant 0 : index
    %get3A_1502 = vector.load %arg3[%get3A_1499, %get3A_1500, %get3A_1501] : memref<1x32x128xi32, #tpu.memory_space<vmem>>, vector<1x1x128xi32>
    %get3A_1503 = vector.shape_cast %get3A_1502 : vector<1x1x128xi32> to vector<1x128xi32>
    %eq3A_1504 = vector.broadcast %get3A_1503 : vector<1x128xi32> to vector<32x128xi32>
    %eq3A_1505 = arith.cmpi eq, %iota3A, %eq3A_1504 : vector<32x128xi32>
    %get3A_1506 = arith.constant 0 : index
    %get3A_1507 = arith.constant 28 : index
    %get3A_1508 = arith.constant 0 : index
    %get3A_1509 = vector.load %arg4[%get3A_1506, %get3A_1507, %get3A_1508] : memref<1x32x128xi32, #tpu.memory_space<vmem>>, vector<1x1x128xi32>
    %get3A_1510 = vector.shape_cast %get3A_1509 : vector<1x1x128xi32> to vector<1x128xi32>
    %add3A_1511 = arith.constant 16 : i32
    %add3A_1512 = vector.broadcast %add3A_1511 : i32 to vector<1x128xi32>
    %add3A_1513 = arith.addi %get3A_1510, %add3A_1512 : vector<1x128xi32>
    %eq3A_1514 = vector.broadcast %add3A_1513 : vector<1x128xi32> to vector<32x128xi32>
    %eq3A_1515 = arith.cmpi eq, %iota3A, %eq3A_1514 : vector<32x128xi32>
    %or3A_1516 = arith.ori %eq3A_1505, %eq3A_1515 : vector<32x128xi1>
    %get3A_1517 = arith.constant 0 : index
    %get3A_1518 = arith.constant 28 : index
    %get3A_1519 = arith.constant 0 : index
    %get3A_1520 = vector.load %arg2[%get3A_1517, %get3A_1518, %get3A_1519] : memref<1x32x128xi32, #tpu.memory_space<vmem>>, vector<1x1x128xi32>
    %get3A_1521 = vector.shape_cast %get3A_1520 : vector<1x1x128xi32> to vector<1x128xi32>
    %add3A_1522 = arith.constant 24 : i32
    %add3A_1523 = vector.broadcast %add3A_1522 : i32 to vector<1x128xi32>
    %add3A_1524 = arith.addi %get3A_1521, %add3A_1523 : vector<1x128xi32>
    %eq3A_1525 = vector.broadcast %add3A_1524 : vector<1x128xi32> to vector<32x128xi32>
    %eq3A_1526 = arith.cmpi eq, %iota3A, %eq3A_1525 : vector<32x128xi32>
    %or3A_1527 = arith.ori %or3A_1516, %eq3A_1526 : vector<32x128xi1>
    %get3A_1528 = arith.constant 0 : index
    %get3A_1529 = arith.constant 28 : index
    %get3A_1530 = arith.constant 0 : index
    %get3A_1531 = vector.load %arg1[%get3A_1528, %get3A_1529, %get3A_1530] : memref<1x32x128xi32, #tpu.memory_space<vmem>>, vector<1x1x128xi32>
    %get3A_1532 = vector.shape_cast %get3A_1531 : vector<1x1x128xi32> to vector<1x128xi32>
    %ge3A_1533 = arith.constant 0 : i32
    %ge3A_1534 = vector.broadcast %ge3A_1533 : i32 to vector<1x128xi32>
    %ge3A_1535 = arith.cmpi sge, %get3A_1532, %ge3A_1534 : vector<1x128xi32>
    %and3A_1536 = vector.broadcast %ge3A_1535 : vector<1x128xi1> to vector<32x128xi1>
    %and3A_1537 = arith.andi %or3A_1527, %and3A_1536 : vector<32x128xi1>
    %jit3A_1538 = arith.constant 1.000000e+00 : f32
    %jit3A_1539 = arith.constant 0.000000e+00 : f32
    %broadcast_in_dim3A_1540 = vector.broadcast %jit3A_1538 : f32 to vector<32x128xf32>
    %broadcast_in_dim3A_1541 = vector.broadcast %jit3A_1539 : f32 to vector<32x128xf32>
    %select_n3A_1542 = arith.select %and3A_1537, %broadcast_in_dim3A_1540, %broadcast_in_dim3A_1541 : vector<32x128xi1>, vector<32x128xf32>
    %convert_element_type3A_1543 = arith.truncf %select_n3A_1542 : vector<32x128xf32> to vector<32x128xbf16>
    %concatenate3A_1544 = tpu.concatenate %convert_element_type3A_1543, %convert_element_type3A_1543, %convert_element_type3A_1543 in 0 : vector<32x128xbf16>, vector<32x128xbf16>, vector<32x128xbf16> -> vector<96x128xbf16>
    %get3A_1545 = arith.constant 0 : index
    %get3A_1546 = arith.constant 0 : index
    %get3A_1547 = vector.load %arg5[%get3A_1545, %get3A_1546] : memref<96x256xbf16, #tpu.memory_space<vmem>>, vector<96x256xbf16>
    %dot_general3A_1548 = arith.constant dense<0.000000e+00> : vector<128x256xf32>
    %dot_general3A_1549 = tpu.matmul %concatenate3A_1544, %get3A_1547, %dot_general3A_1548 {dimension_numbers = #tpu.dot_dimension_numbers<[0], [0], [1], [1], [0, 1, 1, 1], [], []>, transpose_lhs_hint = false} : vector<96x128xbf16>, vector<96x256xbf16>, vector<128x256xf32> -> vector<128x256xf32>
    %swap3A_1550 = arith.constant 3584 : index
    %swap3A_1551 = arith.constant 0 : index
    %swap3A_1552 = vector.load %arg7[%swap3A_1550, %swap3A_1551] : memref<4096x256xf32, #tpu.memory_space<vmem>>, vector<128x256xf32>
    tpu.vector_store %arg7[%swap3A_1550, %swap3A_1551], %dot_general3A_1549 {strides = array<i32>} : memref<4096x256xf32, #tpu.memory_space<vmem>>, vector<128x256xf32>,
    %get3A_1553 = arith.constant 0 : index
    %get3A_1554 = arith.constant 29 : index
    %get3A_1555 = arith.constant 0 : index
    %get3A_1556 = vector.load %arg3[%get3A_1553, %get3A_1554, %get3A_1555] : memref<1x32x128xi32, #tpu.memory_space<vmem>>, vector<1x1x128xi32>
    %get3A_1557 = vector.shape_cast %get3A_1556 : vector<1x1x128xi32> to vector<1x128xi32>
    %eq3A_1558 = vector.broadcast %get3A_1557 : vector<1x128xi32> to vector<32x128xi32>
    %eq3A_1559 = arith.cmpi eq, %iota3A, %eq3A_1558 : vector<32x128xi32>
    %get3A_1560 = arith.constant 0 : index
    %get3A_1561 = arith.constant 29 : index
    %get3A_1562 = arith.constant 0 : index
    %get3A_1563 = vector.load %arg4[%get3A_1560, %get3A_1561, %get3A_1562] : memref<1x32x128xi32, #tpu.memory_space<vmem>>, vector<1x1x128xi32>
    %get3A_1564 = vector.shape_cast %get3A_1563 : vector<1x1x128xi32> to vector<1x128xi32>
    %add3A_1565 = arith.constant 16 : i32
    %add3A_1566 = vector.broadcast %add3A_1565 : i32 to vector<1x128xi32>
    %add3A_1567 = arith.addi %get3A_1564, %add3A_1566 : vector<1x128xi32>
    %eq3A_1568 = vector.broadcast %add3A_1567 : vector<1x128xi32> to vector<32x128xi32>
    %eq3A_1569 = arith.cmpi eq, %iota3A, %eq3A_1568 : vector<32x128xi32>
    %or3A_1570 = arith.ori %eq3A_1559, %eq3A_1569 : vector<32x128xi1>
    %get3A_1571 = arith.constant 0 : index
    %get3A_1572 = arith.constant 29 : index
    %get3A_1573 = arith.constant 0 : index
    %get3A_1574 = vector.load %arg2[%get3A_1571, %get3A_1572, %get3A_1573] : memref<1x32x128xi32, #tpu.memory_space<vmem>>, vector<1x1x128xi32>
    %get3A_1575 = vector.shape_cast %get3A_1574 : vector<1x1x128xi32> to vector<1x128xi32>
    %add3A_1576 = arith.constant 24 : i32
    %add3A_1577 = vector.broadcast %add3A_1576 : i32 to vector<1x128xi32>
    %add3A_1578 = arith.addi %get3A_1575, %add3A_1577 : vector<1x128xi32>
    %eq3A_1579 = vector.broadcast %add3A_1578 : vector<1x128xi32> to vector<32x128xi32>
    %eq3A_1580 = arith.cmpi eq, %iota3A, %eq3A_1579 : vector<32x128xi32>
    %or3A_1581 = arith.ori %or3A_1570, %eq3A_1580 : vector<32x128xi1>
    %get3A_1582 = arith.constant 0 : index
    %get3A_1583 = arith.constant 29 : index
    %get3A_1584 = arith.constant 0 : index
    %get3A_1585 = vector.load %arg1[%get3A_1582, %get3A_1583, %get3A_1584] : memref<1x32x128xi32, #tpu.memory_space<vmem>>, vector<1x1x128xi32>
    %get3A_1586 = vector.shape_cast %get3A_1585 : vector<1x1x128xi32> to vector<1x128xi32>
    %ge3A_1587 = arith.constant 0 : i32
    %ge3A_1588 = vector.broadcast %ge3A_1587 : i32 to vector<1x128xi32>
    %ge3A_1589 = arith.cmpi sge, %get3A_1586, %ge3A_1588 : vector<1x128xi32>
    %and3A_1590 = vector.broadcast %ge3A_1589 : vector<1x128xi1> to vector<32x128xi1>
    %and3A_1591 = arith.andi %or3A_1581, %and3A_1590 : vector<32x128xi1>
    %jit3A_1592 = arith.constant 1.000000e+00 : f32
    %jit3A_1593 = arith.constant 0.000000e+00 : f32
    %broadcast_in_dim3A_1594 = vector.broadcast %jit3A_1592 : f32 to vector<32x128xf32>
    %broadcast_in_dim3A_1595 = vector.broadcast %jit3A_1593 : f32 to vector<32x128xf32>
    %select_n3A_1596 = arith.select %and3A_1591, %broadcast_in_dim3A_1594, %broadcast_in_dim3A_1595 : vector<32x128xi1>, vector<32x128xf32>
    %convert_element_type3A_1597 = arith.truncf %select_n3A_1596 : vector<32x128xf32> to vector<32x128xbf16>
    %concatenate3A_1598 = tpu.concatenate %convert_element_type3A_1597, %convert_element_type3A_1597, %convert_element_type3A_1597 in 0 : vector<32x128xbf16>, vector<32x128xbf16>, vector<32x128xbf16> -> vector<96x128xbf16>
    %get3A_1599 = arith.constant 0 : index
    %get3A_1600 = arith.constant 0 : index
    %get3A_1601 = vector.load %arg5[%get3A_1599, %get3A_1600] : memref<96x256xbf16, #tpu.memory_space<vmem>>, vector<96x256xbf16>
    %dot_general3A_1602 = arith.constant dense<0.000000e+00> : vector<128x256xf32>
    %dot_general3A_1603 = tpu.matmul %concatenate3A_1598, %get3A_1601, %dot_general3A_1602 {dimension_numbers = #tpu.dot_dimension_numbers<[0], [0], [1], [1], [0, 1, 1, 1], [], []>, transpose_lhs_hint = false} : vector<96x128xbf16>, vector<96x256xbf16>, vector<128x256xf32> -> vector<128x256xf32>
    %swap3A_1604 = arith.constant 3712 : index
    %swap3A_1605 = arith.constant 0 : index
    %swap3A_1606 = vector.load %arg7[%swap3A_1604, %swap3A_1605] : memref<4096x256xf32, #tpu.memory_space<vmem>>, vector<128x256xf32>
    tpu.vector_store %arg7[%swap3A_1604, %swap3A_1605], %dot_general3A_1603 {strides = array<i32>} : memref<4096x256xf32, #tpu.memory_space<vmem>>, vector<128x256xf32>,
    %get3A_1607 = arith.constant 0 : index
    %get3A_1608 = arith.constant 30 : index
    %get3A_1609 = arith.constant 0 : index
    %get3A_1610 = vector.load %arg3[%get3A_1607, %get3A_1608, %get3A_1609] : memref<1x32x128xi32, #tpu.memory_space<vmem>>, vector<1x1x128xi32>
    %get3A_1611 = vector.shape_cast %get3A_1610 : vector<1x1x128xi32> to vector<1x128xi32>
    %eq3A_1612 = vector.broadcast %get3A_1611 : vector<1x128xi32> to vector<32x128xi32>
    %eq3A_1613 = arith.cmpi eq, %iota3A, %eq3A_1612 : vector<32x128xi32>
    %get3A_1614 = arith.constant 0 : index
    %get3A_1615 = arith.constant 30 : index
    %get3A_1616 = arith.constant 0 : index
    %get3A_1617 = vector.load %arg4[%get3A_1614, %get3A_1615, %get3A_1616] : memref<1x32x128xi32, #tpu.memory_space<vmem>>, vector<1x1x128xi32>
    %get3A_1618 = vector.shape_cast %get3A_1617 : vector<1x1x128xi32> to vector<1x128xi32>
    %add3A_1619 = arith.constant 16 : i32
    %add3A_1620 = vector.broadcast %add3A_1619 : i32 to vector<1x128xi32>
    %add3A_1621 = arith.addi %get3A_1618, %add3A_1620 : vector<1x128xi32>
    %eq3A_1622 = vector.broadcast %add3A_1621 : vector<1x128xi32> to vector<32x128xi32>
    %eq3A_1623 = arith.cmpi eq, %iota3A, %eq3A_1622 : vector<32x128xi32>
    %or3A_1624 = arith.ori %eq3A_1613, %eq3A_1623 : vector<32x128xi1>
    %get3A_1625 = arith.constant 0 : index
    %get3A_1626 = arith.constant 30 : index
    %get3A_1627 = arith.constant 0 : index
    %get3A_1628 = vector.load %arg2[%get3A_1625, %get3A_1626, %get3A_1627] : memref<1x32x128xi32, #tpu.memory_space<vmem>>, vector<1x1x128xi32>
    %get3A_1629 = vector.shape_cast %get3A_1628 : vector<1x1x128xi32> to vector<1x128xi32>
    %add3A_1630 = arith.constant 24 : i32
    %add3A_1631 = vector.broadcast %add3A_1630 : i32 to vector<1x128xi32>
    %add3A_1632 = arith.addi %get3A_1629, %add3A_1631 : vector<1x128xi32>
    %eq3A_1633 = vector.broadcast %add3A_1632 : vector<1x128xi32> to vector<32x128xi32>
    %eq3A_1634 = arith.cmpi eq, %iota3A, %eq3A_1633 : vector<32x128xi32>
    %or3A_1635 = arith.ori %or3A_1624, %eq3A_1634 : vector<32x128xi1>
    %get3A_1636 = arith.constant 0 : index
    %get3A_1637 = arith.constant 30 : index
    %get3A_1638 = arith.constant 0 : index
    %get3A_1639 = vector.load %arg1[%get3A_1636, %get3A_1637, %get3A_1638] : memref<1x32x128xi32, #tpu.memory_space<vmem>>, vector<1x1x128xi32>
    %get3A_1640 = vector.shape_cast %get3A_1639 : vector<1x1x128xi32> to vector<1x128xi32>
    %ge3A_1641 = arith.constant 0 : i32
    %ge3A_1642 = vector.broadcast %ge3A_1641 : i32 to vector<1x128xi32>
    %ge3A_1643 = arith.cmpi sge, %get3A_1640, %ge3A_1642 : vector<1x128xi32>
    %and3A_1644 = vector.broadcast %ge3A_1643 : vector<1x128xi1> to vector<32x128xi1>
    %and3A_1645 = arith.andi %or3A_1635, %and3A_1644 : vector<32x128xi1>
    %jit3A_1646 = arith.constant 1.000000e+00 : f32
    %jit3A_1647 = arith.constant 0.000000e+00 : f32
    %broadcast_in_dim3A_1648 = vector.broadcast %jit3A_1646 : f32 to vector<32x128xf32>
    %broadcast_in_dim3A_1649 = vector.broadcast %jit3A_1647 : f32 to vector<32x128xf32>
    %select_n3A_1650 = arith.select %and3A_1645, %broadcast_in_dim3A_1648, %broadcast_in_dim3A_1649 : vector<32x128xi1>, vector<32x128xf32>
    %convert_element_type3A_1651 = arith.truncf %select_n3A_1650 : vector<32x128xf32> to vector<32x128xbf16>
    %concatenate3A_1652 = tpu.concatenate %convert_element_type3A_1651, %convert_element_type3A_1651, %convert_element_type3A_1651 in 0 : vector<32x128xbf16>, vector<32x128xbf16>, vector<32x128xbf16> -> vector<96x128xbf16>
    %get3A_1653 = arith.constant 0 : index
    %get3A_1654 = arith.constant 0 : index
    %get3A_1655 = vector.load %arg5[%get3A_1653, %get3A_1654] : memref<96x256xbf16, #tpu.memory_space<vmem>>, vector<96x256xbf16>
    %dot_general3A_1656 = arith.constant dense<0.000000e+00> : vector<128x256xf32>
    %dot_general3A_1657 = tpu.matmul %concatenate3A_1652, %get3A_1655, %dot_general3A_1656 {dimension_numbers = #tpu.dot_dimension_numbers<[0], [0], [1], [1], [0, 1, 1, 1], [], []>, transpose_lhs_hint = false} : vector<96x128xbf16>, vector<96x256xbf16>, vector<128x256xf32> -> vector<128x256xf32>
    %swap3A_1658 = arith.constant 3840 : index
    %swap3A_1659 = arith.constant 0 : index
    %swap3A_1660 = vector.load %arg7[%swap3A_1658, %swap3A_1659] : memref<4096x256xf32, #tpu.memory_space<vmem>>, vector<128x256xf32>
    tpu.vector_store %arg7[%swap3A_1658, %swap3A_1659], %dot_general3A_1657 {strides = array<i32>} : memref<4096x256xf32, #tpu.memory_space<vmem>>, vector<128x256xf32>,
    %get3A_1661 = arith.constant 0 : index
    %get3A_1662 = arith.constant 31 : index
    %get3A_1663 = arith.constant 0 : index
    %get3A_1664 = vector.load %arg3[%get3A_1661, %get3A_1662, %get3A_1663] : memref<1x32x128xi32, #tpu.memory_space<vmem>>, vector<1x1x128xi32>
    %get3A_1665 = vector.shape_cast %get3A_1664 : vector<1x1x128xi32> to vector<1x128xi32>
    %eq3A_1666 = vector.broadcast %get3A_1665 : vector<1x128xi32> to vector<32x128xi32>
    %eq3A_1667 = arith.cmpi eq, %iota3A, %eq3A_1666 : vector<32x128xi32>
    %get3A_1668 = arith.constant 0 : index
    %get3A_1669 = arith.constant 31 : index
    %get3A_1670 = arith.constant 0 : index
    %get3A_1671 = vector.load %arg4[%get3A_1668, %get3A_1669, %get3A_1670] : memref<1x32x128xi32, #tpu.memory_space<vmem>>, vector<1x1x128xi32>
    %get3A_1672 = vector.shape_cast %get3A_1671 : vector<1x1x128xi32> to vector<1x128xi32>
    %add3A_1673 = arith.constant 16 : i32
    %add3A_1674 = vector.broadcast %add3A_1673 : i32 to vector<1x128xi32>
    %add3A_1675 = arith.addi %get3A_1672, %add3A_1674 : vector<1x128xi32>
    %eq3A_1676 = vector.broadcast %add3A_1675 : vector<1x128xi32> to vector<32x128xi32>
    %eq3A_1677 = arith.cmpi eq, %iota3A, %eq3A_1676 : vector<32x128xi32>
    %or3A_1678 = arith.ori %eq3A_1667, %eq3A_1677 : vector<32x128xi1>
    %get3A_1679 = arith.constant 0 : index
    %get3A_1680 = arith.constant 31 : index
    %get3A_1681 = arith.constant 0 : index
    %get3A_1682 = vector.load %arg2[%get3A_1679, %get3A_1680, %get3A_1681] : memref<1x32x128xi32, #tpu.memory_space<vmem>>, vector<1x1x128xi32>
    %get3A_1683 = vector.shape_cast %get3A_1682 : vector<1x1x128xi32> to vector<1x128xi32>
    %add3A_1684 = arith.constant 24 : i32
    %add3A_1685 = vector.broadcast %add3A_1684 : i32 to vector<1x128xi32>
    %add3A_1686 = arith.addi %get3A_1683, %add3A_1685 : vector<1x128xi32>
    %eq3A_1687 = vector.broadcast %add3A_1686 : vector<1x128xi32> to vector<32x128xi32>
    %eq3A_1688 = arith.cmpi eq, %iota3A, %eq3A_1687 : vector<32x128xi32>
    %or3A_1689 = arith.ori %or3A_1678, %eq3A_1688 : vector<32x128xi1>
    %get3A_1690 = arith.constant 0 : index
    %get3A_1691 = arith.constant 31 : index
    %get3A_1692 = arith.constant 0 : index
    %get3A_1693 = vector.load %arg1[%get3A_1690, %get3A_1691, %get3A_1692] : memref<1x32x128xi32, #tpu.memory_space<vmem>>, vector<1x1x128xi32>
    %get3A_1694 = vector.shape_cast %get3A_1693 : vector<1x1x128xi32> to vector<1x128xi32>
    %ge3A_1695 = arith.constant 0 : i32
    %ge3A_1696 = vector.broadcast %ge3A_1695 : i32 to vector<1x128xi32>
    %ge3A_1697 = arith.cmpi sge, %get3A_1694, %ge3A_1696 : vector<1x128xi32>
    %and3A_1698 = vector.broadcast %ge3A_1697 : vector<1x128xi1> to vector<32x128xi1>
    %and3A_1699 = arith.andi %or3A_1689, %and3A_1698 : vector<32x128xi1>
    %jit3A_1700 = arith.constant 1.000000e+00 : f32
    %jit3A_1701 = arith.constant 0.000000e+00 : f32
    %broadcast_in_dim3A_1702 = vector.broadcast %jit3A_1700 : f32 to vector<32x128xf32>
    %broadcast_in_dim3A_1703 = vector.broadcast %jit3A_1701 : f32 to vector<32x128xf32>
    %select_n3A_1704 = arith.select %and3A_1699, %broadcast_in_dim3A_1702, %broadcast_in_dim3A_1703 : vector<32x128xi1>, vector<32x128xf32>
    %convert_element_type3A_1705 = arith.truncf %select_n3A_1704 : vector<32x128xf32> to vector<32x128xbf16>
    %concatenate3A_1706 = tpu.concatenate %convert_element_type3A_1705, %convert_element_type3A_1705, %convert_element_type3A_1705 in 0 : vector<32x128xbf16>, vector<32x128xbf16>, vector<32x128xbf16> -> vector<96x128xbf16>
    %get3A_1707 = arith.constant 0 : index
    %get3A_1708 = arith.constant 0 : index
    %get3A_1709 = vector.load %arg5[%get3A_1707, %get3A_1708] : memref<96x256xbf16, #tpu.memory_space<vmem>>, vector<96x256xbf16>
    %dot_general3A_1710 = arith.constant dense<0.000000e+00> : vector<128x256xf32>
    %dot_general3A_1711 = tpu.matmul %concatenate3A_1706, %get3A_1709, %dot_general3A_1710 {dimension_numbers = #tpu.dot_dimension_numbers<[0], [0], [1], [1], [0, 1, 1, 1], [], []>, transpose_lhs_hint = false} : vector<96x128xbf16>, vector<96x256xbf16>, vector<128x256xf32> -> vector<128x256xf32>
    %swap3A_1712 = arith.constant 3968 : index
    %swap3A_1713 = arith.constant 0 : index
    %swap3A_1714 = vector.load %arg7[%swap3A_1712, %swap3A_1713] : memref<4096x256xf32, #tpu.memory_space<vmem>>, vector<128x256xf32>
    tpu.vector_store %arg7[%swap3A_1712, %swap3A_1713], %dot_general3A_1711 {strides = array<i32>} : memref<4096x256xf32, #tpu.memory_space<vmem>>, vector<128x256xf32>,
    return
  }
  func.func @transform_0(%arg0: i32) -> (i32, i32, i32) {
    %c0_i32 = arith.constant 0 : i32
    %c0_i32_0 = arith.constant 0 : i32
    %c0_i32_1 = arith.constant 0 : i32
    return %arg0, %c0_i32, %c0_i32_0 : i32, i32, i32
  }
  func.func @transform_1(%arg0: i32) -> (i32, i32, i32) {
    %c0_i32 = arith.constant 0 : i32
    %c0_i32_0 = arith.constant 0 : i32
    %c0_i32_1 = arith.constant 0 : i32
    return %arg0, %c0_i32, %c0_i32_0 : i32, i32, i32
  }
  func.func @transform_2(%arg0: i32) -> (i32, i32, i32) {
    %c0_i32 = arith.constant 0 : i32
    %c0_i32_0 = arith.constant 0 : i32
    %c0_i32_1 = arith.constant 0 : i32
    return %arg0, %c0_i32, %c0_i32_0 : i32, i32, i32
  }
  func.func @transform_3(%arg0: i32) -> (i32, i32, i32) {
    %c0_i32 = arith.constant 0 : i32
    %c0_i32_0 = arith.constant 0 : i32
    %c0_i32_1 = arith.constant 0 : i32
    return %arg0, %c0_i32, %c0_i32_0 : i32, i32, i32
  }
  func.func @transform_4(%arg0: i32) -> (i32, i32) {
    %c0_i32 = arith.constant 0 : i32
    %c0_i32_0 = arith.constant 0 : i32
    %c0_i32_1 = arith.constant 0 : i32
    return %c0_i32, %c0_i32_0 : i32, i32
  }
  func.func @transform_6(%arg0: i32) -> (i32, i32) {
    %c0_i32 = arith.constant 0 : i32
    %c0_i32_0 = arith.constant 0 : i32
    return %arg0, %c0_i32 : i32, i32
  }
}

</mosaic_0001>

<sc_bundles>
// kernel: kernel.5.cloned.1.call-start
scs
__scs_entry_jumppad:
0x0: {  	(pc) =	sbr.rel $0x88, $3  }
0x1: {  	(tag) =	ssettag $0x0;
	lr =	simm.s32 $0x1  }
0x2: {  	[smem:$0x3F9A] =	sst lr;
	_ =	strace $0xD0000000  }
0x3: {  	_ = 	snop  }
0x4: {  	_ = 	snop  }
0x5: {  	_ = 	snop  }
0x6: {  	_ = 	snop  }
0x7: {  	_ = 	snop  }
__scs_overlays_trampoline_lowered:
0x8: {  	[smem:$0x3FA9] =	sst s0  }
0x9: {  	[smem:$0x3FAA] =	sst s1  }
0xa: {  	[smem:$0x3FAB] =	sst s2  }
0xb: {  	[smem:$0x3FAC] =	sst s3  }
0xc: {  	[smem:$0x3FAD] =	sst s4  }
0xd: {  	[smem:$0x3FAE] =	sst s5  }
0xe: {  	[smem:$0x3FAF] =	sst s6  }
0xf: {  	[smem:$0x3FB0] =	sst s7  }
0x10: {  	[smem:$0x3FB1] =	sst s8  }
0x11: {  	[smem:$0x3FB2] =	sst s9;
	s0 =	simm.s32 @!p0 $0x0  }
0x12: {  	s1 =	sld [smem:$0x3F98];
	s0 =	simm.s32 @p0 $0x1  }
0x13: {  	[smem:$0x3FB3] =	sst s0;
	s0 =	simm.s32 @!p1 $0x0  }
0x14: {  	s2 =	sld [smem:$0x3F97];
	s0 =	simm.s32 @p1 $0x1  }
0x15: {  	[smem:$0x3FB4] =	sst s0;
	s0 =	simm.s32 @!p2 $0x0  }
0x16: {  	s3 =	sld [smem:$0x3FDB];
	s0 =	simm.s32 @p2 $0x1  }
0x17: {  	s4 =	simm.s32 $0x1BF5;
	[smem:$0x3FB6] =	sst s0  }
0x18: {  	s0 =	sld [smem:$0x3F99];
	_ =	swait.ge [sflag:s4], $0x0  }
0x19: {  	s7 =	sld [smem:$0x3F9A]  }
0x1a: {  	s8 =	sadd.s32 $0xFFFFE003, lr  }
0x1b: {  	s9 =	sadd.s32 $0xFFFFFEF7, lr;
	s5 =	simm.s32 $0xFFFFFFFF;
	p2 =	slt.u32 s8, $0xFFFFF086  }
0x1c: {  	p1 =	slt.u32 s9, $0xF7A;
	s5 =	simm.s32 @!p2 $0x0  }
0x1d: {  	s5 =	simm.s32 @p1 $0x1;
	p0 =	seq.s32 s7, s2  }
0x1e: {  	s7 =	smul.u32 @!p0 $0xF7A, s2;
	p2 =	seq.s32 @!p0 s5, $0x0  }
0x1f: {  	s9 =	smul.u32 $0xF7A, s1;
	s8 =	simm.s32 @!p0 $0x1BF5;
	p2 =	por !p2, p0  }
0x20: {  	[sflag:s8] =	ssyncset.s32 @!p0 $0xFFFFF086;
	s6 =	sadd.s32 @!p0 s3, s7;
	s7 =	simm.s32 @!p0 $0x108  }
0x21: {  	s3 =	sadd.s32 s3, s9;
	s6 =	sadd.s32 @!p0 $0x88, s6;
	s7 =	simm.s32 @p2 $0x1082  }
0x22: {  	[simem:s7], [sflag:s8] =	dma.local @!p0 [hbm:s6], $0xF7A  }
0x23: {  	s9 =	sor.u32 $0xD0000000, s2;
	s6 =	simm.s32 $0x108;
	_ =	swait.ge @!p0 [sflag:s8], $0x0  }
0x24: {  	s3 =	sadd.s32 $0x88, s3;
	s6 =	simm.s32 @!p1 $0x1082;
	[sflag:s4] =	ssyncset.s32 $0xFFFFF086  }
0x25: {  	[simem:s6], [sflag:s4] =	dma.local [hbm:s3], $0xF7A  }
0x26: {  	[smem:$0x3F9A] =	sst s1;
	(tag) =	ssettag s2;
	_ =	strace s9  }
0x27: {  	s1 =	sld [smem:$0x3FAA]  }
0x28: {  	s2 =	sld [smem:$0x3FAB]  }
0x29: {  	s4 =	sld [smem:$0x3FAD]  }
0x2a: {  	p0 =	seq.s32 s5, $0x0;
	s5 =	sld [smem:$0x3FAE]  }
0x2b: {  	s6 =	sld [smem:$0x3FAF]  }
0x2c: {  	s7 =	sld [smem:$0x3FB0]  }
0x2d: {  	s3 =	simm.s32 $0x108;
	s8 =	sld [smem:$0x3FB1]  }
0x2e: {  	s3 =	simm.s32 @!p0 $0x1082;
	s9 =	sld [smem:$0x3FB2]  }
0x2f: {  	lr =	sadd.s32 s0, s3;
	s0 =	sld [smem:$0x3FA9]  }
0x30: {  	s3 =	sld [smem:$0x3FAC]  }
0x31: {  	[smem:$0x3FB5] =	sst s10  }
0x32: {  	s10 =	sld [smem:$0x3FB3];
	_ =	sdelay $0x3  }
0x33: {  	p0 =	seq.s32 s10, $0x1;
	s10 =	sld [smem:$0x3FB5];
	_ =	sdelay $0x3  }
0x34: {  	[smem:$0x3FB5] =	sst s10  }
0x35: {  	s10 =	sld [smem:$0x3FB4];
	_ =	sdelay $0x3  }
0x36: {  	p1 =	seq.s32 s10, $0x1;
	s10 =	sld [smem:$0x3FB5];
	_ =	sdelay $0x3  }
0x37: {  	[smem:$0x3FB5] =	sst s10  }
0x38: {  	s10 =	sld [smem:$0x3FB6]  }
0x39: {  	_ = 	snop;
	(pc) =	sbr.ind lr, $3  }
0x3a: {  	_ = 	snop  }
0x3b: {  	_ = 	snop  }
0x3c: {  	p2 =	seq.s32 s10, $0x1;
	s10 =	sld [smem:$0x3FB5]  }
0x3d: {  	_ =	shalt  }
0x3e: {  	_ =	shalt  }
0x3f: {  	_ =	shalt  }
0x40: {  	_ =	shalt  }
0x41: {  	_ =	shalt  }
0x42: {  	_ =	shalt  }
0x43: {  	_ =	shalt  }
0x44: {  	_ =	shalt  }
0x45: {  	_ =	shalt  }
0x46: {  	_ =	shalt  }
0x47: {  	_ =	shalt  }
0x48: {  	_ =	shalt  }
0x49: {  	_ =	shalt  }
0x4a: {  	_ =	shalt  }
0x4b: {  	_ =	shalt  }
0x4c: {  	_ =	shalt  }
0x4d: {  	_ =	shalt  }
0x4e: {  	_ =	shalt  }
0x4f: {  	_ =	shalt  }
0x50: {  	_ =	shalt  }
0x51: {  	_ =	shalt  }
0x52: {  	_ =	shalt  }
0x53: {  	_ =	shalt  }
0x54: {  	_ =	shalt  }
0x55: {  	_ =	shalt  }
0x56: {  	_ =	shalt  }
0x57: {  	_ =	shalt  }
0x58: {  	_ =	shalt  }
0x59: {  	_ =	shalt  }
0x5a: {  	_ =	shalt  }
0x5b: {  	_ =	shalt  }
0x5c: {  	_ =	shalt  }
0x5d: {  	_ =	shalt  }
0x5e: {  	_ =	shalt  }
0x5f: {  	_ =	shalt  }
0x60: {  	_ =	shalt  }
0x61: {  	_ =	shalt  }
0x62: {  	_ =	shalt  }
0x63: {  	_ =	shalt  }
0x64: {  	_ =	shalt  }
0x65: {  	_ =	shalt  }
0x66: {  	_ =	shalt  }
0x67: {  	_ =	shalt  }
0x68: {  	_ =	shalt  }
0x69: {  	_ =	shalt  }
0x6a: {  	_ =	shalt  }
0x6b: {  	_ =	shalt  }
0x6c: {  	_ =	shalt  }
0x6d: {  	_ =	shalt  }
0x6e: {  	_ =	shalt  }
0x6f: {  	_ =	shalt  }
0x70: {  	_ =	shalt  }
0x71: {  	_ =	shalt  }
0x72: {  	_ =	shalt  }
0x73: {  	_ =	shalt  }
0x74: {  	_ =	shalt  }
0x75: {  	_ =	shalt  }
0x76: {  	_ =	shalt  }
0x77: {  	_ =	shalt  }
0x78: {  	_ =	shalt  }
0x79: {  	_ =	shalt  }
0x7a: {  	_ =	shalt  }
0x7b: {  	_ =	shalt  }
0x7c: {  	_ =	shalt  }
0x7d: {  	_ =	shalt  }
0x7e: {  	_ =	shalt  }
0x7f: {  	_ =	shalt  }
0x80: {  	_ =	shalt  }
0x81: {  	_ =	shalt  }
0x82: {  	_ =	shalt  }
0x83: {  	_ =	shalt  }
0x84: {  	_ =	shalt  }
0x85: {  	_ =	shalt  }
0x86: {  	_ =	shalt  }
0x87: {  	_ =	shalt  }
.Lfunc_end0:
.L_simem_size_0:
called_computation_lowered:
.L_overlay_start_0:
0x88: {  	s2 =	sld [smem:$0x3FD9]  }
0x89: {  	s3 =	sld [smem:$0x3FFE];
	_ =	sdelay $0x1  }
0x8a: {  	s1 =	srdreg.scid  }
0x8b: {  	s0 =	sand.u32 $0x1, s1  }
0x8c: {  	s17 =	sshll.u32 s0, $0xA;
	s2 =	sadd.s32 s3, s2  }
0x8d: {  	s2 =	sadd.s32 s2, s17  }
0x8e: {  	[smem:$0x3FC1] =	sst s2  }
0x8f: {  	_ = 	snop  }
0x90: {  	s2 =	sld [smem:$0x3FD0];
	(tm) =	ssettm $0x1  }
0x91: {  	s18 =	sld [smem:$0x3FFB];
	_ =	sdelay $0x3  }
0x92: {  	_ =	strace s18  }
0x93: {  	s3 =	sld [smem:$0x3FFC];
	_ =	sdelay $0x3  }
0x94: {  	_ =	strace s3  }
0x95: {  	s3 =	sld [smem:$0x3FFD];
	_ =	sdelay $0x3  }
0x96: {  	_ =	strace s3  }
0x97: {  	_ =	strace $0x8FFFFFFF  }
0x98: {  	s19 =	sld [smem:$0x3FDB];
	_ =	sdelay $0x1  }
0x99: {  	s4 =	simm.s32 $_scs_section_size  }
0x9a: {  	s5 =	simm.s32 $_size__tile_overlayer_lowered;
	s6 =	simm.s32 $_tile_overlayer_lowered  }
0x9b: {  	s22 =	simm.s32 $0x1BFF;
	s21 =	sshll.u32 s6, $0x1;
	s3 =	sadd.s32 s4, s19  }
0x9c: {  	s7 =	simm.s32 $0x0;
	s20 =	sshll.u32 s5, $0x1;
	s5 =	sadd.s32 s21, s3  }
0x9d: {  	[timem:s7], [sflag:s22] =	dma.local [hbm:s5], s20  }
0x9e: {  	_ =	swait.ge [sflag:s22], s20  }
0x9f: {  	s4 =	ssub.s32 $0x0, s20;
	[sflag:s22] =	ssyncset.done $0x0  }
0xa0: {  	[sflag:s22] =	ssyncadd.s32 s4;
	_ =	sdelay $0x1  }
0xa1: {  	s23 =	simm.s32 $0x1B8B  }
0xa2: {  	_ =	swait.ge [sflag:s23], $0x1  }
0xa3: {  	[sflag:s23] =	ssyncset.done $0x0  }
0xa4: {  	s25 =	simm.s32 $0x1B8E;
	s24 =	sld [smem:$0x3FFE];
	[sflag:s23] =	ssyncadd.s32 $0xFFFFFFFF  }
0xa5: {  	s26 =	simm.s32 $execute0_lowered;
	[smem:$0x3FD2] =	sst s25  }
0xa6: {  	s5 =	sshll.u32 s26, $0x1;
	_ =	strace $0x80000046;
	[dreg:$0x1] =	wrdreg $0xFFFFFFFF  }
0xa7: {  	s28 =	simm.s32 $_size_execute0_lowered;
	s3 =	sadd.s32 s3, s5;
	[dreg:$0x0] =	wrdreg $0x0  }
0xa8: {  	s5 =	sshll.u32 s28, $0x1;
	[dreg:$0x2] =	wrdreg s3  }
0xa9: {  	[dreg:$0x3] =	wrdreg s5  }
0xaa: {  	[dreg:$0x4] =	wrdreg $0xC0  }
0xab: {  	_ =	task [dreg:s7], $0x5FFFF  }
0xac: {  	[dreg:$0x1] =	wrdreg $0xFFFFFFFF  }
0xad: {  	[dreg:$0x0] =	wrdreg $0x60  }
0xae: {  	[dreg:$0x2] =	wrdreg s24  }
0xaf: {  	[dreg:$0x3] =	wrdreg s2  }
0xb0: {  	[dreg:$0x4] =	wrdreg $0x9  }
0xb1: {  	_ =	task.clear_ibuf [dreg:s7], $0x5FFFF;
	_ =	strace $0x90000046  }
0xb2: {  	s29 =	simm.s32 $0x9;
	_ =	strace $0x80000048  }
0xb3: {  	_ =	swait.ge [sflag:s29], $0x1  }
0xb4: {  	[sflag:s29] =	ssyncadd.s32 $0xFFFFFFFF  }
0xb5: {  	_ =	strace $0x90000048  }
0xb6: {  	_ =	sfence  }
0xb7: {  	s30 =	sld [smem:$0x0];
	_ =	sdelay $0x2  }
0xb8: {  	s31 =	sshll.u32 s1, $0xD;
	s1 =	sshrl.u32 s1, $0x2  }
0xb9: {  	s3 =	sand.u32 $0x4000, s31;
	s1 =	sadd.s32 s1, s30  }
0xba: {  	s0 =	sor.u32 s3, s0;
	s1 =	sshll.u32 s1, $0x11  }
0xbb: {  	s0 =	sor.u32 s1, s0  }
0xbc: {  	s0 =	sadd.s32 $0x8F2B, s0  }
0xbd: {  	[sflag:s0] =	ssyncadd.remote.s32 $0x1  }
0xbe: {  	_ =	sfence.sel $0xFFFF  }
0xbf: {  	[dreg:$0x0] =	wrdreg $0xFFFFFFFF;
	(pc) =	sbr.abs _section_cstart, $3  }
0xc0: {  	[dreg:$0x1] =	wrdreg $0xFFFFFFFF  }
0xc1: {  	_ =	task.clear_ibuf [dreg:s7], $0x2FFFF;
	_ =	strace $0x9FFFFFFF  }
0xc2: {  	(tm) =	ssettm $0x7FFFFFFF  }
0xc3: {  	_ =	shalt  }
tec
execute0_lowered:
.L_overlay_start_1:
0x0: {  	(tag) =	ssettag $0x1  }
0x1: {  	s0 =	srdreg.scid;
	s1 =	rddreg [dreg:$0x0]  }
0x2: {  	s2 =	stileid.u32;
	s4 =	rddreg [dreg:$0x1]  }
0x3: {  	s15 =	simm.s32 $0xD;
	s19 =	simm.s32 $0x780;
	s28 =	simm.s32 $0x4780  }
0x4: {  	s18 =	simm.s32 $0x8780;
	s29 =	simm.s32 $0x1;
	s30 =	simm.s32 $0xC780  }
0x5: {  	s17 =	simm.s32 $0x3;
	s0 =	sand.u32 $0x1, s0;
	s2 =	sshll.u32 s2, $0x1  }
0x6: {  	s16 =	simm.s32 $0x4;
	s31 =	simm.s32 $0x9;
	s3 =	sor.u32 s0, s2  }
0x7: {  	s2 =	simm.s32 $0x0;
	s0 =	ssub.s32 $0x2, s0;
	s5 =	smul.u32 $0x30, s3  }
0x8: {  	[smem:$0x7FF] =	sst s2;
	s6 =	smul.u32 $0x18000, s3;
	s20 =	sshrl.u32 s0, $0x1  }
0x9: {  	s3 =	sadd.s32 $0x2000, s1;
	_ =	strace $0x80000047;
	s0 =	ssub.s32 s0, s20  }
0xa: {  	s20 =	simm.s32 $0x14780;
	s5 =	sadd.s32 s5, s1;
	s6 =	sshrl.u32 s6, $0x3  }
0xb: {  	s14 =	smax.u32 s0, $0x1;
	s1 =	simm.s32 $0xA;
	s0 =	simm.s32 $0xB  }
0xc: {  	s21 =	sadd.s32 $0xE00, s5;
	s22 =	sadd.s32 s4, s6;
	s23 =	sadd.s32 $0x1400, s5  }
0xd: {  	s24 =	sadd.s32 $0x1A00, s5;
	s26 =	sadd.s32 $0x800, s5;
	[dreg:$0x3] =	wrdreg s21  }
0xe: {  	s4 =	simm.s32 $0xC;
	s5 =	simm.s32 $0x0;
	[dreg:$0x4] =	wrdreg s23  }
0xf: {  	[dreg:$0x5] =	wrdreg s24;
	s25 =	sadd.s32 $0x320000, s22;
	s9 =	sadd.s32 $0x320800, s22  }
0x10: {  	[dreg:$0x7] =	wrdreg s26;
	s10 =	sadd.s32 $0x321800, s22;
	s11 =	sadd.s32 $0x321000, s22  }
0x11: {  	v2 =	vlaneseq.u32;
	s12 =	sadd.s32 $0x322000, s22;
	s13 =	sadd.s32 $0x322800, s22;
	s22 =	simm.s32 $0x2  }
0x12: {  	vm0 =	vmmov $0xffff;
	v1 =	vshrl.u32 v2, $0x3;
	s23 =	simm.s32 $0x10780;
	s21 =	simm.s32 $0x5;
	s24 =	simm.s32 $0x6  }
0x13: {  	v0 =	vand.u32 $0x7, v2;
	v2 =	vor.u32 $0x8, v2;
	v1 =	vmul.u32 $0x8, v1;
	s26 =	simm.s32 $0x8;
	[dreg:$0x6] =	wrdreg s25;
	s25 =	simm.s32 $0x7  }
.LBB2_1:
0x14: {  	s6 =	rddreg [dreg:$0x7]  }
0x15: {  	[tilespmem:s2], [sflag:$0xD] =	stream.linear.gather [hbm4b:s6+s2], $0x180, $0x38;
	[tilespmem:$0x18780] =	vst v63  }
0x16: {  	_ =	swait.ge [sflag:s15], $0x180  }
0x17: {  	[sflag:s15] =	ssyncset.done $0x0  }
0x18: {  	s7 =	simm.s32 $0x180;
	s8 =	rddreg [dreg:$0x3];
	[sflag:s15] =	ssyncadd.s32 $0xFFFFFE80  }
0x19: {  	[tilespmem:s7], [sflag:$0xD] =	stream.linear.gather [hbm4b:s8+s2], $0x180, $0x38;
	[tilespmem:$0x18780] =	vst v63  }
0x1a: {  	_ =	swait.ge [sflag:s15], $0x180  }
0x1b: {  	[sflag:s15] =	ssyncset.done $0x0  }
0x1c: {  	s8 =	simm.s32 $0x300;
	s7 =	rddreg [dreg:$0x4];
	[sflag:s15] =	ssyncadd.s32 $0xFFFFFE80  }
0x1d: {  	[tilespmem:s8], [sflag:$0xD] =	stream.linear.gather [hbm4b:s7+s2], $0x180, $0x38;
	[tilespmem:$0x18780] =	vst v63  }
0x1e: {  	_ =	swait.ge [sflag:s15], $0x180  }
0x1f: {  	[sflag:s15] =	ssyncset.done $0x0  }
0x20: {  	s8 =	simm.s32 $0x480;
	s7 =	rddreg [dreg:$0x5];
	[sflag:s15] =	ssyncadd.s32 $0xFFFFFE80  }
0x21: {  	[tilespmem:s8], [sflag:$0xD] =	stream.linear.gather [hbm4b:s7+s2], $0x180, $0x38;
	[tilespmem:$0x18780] =	vst v63  }
0x22: {  	_ =	swait.ge [sflag:s15], $0x180  }
0x23: {  	[sflag:s15] =	ssyncset.done $0x0  }
0x24: {  	s6 =	simm.s32 $0x0;
	[sflag:s15] =	ssyncadd.s32 $0xFFFFFE80  }
0x25: {  	v4 =	vld [tilespmem:s6+$0x300]  }
0x26: {  	v5 =	vld [tilespmem:s6+$0x480]  }
0x27: {  	v3 =	vld [tilespmem:s6+$0x180]  }
0x28: {  	v6 =	vld [tilespmem:s6+$0x0]  }
0x29: {  	s7 =	simm.s32 $0x40  }
.LBB2_2:
0x2a: {  	s8 =	sshra.s32 s7, $0x2;
	p0 =	sne.s32 s7, $0x5C0  }
.Ltmp0:
0x2b: {  	s7 =	sadd.s32 $0x40, s7;
	v7 =	vshll.u32 v4, $0x4;
	v4 =	vld [tilespmem:s8+$0x300];
	v8 =	vshll.u32 v5, $0x2;
	(pc) =	sbr.rel @p0 .LBB2_2-.Ltmp0, $4  }
0x2c: {  	v5 =	vld [tilespmem:s8+$0x480];
	v7 =	vadd.s32 v7, v8  }
0x2d: {  	v7 =	vadd.s32 v3, v7;
	v3 =	vld [tilespmem:s8+$0x180];
	vm1 =	vgt.s32 v6, $0xFFFFFFFF  }
0x2e: {  	v6 =	vld [tilespmem:s8+$0x0];
	v7 =	vnsel vm1, $0xD0, v7  }
0x2f: {  	[tilespmem:s6+$0x600] =	vst v7;
	s6 =	smov.u32 s8  }
0x30: {  	_ = 	snop  }
0x31: {  	v4 =	vshll.u32 v4, $0x4;
	v5 =	vshll.u32 v5, $0x2  }
0x32: {  	v4 =	vadd.s32 v4, v5  }
0x33: {  	v3 =	vadd.s32 v3, v4;
	vm1 =	vgt.s32 v6, $0xFFFFFFFF  }
0x34: {  	v3 =	vnsel vm1, $0xD0, v3  }
0x35: {  	[tilespmem:s6+$0x600] =	vst v3  }
0x36: {  	v3 =	vld [tilespmem:$0x600];
	_ =	sdelay $0x4  }
0x37: {  	v40 =	vshll.u32 v3, $0x1  }
0x38: {  	v3 =	vand.u32 $0x7, v3;
	v4 =	vand.u32 $0xFFFFFFF0, v40  }
0x39: {  	v3 =	vor.u32 v3, v4  }
0x3a: {  	v4 =	vperm.xlane v3, v0;
	_ =	sdelay $0x1  }
0x3b: {  	v3 =	vperm.xlane v3, v2;
	v4 =	vadd.s32 v1, v4;
	_ =	sdelay $0x1  }
0x3c: {  	v3 =	vadd.s32 v1, v3;
	_ =	sdelay $0x2  }
0x3d: {  	[tilespmem:s19], [sflag:$0x1] =	stream.indirect_vreg.gather [hbm4b:s3+s2], $0x80, v4, vm0, $0xb8;
	[tilespmem:$0x18780] =	vst v63  }
0x3e: {  	s8 =	simm.s32 $0xF80  }
0x3f: {  	[tilespmem:s8], [sflag:$0x1] =	stream.indirect_vreg.gather [hbm4b:s3+s2], $0x80, v3, vm0, $0xb8;
	[tilespmem:$0x18780] =	vst v63  }
0x40: {  	v3 =	vld [tilespmem:$0x610];
	_ =	sdelay $0x4  }
0x41: {  	v41 =	vshll.u32 v3, $0x1  }
0x42: {  	v3 =	vand.u32 $0x7, v3;
	v4 =	vand.u32 $0xFFFFFFF0, v41  }
0x43: {  	v3 =	vor.u32 v3, v4  }
0x44: {  	v4 =	vperm.xlane v3, v0;
	_ =	sdelay $0x1  }
0x45: {  	v3 =	vperm.xlane v3, v2;
	v4 =	vadd.s32 v1, v4;
	_ =	sdelay $0x1  }
0x46: {  	v3 =	vadd.s32 v1, v3;
	_ =	sdelay $0x1  }
0x47: {  	s7 =	simm.s32 $0x1780  }
0x48: {  	[tilespmem:s7], [sflag:$0x1] =	stream.indirect_vreg.gather [hbm4b:s3+s2], $0x80, v4, vm0, $0xb8;
	[tilespmem:$0x18780] =	vst v63  }
0x49: {  	s8 =	simm.s32 $0x1F80  }
0x4a: {  	[tilespmem:s8], [sflag:$0x1] =	stream.indirect_vreg.gather [hbm4b:s3+s2], $0x80, v3, vm0, $0xb8;
	[tilespmem:$0x18780] =	vst v63  }
0x4b: {  	v3 =	vld [tilespmem:$0x620];
	_ =	sdelay $0x4  }
0x4c: {  	v42 =	vshll.u32 v3, $0x1  }
0x4d: {  	v3 =	vand.u32 $0x7, v3;
	v4 =	vand.u32 $0xFFFFFFF0, v42  }
0x4e: {  	v3 =	vor.u32 v3, v4  }
0x4f: {  	v4 =	vperm.xlane v3, v0;
	_ =	sdelay $0x1  }
0x50: {  	v3 =	vperm.xlane v3, v2;
	v4 =	vadd.s32 v1, v4;
	_ =	sdelay $0x1  }
0x51: {  	v3 =	vadd.s32 v1, v3;
	_ =	sdelay $0x1  }
0x52: {  	s7 =	simm.s32 $0x2780  }
0x53: {  	[tilespmem:s7], [sflag:$0x1] =	stream.indirect_vreg.gather [hbm4b:s3+s2], $0x80, v4, vm0, $0xb8;
	[tilespmem:$0x18780] =	vst v63  }
0x54: {  	s8 =	simm.s32 $0x2F80  }
0x55: {  	[tilespmem:s8], [sflag:$0x1] =	stream.indirect_vreg.gather [hbm4b:s3+s2], $0x80, v3, vm0, $0xb8;
	[tilespmem:$0x18780] =	vst v63  }
0x56: {  	v3 =	vld [tilespmem:$0x630];
	_ =	sdelay $0x4  }
0x57: {  	v43 =	vshll.u32 v3, $0x1  }
0x58: {  	v3 =	vand.u32 $0x7, v3;
	v4 =	vand.u32 $0xFFFFFFF0, v43  }
0x59: {  	v3 =	vor.u32 v3, v4  }
0x5a: {  	v4 =	vperm.xlane v3, v0;
	_ =	sdelay $0x1  }
0x5b: {  	v3 =	vperm.xlane v3, v2;
	v4 =	vadd.s32 v1, v4;
	_ =	sdelay $0x1  }
0x5c: {  	v3 =	vadd.s32 v1, v3;
	_ =	sdelay $0x1  }
0x5d: {  	s7 =	simm.s32 $0x3780  }
0x5e: {  	[tilespmem:s7], [sflag:$0x1] =	stream.indirect_vreg.gather [hbm4b:s3+s2], $0x80, v4, vm0, $0xb8;
	[tilespmem:$0x18780] =	vst v63  }
0x5f: {  	s8 =	simm.s32 $0x3F80  }
0x60: {  	[tilespmem:s8], [sflag:$0x1] =	stream.indirect_vreg.gather [hbm4b:s3+s2], $0x80, v3, vm0, $0xb8;
	[tilespmem:$0x18780] =	vst v63  }
0x61: {  	v3 =	vld [tilespmem:$0x640];
	_ =	sdelay $0x4  }
0x62: {  	v44 =	vshll.u32 v3, $0x1  }
0x63: {  	v3 =	vand.u32 $0x7, v3;
	v4 =	vand.u32 $0xFFFFFFF0, v44  }
0x64: {  	v3 =	vor.u32 v3, v4  }
0x65: {  	v4 =	vperm.xlane v3, v0;
	_ =	sdelay $0x1  }
0x66: {  	v3 =	vperm.xlane v3, v2;
	v4 =	vadd.s32 v1, v4;
	_ =	sdelay $0x1  }
0x67: {  	v3 =	vadd.s32 v1, v3;
	_ =	sdelay $0x2  }
0x68: {  	[tilespmem:s28], [sflag:$0x2] =	stream.indirect_vreg.gather [hbm4b:s3+s2], $0x80, v4, vm0, $0xb8;
	[tilespmem:$0x18780] =	vst v63  }
0x69: {  	s7 =	simm.s32 $0x4F80  }
0x6a: {  	[tilespmem:s7], [sflag:$0x2] =	stream.indirect_vreg.gather [hbm4b:s3+s2], $0x80, v3, vm0, $0xb8;
	[tilespmem:$0x18780] =	vst v63  }
0x6b: {  	v3 =	vld [tilespmem:$0x650];
	_ =	sdelay $0x4  }
0x6c: {  	v45 =	vshll.u32 v3, $0x1  }
0x6d: {  	v3 =	vand.u32 $0x7, v3;
	v4 =	vand.u32 $0xFFFFFFF0, v45  }
0x6e: {  	v3 =	vor.u32 v3, v4  }
0x6f: {  	v4 =	vperm.xlane v3, v0;
	_ =	sdelay $0x1  }
0x70: {  	v3 =	vperm.xlane v3, v2;
	v4 =	vadd.s32 v1, v4;
	_ =	sdelay $0x1  }
0x71: {  	v3 =	vadd.s32 v1, v3;
	_ =	sdelay $0x1  }
0x72: {  	s8 =	simm.s32 $0x5780  }
0x73: {  	[tilespmem:s8], [sflag:$0x2] =	stream.indirect_vreg.gather [hbm4b:s3+s2], $0x80, v4, vm0, $0xb8;
	[tilespmem:$0x18780] =	vst v63  }
0x74: {  	s7 =	simm.s32 $0x5F80  }
0x75: {  	[tilespmem:s7], [sflag:$0x2] =	stream.indirect_vreg.gather [hbm4b:s3+s2], $0x80, v3, vm0, $0xb8;
	[tilespmem:$0x18780] =	vst v63  }
0x76: {  	v3 =	vld [tilespmem:$0x660];
	_ =	sdelay $0x4  }
0x77: {  	v46 =	vshll.u32 v3, $0x1  }
0x78: {  	v3 =	vand.u32 $0x7, v3;
	v4 =	vand.u32 $0xFFFFFFF0, v46  }
0x79: {  	v3 =	vor.u32 v3, v4  }
0x7a: {  	v4 =	vperm.xlane v3, v0;
	_ =	sdelay $0x1  }
0x7b: {  	v3 =	vperm.xlane v3, v2;
	v4 =	vadd.s32 v1, v4;
	_ =	sdelay $0x1  }
0x7c: {  	v3 =	vadd.s32 v1, v3;
	_ =	sdelay $0x1  }
0x7d: {  	s8 =	simm.s32 $0x6780  }
0x7e: {  	[tilespmem:s8], [sflag:$0x2] =	stream.indirect_vreg.gather [hbm4b:s3+s2], $0x80, v4, vm0, $0xb8;
	[tilespmem:$0x18780] =	vst v63  }
0x7f: {  	s7 =	simm.s32 $0x6F80  }
0x80: {  	[tilespmem:s7], [sflag:$0x2] =	stream.indirect_vreg.gather [hbm4b:s3+s2], $0x80, v3, vm0, $0xb8;
	[tilespmem:$0x18780] =	vst v63  }
0x81: {  	v3 =	vld [tilespmem:$0x670];
	_ =	sdelay $0x4  }
0x82: {  	v47 =	vshll.u32 v3, $0x1  }
0x83: {  	v3 =	vand.u32 $0x7, v3;
	v4 =	vand.u32 $0xFFFFFFF0, v47  }
0x84: {  	v3 =	vor.u32 v3, v4  }
0x85: {  	v4 =	vperm.xlane v3, v0;
	_ =	sdelay $0x1  }
0x86: {  	v3 =	vperm.xlane v3, v2;
	v4 =	vadd.s32 v1, v4;
	_ =	sdelay $0x1  }
0x87: {  	v3 =	vadd.s32 v1, v3;
	_ =	sdelay $0x1  }
0x88: {  	s8 =	simm.s32 $0x7780  }
0x89: {  	[tilespmem:s8], [sflag:$0x2] =	stream.indirect_vreg.gather [hbm4b:s3+s2], $0x80, v4, vm0, $0xb8;
	[tilespmem:$0x18780] =	vst v63  }
0x8a: {  	s7 =	simm.s32 $0x7F80  }
0x8b: {  	[tilespmem:s7], [sflag:$0x2] =	stream.indirect_vreg.gather [hbm4b:s3+s2], $0x80, v3, vm0, $0xb8;
	[tilespmem:$0x18780] =	vst v63  }
0x8c: {  	v3 =	vld [tilespmem:$0x680];
	_ =	sdelay $0x4  }
0x8d: {  	v48 =	vshll.u32 v3, $0x1  }
0x8e: {  	v3 =	vand.u32 $0x7, v3;
	v4 =	vand.u32 $0xFFFFFFF0, v48  }
0x8f: {  	v3 =	vor.u32 v3, v4  }
0x90: {  	v4 =	vperm.xlane v3, v0;
	_ =	sdelay $0x1  }
0x91: {  	v3 =	vperm.xlane v3, v2;
	v4 =	vadd.s32 v1, v4;
	_ =	sdelay $0x1  }
0x92: {  	v3 =	vadd.s32 v1, v3;
	_ =	sdelay $0x2  }
0x93: {  	[tilespmem:s18], [sflag:$0x3] =	stream.indirect_vreg.gather [hbm4b:s3+s2], $0x80, v4, vm0, $0xb8;
	[tilespmem:$0x18780] =	vst v63  }
0x94: {  	s8 =	simm.s32 $0x8F80  }
0x95: {  	[tilespmem:s8], [sflag:$0x3] =	stream.indirect_vreg.gather [hbm4b:s3+s2], $0x80, v3, vm0, $0xb8;
	[tilespmem:$0x18780] =	vst v63  }
0x96: {  	v3 =	vld [tilespmem:$0x690];
	_ =	sdelay $0x4  }
0x97: {  	v49 =	vshll.u32 v3, $0x1  }
0x98: {  	v3 =	vand.u32 $0x7, v3;
	v4 =	vand.u32 $0xFFFFFFF0, v49  }
0x99: {  	v3 =	vor.u32 v3, v4  }
0x9a: {  	v4 =	vperm.xlane v3, v0;
	_ =	sdelay $0x1  }
0x9b: {  	v3 =	vperm.xlane v3, v2;
	v4 =	vadd.s32 v1, v4;
	_ =	sdelay $0x1  }
0x9c: {  	v3 =	vadd.s32 v1, v3;
	_ =	sdelay $0x1  }
0x9d: {  	s7 =	simm.s32 $0x9780  }
0x9e: {  	[tilespmem:s7], [sflag:$0x3] =	stream.indirect_vreg.gather [hbm4b:s3+s2], $0x80, v4, vm0, $0xb8;
	[tilespmem:$0x18780] =	vst v63  }
0x9f: {  	s8 =	simm.s32 $0x9F80  }
0xa0: {  	[tilespmem:s8], [sflag:$0x3] =	stream.indirect_vreg.gather [hbm4b:s3+s2], $0x80, v3, vm0, $0xb8;
	[tilespmem:$0x18780] =	vst v63  }
0xa1: {  	v3 =	vld [tilespmem:$0x6A0];
	_ =	sdelay $0x4  }
0xa2: {  	v50 =	vshll.u32 v3, $0x1  }
0xa3: {  	v3 =	vand.u32 $0x7, v3;
	v4 =	vand.u32 $0xFFFFFFF0, v50  }
0xa4: {  	v3 =	vor.u32 v3, v4  }
0xa5: {  	v4 =	vperm.xlane v3, v0;
	_ =	sdelay $0x1  }
0xa6: {  	v3 =	vperm.xlane v3, v2;
	v4 =	vadd.s32 v1, v4;
	_ =	sdelay $0x1  }
0xa7: {  	v3 =	vadd.s32 v1, v3;
	_ =	sdelay $0x1  }
0xa8: {  	s7 =	simm.s32 $0xA780  }
0xa9: {  	[tilespmem:s7], [sflag:$0x3] =	stream.indirect_vreg.gather [hbm4b:s3+s2], $0x80, v4, vm0, $0xb8;
	[tilespmem:$0x18780] =	vst v63  }
0xaa: {  	s8 =	simm.s32 $0xAF80  }
0xab: {  	[tilespmem:s8], [sflag:$0x3] =	stream.indirect_vreg.gather [hbm4b:s3+s2], $0x80, v3, vm0, $0xb8;
	[tilespmem:$0x18780] =	vst v63  }
0xac: {  	v3 =	vld [tilespmem:$0x6B0];
	_ =	sdelay $0x4  }
0xad: {  	v51 =	vshll.u32 v3, $0x1  }
0xae: {  	v3 =	vand.u32 $0x7, v3;
	v4 =	vand.u32 $0xFFFFFFF0, v51  }
0xaf: {  	v3 =	vor.u32 v3, v4  }
0xb0: {  	v4 =	vperm.xlane v3, v0;
	_ =	sdelay $0x1  }
0xb1: {  	v3 =	vperm.xlane v3, v2;
	v4 =	vadd.s32 v1, v4;
	_ =	sdelay $0x1  }
0xb2: {  	v3 =	vadd.s32 v1, v3;
	_ =	sdelay $0x1  }
0xb3: {  	s7 =	simm.s32 $0xB780  }
0xb4: {  	[tilespmem:s7], [sflag:$0x3] =	stream.indirect_vreg.gather [hbm4b:s3+s2], $0x80, v4, vm0, $0xb8;
	[tilespmem:$0x18780] =	vst v63  }
0xb5: {  	s8 =	simm.s32 $0xBF80  }
0xb6: {  	[tilespmem:s8], [sflag:$0x3] =	stream.indirect_vreg.gather [hbm4b:s3+s2], $0x80, v3, vm0, $0xb8;
	[tilespmem:$0x18780] =	vst v63  }
0xb7: {  	_ =	swait.ge [sflag:s29], $0x4000  }
0xb8: {  	[sflag:s29] =	ssyncset.done $0x0  }
0xb9: {  	s7 =	rddreg [dreg:$0x6];
	[sflag:s29] =	ssyncadd.s32 $0xFFFFC000  }
0xba: {  	[hbm4b:s7+s2] =	stream.linear.scatter [tilespmem:s19], [sflag:$0x7], $0x4000, $0x38;
	[tilespmem:$0x18780] =	vst v63  }
0xbb: {  	v3 =	vld [tilespmem:$0x6C0];
	_ =	sdelay $0x4  }
0xbc: {  	v52 =	vshll.u32 v3, $0x1  }
0xbd: {  	v3 =	vand.u32 $0x7, v3;
	v4 =	vand.u32 $0xFFFFFFF0, v52  }
0xbe: {  	v3 =	vor.u32 v3, v4  }
0xbf: {  	v4 =	vperm.xlane v3, v0;
	_ =	sdelay $0x1  }
0xc0: {  	v3 =	vperm.xlane v3, v2;
	v4 =	vadd.s32 v1, v4;
	_ =	sdelay $0x1  }
0xc1: {  	v3 =	vadd.s32 v1, v3;
	_ =	sdelay $0x2  }
0xc2: {  	[tilespmem:s30], [sflag:$0x4] =	stream.indirect_vreg.gather [hbm4b:s3+s2], $0x80, v4, vm0, $0xb8;
	[tilespmem:$0x18780] =	vst v63  }
0xc3: {  	s8 =	simm.s32 $0xCF80  }
0xc4: {  	[tilespmem:s8], [sflag:$0x4] =	stream.indirect_vreg.gather [hbm4b:s3+s2], $0x80, v3, vm0, $0xb8;
	[tilespmem:$0x18780] =	vst v63  }
0xc5: {  	v3 =	vld [tilespmem:$0x6D0];
	_ =	sdelay $0x4  }
0xc6: {  	v53 =	vshll.u32 v3, $0x1  }
0xc7: {  	v3 =	vand.u32 $0x7, v3;
	v4 =	vand.u32 $0xFFFFFFF0, v53  }
0xc8: {  	v3 =	vor.u32 v3, v4  }
0xc9: {  	v4 =	vperm.xlane v3, v0;
	_ =	sdelay $0x1  }
0xca: {  	v3 =	vperm.xlane v3, v2;
	v4 =	vadd.s32 v1, v4;
	_ =	sdelay $0x1  }
0xcb: {  	v3 =	vadd.s32 v1, v3;
	_ =	sdelay $0x1  }
0xcc: {  	s7 =	simm.s32 $0xD780  }
0xcd: {  	[tilespmem:s7], [sflag:$0x4] =	stream.indirect_vreg.gather [hbm4b:s3+s2], $0x80, v4, vm0, $0xb8;
	[tilespmem:$0x18780] =	vst v63  }
0xce: {  	s8 =	simm.s32 $0xDF80  }
0xcf: {  	[tilespmem:s8], [sflag:$0x4] =	stream.indirect_vreg.gather [hbm4b:s3+s2], $0x80, v3, vm0, $0xb8;
	[tilespmem:$0x18780] =	vst v63  }
0xd0: {  	v3 =	vld [tilespmem:$0x6E0];
	_ =	sdelay $0x4  }
0xd1: {  	v54 =	vshll.u32 v3, $0x1  }
0xd2: {  	v3 =	vand.u32 $0x7, v3;
	v4 =	vand.u32 $0xFFFFFFF0, v54  }
0xd3: {  	v3 =	vor.u32 v3, v4  }
0xd4: {  	v4 =	vperm.xlane v3, v0;
	_ =	sdelay $0x1  }
0xd5: {  	v3 =	vperm.xlane v3, v2;
	v4 =	vadd.s32 v1, v4;
	_ =	sdelay $0x1  }
0xd6: {  	v3 =	vadd.s32 v1, v3;
	_ =	sdelay $0x1  }
0xd7: {  	s7 =	simm.s32 $0xE780  }
0xd8: {  	[tilespmem:s7], [sflag:$0x4] =	stream.indirect_vreg.gather [hbm4b:s3+s2], $0x80, v4, vm0, $0xb8;
	[tilespmem:$0x18780] =	vst v63  }
0xd9: {  	s8 =	simm.s32 $0xEF80  }
0xda: {  	[tilespmem:s8], [sflag:$0x4] =	stream.indirect_vreg.gather [hbm4b:s3+s2], $0x80, v3, vm0, $0xb8;
	[tilespmem:$0x18780] =	vst v63  }
0xdb: {  	v3 =	vld [tilespmem:$0x6F0];
	_ =	sdelay $0x4  }
0xdc: {  	v55 =	vshll.u32 v3, $0x1  }
0xdd: {  	v3 =	vand.u32 $0x7, v3;
	v4 =	vand.u32 $0xFFFFFFF0, v55  }
0xde: {  	v3 =	vor.u32 v3, v4  }
0xdf: {  	v4 =	vperm.xlane v3, v0;
	_ =	sdelay $0x1  }
0xe0: {  	v3 =	vperm.xlane v3, v2;
	v4 =	vadd.s32 v1, v4;
	_ =	sdelay $0x1  }
0xe1: {  	v3 =	vadd.s32 v1, v3;
	_ =	sdelay $0x1  }
0xe2: {  	s7 =	simm.s32 $0xF780  }
0xe3: {  	[tilespmem:s7], [sflag:$0x4] =	stream.indirect_vreg.gather [hbm4b:s3+s2], $0x80, v4, vm0, $0xb8;
	[tilespmem:$0x18780] =	vst v63  }
0xe4: {  	s8 =	simm.s32 $0xFF80  }
0xe5: {  	[tilespmem:s8], [sflag:$0x4] =	stream.indirect_vreg.gather [hbm4b:s3+s2], $0x80, v3, vm0, $0xb8;
	[tilespmem:$0x18780] =	vst v63  }
0xe6: {  	_ =	swait.ge [sflag:s22], $0x4000  }
0xe7: {  	[sflag:s22] =	ssyncset.done $0x0  }
0xe8: {  	[sflag:s22] =	ssyncadd.s32 $0xFFFFC000  }
0xe9: {  	[hbm4b:s9+s2] =	stream.linear.scatter [tilespmem:s28], [sflag:$0x8], $0x4000, $0x38;
	[tilespmem:$0x18780] =	vst v63  }
0xea: {  	v3 =	vld [tilespmem:$0x700];
	_ =	sdelay $0x4  }
0xeb: {  	v56 =	vshll.u32 v3, $0x1  }
0xec: {  	v3 =	vand.u32 $0x7, v3;
	v4 =	vand.u32 $0xFFFFFFF0, v56  }
0xed: {  	v3 =	vor.u32 v3, v4  }
0xee: {  	v4 =	vperm.xlane v3, v0;
	_ =	sdelay $0x1  }
0xef: {  	v3 =	vperm.xlane v3, v2;
	v4 =	vadd.s32 v1, v4;
	_ =	sdelay $0x1  }
0xf0: {  	v3 =	vadd.s32 v1, v3;
	_ =	sdelay $0x2  }
0xf1: {  	[tilespmem:s23], [sflag:$0x5] =	stream.indirect_vreg.gather [hbm4b:s3+s2], $0x80, v4, vm0, $0xb8;
	[tilespmem:$0x18780] =	vst v63  }
0xf2: {  	s7 =	simm.s32 $0x10F80  }
0xf3: {  	[tilespmem:s7], [sflag:$0x5] =	stream.indirect_vreg.gather [hbm4b:s3+s2], $0x80, v3, vm0, $0xb8;
	[tilespmem:$0x18780] =	vst v63  }
0xf4: {  	v3 =	vld [tilespmem:$0x710];
	_ =	sdelay $0x4  }
0xf5: {  	v57 =	vshll.u32 v3, $0x1  }
0xf6: {  	v3 =	vand.u32 $0x7, v3;
	v4 =	vand.u32 $0xFFFFFFF0, v57  }
0xf7: {  	v3 =	vor.u32 v3, v4  }
0xf8: {  	v4 =	vperm.xlane v3, v0;
	_ =	sdelay $0x1  }
0xf9: {  	v3 =	vperm.xlane v3, v2;
	v4 =	vadd.s32 v1, v4;
	_ =	sdelay $0x1  }
0xfa: {  	v3 =	vadd.s32 v1, v3;
	_ =	sdelay $0x1  }
0xfb: {  	s8 =	simm.s32 $0x11780  }
0xfc: {  	[tilespmem:s8], [sflag:$0x5] =	stream.indirect_vreg.gather [hbm4b:s3+s2], $0x80, v4, vm0, $0xb8;
	[tilespmem:$0x18780] =	vst v63  }
0xfd: {  	s7 =	simm.s32 $0x11F80  }
0xfe: {  	[tilespmem:s7], [sflag:$0x5] =	stream.indirect_vreg.gather [hbm4b:s3+s2], $0x80, v3, vm0, $0xb8;
	[tilespmem:$0x18780] =	vst v63  }
0xff: {  	v3 =	vld [tilespmem:$0x720];
	_ =	sdelay $0x4  }
0x100: {  	v58 =	vshll.u32 v3, $0x1  }
0x101: {  	v3 =	vand.u32 $0x7, v3;
	v4 =	vand.u32 $0xFFFFFFF0, v58  }
0x102: {  	v3 =	vor.u32 v3, v4  }
0x103: {  	v4 =	vperm.xlane v3, v0;
	_ =	sdelay $0x1  }
0x104: {  	v3 =	vperm.xlane v3, v2;
	v4 =	vadd.s32 v1, v4;
	_ =	sdelay $0x1  }
0x105: {  	v3 =	vadd.s32 v1, v3;
	_ =	sdelay $0x1  }
0x106: {  	s8 =	simm.s32 $0x12780  }
0x107: {  	[tilespmem:s8], [sflag:$0x5] =	stream.indirect_vreg.gather [hbm4b:s3+s2], $0x80, v4, vm0, $0xb8;
	[tilespmem:$0x18780] =	vst v63  }
0x108: {  	s7 =	simm.s32 $0x12F80  }
0x109: {  	[tilespmem:s7], [sflag:$0x5] =	stream.indirect_vreg.gather [hbm4b:s3+s2], $0x80, v3, vm0, $0xb8;
	[tilespmem:$0x18780] =	vst v63  }
0x10a: {  	v3 =	vld [tilespmem:$0x730];
	_ =	sdelay $0x4  }
0x10b: {  	v59 =	vshll.u32 v3, $0x1  }
0x10c: {  	v3 =	vand.u32 $0x7, v3;
	v4 =	vand.u32 $0xFFFFFFF0, v59  }
0x10d: {  	v3 =	vor.u32 v3, v4  }
0x10e: {  	v4 =	vperm.xlane v3, v0;
	_ =	sdelay $0x1  }
0x10f: {  	v3 =	vperm.xlane v3, v2;
	v4 =	vadd.s32 v1, v4;
	_ =	sdelay $0x1  }
0x110: {  	v3 =	vadd.s32 v1, v3;
	_ =	sdelay $0x1  }
0x111: {  	s8 =	simm.s32 $0x13780  }
0x112: {  	[tilespmem:s8], [sflag:$0x5] =	stream.indirect_vreg.gather [hbm4b:s3+s2], $0x80, v4, vm0, $0xb8;
	[tilespmem:$0x18780] =	vst v63  }
0x113: {  	s7 =	simm.s32 $0x13F80  }
0x114: {  	[tilespmem:s7], [sflag:$0x5] =	stream.indirect_vreg.gather [hbm4b:s3+s2], $0x80, v3, vm0, $0xb8;
	[tilespmem:$0x18780] =	vst v63  }
0x115: {  	_ =	swait.ge [sflag:s17], $0x4000  }
0x116: {  	[sflag:s17] =	ssyncset.done $0x0  }
0x117: {  	[sflag:s17] =	ssyncadd.s32 $0xFFFFC000  }
0x118: {  	[hbm4b:s11+s2] =	stream.linear.scatter [tilespmem:s18], [sflag:$0x9], $0x4000, $0x38;
	[tilespmem:$0x18780] =	vst v63  }
0x119: {  	v3 =	vld [tilespmem:$0x740];
	_ =	sdelay $0x4  }
0x11a: {  	v60 =	vshll.u32 v3, $0x1  }
0x11b: {  	v3 =	vand.u32 $0x7, v3;
	v4 =	vand.u32 $0xFFFFFFF0, v60  }
0x11c: {  	v3 =	vor.u32 v3, v4  }
0x11d: {  	v4 =	vperm.xlane v3, v0;
	_ =	sdelay $0x1  }
0x11e: {  	v3 =	vperm.xlane v3, v2;
	v4 =	vadd.s32 v1, v4;
	_ =	sdelay $0x1  }
0x11f: {  	v3 =	vadd.s32 v1, v3;
	_ =	sdelay $0x2  }
0x120: {  	[tilespmem:s20], [sflag:$0x6] =	stream.indirect_vreg.gather [hbm4b:s3+s2], $0x80, v4, vm0, $0xb8;
	[tilespmem:$0x18780] =	vst v63  }
0x121: {  	s8 =	simm.s32 $0x14F80  }
0x122: {  	[tilespmem:s8], [sflag:$0x6] =	stream.indirect_vreg.gather [hbm4b:s3+s2], $0x80, v3, vm0, $0xb8;
	[tilespmem:$0x18780] =	vst v63  }
0x123: {  	v3 =	vld [tilespmem:$0x750];
	_ =	sdelay $0x4  }
0x124: {  	v61 =	vshll.u32 v3, $0x1  }
0x125: {  	v3 =	vand.u32 $0x7, v3;
	v4 =	vand.u32 $0xFFFFFFF0, v61  }
0x126: {  	v3 =	vor.u32 v3, v4  }
0x127: {  	v4 =	vperm.xlane v3, v0;
	_ =	sdelay $0x1  }
0x128: {  	v3 =	vperm.xlane v3, v2;
	v4 =	vadd.s32 v1, v4;
	_ =	sdelay $0x1  }
0x129: {  	v3 =	vadd.s32 v1, v3;
	_ =	sdelay $0x1  }
0x12a: {  	s7 =	simm.s32 $0x15780  }
0x12b: {  	[tilespmem:s7], [sflag:$0x6] =	stream.indirect_vreg.gather [hbm4b:s3+s2], $0x80, v4, vm0, $0xb8;
	[tilespmem:$0x18780] =	vst v63  }
0x12c: {  	s8 =	simm.s32 $0x15F80  }
0x12d: {  	[tilespmem:s8], [sflag:$0x6] =	stream.indirect_vreg.gather [hbm4b:s3+s2], $0x80, v3, vm0, $0xb8;
	[tilespmem:$0x18780] =	vst v63  }
0x12e: {  	v3 =	vld [tilespmem:$0x760];
	_ =	sdelay $0x4  }
0x12f: {  	v62 =	vshll.u32 v3, $0x1  }
0x130: {  	v3 =	vand.u32 $0x7, v3;
	v4 =	vand.u32 $0xFFFFFFF0, v62  }
0x131: {  	v3 =	vor.u32 v3, v4  }
0x132: {  	v4 =	vperm.xlane v3, v0;
	_ =	sdelay $0x1  }
0x133: {  	v3 =	vperm.xlane v3, v2;
	v4 =	vadd.s32 v1, v4;
	_ =	sdelay $0x1  }
0x134: {  	v3 =	vadd.s32 v1, v3;
	_ =	sdelay $0x1  }
0x135: {  	s7 =	simm.s32 $0x16780  }
0x136: {  	[tilespmem:s7], [sflag:$0x6] =	stream.indirect_vreg.gather [hbm4b:s3+s2], $0x80, v4, vm0, $0xb8;
	[tilespmem:$0x18780] =	vst v63  }
0x137: {  	s8 =	simm.s32 $0x16F80  }
0x138: {  	[tilespmem:s8], [sflag:$0x6] =	stream.indirect_vreg.gather [hbm4b:s3+s2], $0x80, v3, vm0, $0xb8;
	[tilespmem:$0x18780] =	vst v63  }
0x139: {  	v3 =	vld [tilespmem:$0x770];
	_ =	sdelay $0x4  }
0x13a: {  	v63 =	vshll.u32 v3, $0x1  }
0x13b: {  	v3 =	vand.u32 $0x7, v3;
	v4 =	vand.u32 $0xFFFFFFF0, v63  }
0x13c: {  	v3 =	vor.u32 v3, v4  }
0x13d: {  	v4 =	vperm.xlane v3, v0;
	_ =	sdelay $0x1  }
0x13e: {  	v3 =	vperm.xlane v3, v2;
	v4 =	vadd.s32 v1, v4;
	_ =	sdelay $0x1  }
0x13f: {  	v3 =	vadd.s32 v1, v3;
	_ =	sdelay $0x1  }
0x140: {  	s7 =	simm.s32 $0x17780  }
0x141: {  	[tilespmem:s7], [sflag:$0x6] =	stream.indirect_vreg.gather [hbm4b:s3+s2], $0x80, v4, vm0, $0xb8;
	[tilespmem:$0x18780] =	vst v63  }
0x142: {  	s8 =	simm.s32 $0x17F80  }
0x143: {  	[tilespmem:s8], [sflag:$0x6] =	stream.indirect_vreg.gather [hbm4b:s3+s2], $0x80, v3, vm0, $0xb8;
	[tilespmem:$0x18780] =	vst v63  }
0x144: {  	_ =	swait.ge [sflag:s16], $0x4000  }
0x145: {  	[sflag:s16] =	ssyncset.done $0x0  }
0x146: {  	[sflag:s16] =	ssyncadd.s32 $0xFFFFC000  }
0x147: {  	[hbm4b:s10+s2] =	stream.linear.scatter [tilespmem:s30], [sflag:$0xA], $0x4000, $0x38;
	[tilespmem:$0x18780] =	vst v63  }
0x148: {  	_ =	swait.ge [sflag:s21], $0x4000  }
0x149: {  	[sflag:s21] =	ssyncset.done $0x0  }
0x14a: {  	[sflag:s21] =	ssyncadd.s32 $0xFFFFC000  }
0x14b: {  	[hbm4b:s12+s2] =	stream.linear.scatter [tilespmem:s23], [sflag:$0xB], $0x4000, $0x38;
	[tilespmem:$0x18780] =	vst v63  }
0x14c: {  	_ =	swait.ge [sflag:s24], $0x4000  }
0x14d: {  	[sflag:s24] =	ssyncset.done $0x0  }
0x14e: {  	[sflag:s24] =	ssyncadd.s32 $0xFFFFC000  }
0x14f: {  	[hbm4b:s13+s2] =	stream.linear.scatter [tilespmem:s20], [sflag:$0xC], $0x4000, $0x38;
	[tilespmem:$0x18780] =	vst v63  }
0x150: {  	_ =	swait.ge [sflag:s25], $0x4000  }
0x151: {  	[sflag:s25] =	ssyncset.done $0x0  }
0x152: {  	[sflag:s25] =	ssyncadd.s32 $0xFFFFC000  }
0x153: {  	_ =	swait.ge [sflag:s26], $0x4000  }
0x154: {  	[sflag:s26] =	ssyncset.done $0x0  }
0x155: {  	[sflag:s26] =	ssyncadd.s32 $0xFFFFC000  }
0x156: {  	_ =	swait.ge [sflag:s31], $0x4000  }
0x157: {  	[sflag:s31] =	ssyncset.done $0x0  }
0x158: {  	[sflag:s31] =	ssyncadd.s32 $0xFFFFC000  }
0x159: {  	_ =	swait.ge [sflag:s1], $0x4000  }
0x15a: {  	[sflag:s1] =	ssyncset.done $0x0  }
0x15b: {  	s5 =	sadd.s32 $0x1, s5;
	[sflag:s1] =	ssyncadd.s32 $0xFFFFC000  }
0x15c: {  	p0 =	sne.s32 s5, s14;
	_ =	swait.ge [sflag:s0], $0x4000  }
.Ltmp1:
0x15d: {  	[sflag:s0] =	ssyncset.done $0x0;
	(pc) =	sbr.rel @p0 .LBB2_1-.Ltmp1, $4  }
0x15e: {  	[sflag:s0] =	ssyncadd.s32 $0xFFFFC000  }
0x15f: {  	_ =	swait.ge [sflag:s4], $0x4000  }
0x160: {  	[sflag:s4] =	ssyncset.done $0x0  }
0x161: {  	[sflag:s4] =	ssyncadd.s32 $0xFFFFC000  }
0x162: {  	_ =	sfence.sel $0x180000  }
0x163: {  	[bflag:$0x0] =	sbarrier.arrive $0xFFFF  }
0x164: {  	_ =	strace $0x90000047  }
0x165: {  	s0 =	stileid.u32;
	[bflag:$0x2] =	sbarrier.arrive $0xFFFF  }
0x166: {  	p0 =	sne.s32 s0, $0x0;
	s0 =	rddreg [dreg:$0x2]  }
0x167: {  	s0 =	sadd.s32 @!p0 $0x100000, s0  }
0x168: {  	[sflag:s0] =	ssyncadd.tile.s32 @!p0 $0x1;
	_ =	shalt  }
.Lfunc_end2:
_tile_overlayer_lowered:
.L_overlay_start_2:
0x169: {  	(tag) =	ssettag $0x2  }
0x16a: {  	s0 =	rddreg [dreg:$0x0];
	s2 =	stileid.u32  }
0x16b: {  	s1 =	rddreg [dreg:$0x1];
	p0 =	sne.s32 s2, $0x0  }
0x16c: {  	s3 =	rddreg [dreg:$0x2];
	[bflag:$0x3] =	sbarrier.arrive $0xFFFF;
	s2 =	simm.s32 @!p0 $0x1C0D  }
0x16d: {  	[timem:s3], [sflag:s2] =	dma.local @!p0 [hbm:s0], s1  }
0x16e: {  	s0 =	simm.s32 @!p0 $0xD  }
0x16f: {  	_ =	swait.ge @!p0 [sflag:s0], s1  }
0x170: {  	s1 =	ssub.s32 @!p0 $0x0, s1;
	[sflag:s0] =	ssyncset.done @!p0 $0x0  }
0x171: {  	[sflag:s0] =	ssyncadd.s32 @!p0 s1  }
0x172: {  	[bflag:$0x3] =	sbarrier.arrive $0xFFFF  }
0x173: {  	_ =	shalt  }

</sc_bundles>
